<compile_context>
chip_gen: v7x
topology: tpu7x:2x2x1
jax: 0.10.2.dev20260603
libtpu: 0.0.44.dev20260713+nightly
codegen_flags: <defaults>
</compile_context>

<pallas_src>
import functools

import jax
import jax.numpy as jnp
from jax import lax
from jax.experimental import pallas as pl
from jax.experimental.pallas import tpu as pltpu
from jax.experimental.pallas import tpu_sc as plsc

_N = 10000
_E = 320000
_D = 128

_NC = 2
_NS = 16
_NW = _NC * _NS
_EPW_DEG = _E // _NW
_CH = 80
_EPW = _E // _NW
_NCH = _EPW // _CH
_NACC = _N
_NSLOT = 4
_GD = 3
_SD = 1
assert _SD <= _NSLOT - _GD and _EPW % _CH == 0 and _CH % 8 == 0
_RPN = 624
_RPN_LAST = _N - 15 * _RPN


_MESH = plsc.VectorSubcoreMesh(
    core_axis_name="c", subcore_axis_name="s", num_cores=_NC, num_subcores=_NS
)


@functools.partial(
    pl.kernel,
    out_type=jax.ShapeDtypeStruct((_NW, _N), jnp.float32),
    mesh=_MESH,
    scratch_types=[
        pltpu.VMEM((_EPW_DEG,), jnp.int32),
        pltpu.VMEM((_N,), jnp.float32),
    ],
    compiler_params=pltpu.CompilerParams(needs_layout_passes=False),
)
def _deg_kernel(dst_hbm, out_hbm, idx_v, deg_v):
    c = lax.axis_index("c")
    s = lax.axis_index("s")
    wid = s * _NC + c

    def zero_body(i, carry):
        deg_v[pl.ds(i * 16, 16)] = jnp.zeros((16,), jnp.float32)
        return carry

    lax.fori_loop(0, _N // 16, zero_body, 0)

    pltpu.sync_copy(dst_hbm.at[pl.ds(wid * _EPW_DEG, _EPW_DEG)], idx_v)
    ones = jnp.ones((16,), jnp.float32)

    def body(i, carry):
        idx16 = idx_v[pl.ds(i * 16, 16)]
        plsc.addupdate_scatter(deg_v, [idx16], ones)
        return carry

    lax.fori_loop(0, _EPW_DEG // 16, body, 0)
    pltpu.sync_copy(deg_v, out_hbm.at[wid])


@functools.partial(
    pl.kernel,
    out_type=jax.ShapeDtypeStruct((_NC, _N, _D), jnp.float32),
    mesh=_MESH,
    scratch_types=[
        [pltpu.VMEM((_CH,), jnp.int32)] * _NSLOT,
        [pltpu.VMEM((_CH,), jnp.int32)] * _NSLOT,
        [pltpu.VMEM((_CH, _D), jnp.float32)] * _NSLOT,
        pltpu.VMEM_SHARED((_NACC, _D), jnp.float32),
        [pltpu.SemaphoreType.DMA] * _NSLOT,
        [pltpu.SemaphoreType.DMA] * _NSLOT,
        [pltpu.SemaphoreType.DMA] * _NSLOT,
        [pltpu.SemaphoreType.DMA] * _NSLOT,
    ],
    compiler_params=pltpu.CompilerParams(needs_layout_passes=False),
)
def _agg_kernel(y_hbm, src_hbm, dst_hbm, zeros_hbm, out_hbm,
                isv, idv, bufs, acc_sp, sem_is, sem_id, sem_g, sem_s):
    c = lax.axis_index("c")
    s = lax.axis_index("s")
    wid = s * _NC + c
    ebase = wid * _EPW

    def fetch(hbm, j, dst, sem):
        eoff = pl.multiple_of(ebase + j * _CH, 8)
        pltpu.async_copy(hbm.at[pl.ds(eoff, _CH)], dst, sem)

    def drain(src, dst, sem):
        pltpu.make_async_copy(src, dst, sem).wait()

    for k in range(_NSLOT):
        fetch(src_hbm, k, isv[k], sem_is[k])
        fetch(dst_hbm, k, idv[k], sem_id[k])
    for k in range(_GD):
        drain(src_hbm.at[pl.ds(0, _CH)], isv[k], sem_is[k])
        pltpu.async_copy(y_hbm.at[isv[k]], bufs[k], sem_g[k])

    off = pl.multiple_of(s * _RPN, 8)

    def _init_from(src):
        @pl.when(s < _NS - 1)
        def _():
            pltpu.sync_copy(src.at[pl.ds(off, _RPN)],
                            acc_sp.at[pl.ds(off, _RPN)])

        @pl.when(s == _NS - 1)
        def _():
            pltpu.sync_copy(src.at[pl.ds(15 * _RPN, _RPN_LAST)],
                            acc_sp.at[pl.ds(15 * _RPN, _RPN_LAST)])

    @pl.when(c == 0)
    def _():
        _init_from(y_hbm)

    @pl.when(c == 1)
    def _():
        _init_from(zeros_hbm)

    plsc.subcore_barrier()

    def step(t, sl):
        slD = (sl - _SD) % _NSLOT
        slG = (sl + _GD) % _NSLOT

        @pl.when(t >= _SD)
        def _():
            drain(bufs[slD], acc_sp.at[idv[slD]], sem_s[slD])

        @pl.when(jnp.logical_and(t >= _SD, t - _SD + _NSLOT < _NCH))
        def _():
            fetch(dst_hbm, t - _SD + _NSLOT, idv[slD], sem_id[slD])

        @pl.when(t + _GD < _NCH)
        def _():
            drain(src_hbm.at[pl.ds(0, _CH)], isv[slG], sem_is[slG])
            pltpu.async_copy(y_hbm.at[isv[slG]], bufs[slG], sem_g[slG])

        drain(y_hbm.at[isv[sl]], bufs[sl], sem_g[sl])
        drain(dst_hbm.at[pl.ds(0, _CH)], idv[sl], sem_id[sl])
        pltpu.async_copy(bufs[sl], acc_sp.at[idv[sl]], sem_s[sl], add=True)

        @pl.when(t + _NSLOT < _NCH)
        def _():
            fetch(src_hbm, t + _NSLOT, isv[sl], sem_is[sl])

    def round_body(q, carry):
        t = _NSLOT * q
        for k in range(_NSLOT):
            step(t + k, k)
        return carry

    lax.fori_loop(0, _NCH // _NSLOT, round_body, 0)
    for r in range(_NCH % _NSLOT):
        step((_NCH // _NSLOT) * _NSLOT + r, r)

    for j in range(_NCH - _SD, _NCH):
        sl = j % _NSLOT
        drain(bufs[sl], acc_sp.at[idv[sl]], sem_s[sl])

    plsc.subcore_barrier()

    @pl.when(s < _NS - 1)
    def _():
        pltpu.sync_copy(acc_sp.at[pl.ds(off, _RPN)],
                        out_hbm.at[c, pl.ds(off, _RPN)])

    @pl.when(s == _NS - 1)
    def _():
        pltpu.sync_copy(acc_sp.at[pl.ds(15 * _RPN, _RPN_LAST)],
                        out_hbm.at[c, pl.ds(15 * _RPN, _RPN_LAST)])


_BR = 400
_GRID = _N // _BR


def _dinv_from_parts(deg_ref):
    deg = jnp.sum(deg_ref[...], axis=0) + 1.0
    return lax.rsqrt(deg)[:, None]


def _tc1_body(deg_ref, x_ref, w_ref, y_ref):
    xw = jnp.dot(x_ref[...], w_ref[...], preferred_element_type=jnp.float32)
    y_ref[...] = xw * _dinv_from_parts(deg_ref)


def _tc2_body(deg_ref, a_ref, b1_ref, w2_ref, y2_ref):
    dinv = _dinv_from_parts(deg_ref)
    h = jnp.maximum((a_ref[0] + a_ref[1]) * dinv + b1_ref[...], 0.0)
    y2_ref[...] = jnp.dot(h, w2_ref[...], preferred_element_type=jnp.float32) * dinv


def _tc3_body(deg_ref, a_ref, b2_ref, o_ref):
    o_ref[...] = (a_ref[0] + a_ref[1]) * _dinv_from_parts(deg_ref) + b2_ref[...]


_f32 = jnp.float32
_tc1 = pl.pallas_call(_tc1_body, out_shape=jax.ShapeDtypeStruct((_N, _D), _f32))
_tc2 = pl.pallas_call(_tc2_body, out_shape=jax.ShapeDtypeStruct((_N, _D), _f32))
_tc3 = pl.pallas_call(_tc3_body, out_shape=jax.ShapeDtypeStruct((_N, _D), _f32))


def kernel(x, adj, W1, b1, W2, b2):
    src = adj[0].astype(jnp.int32)
    dst = adj[1].astype(jnp.int32)
    srcp, dstp = src, dst
    zeros = jnp.zeros((_N, _D), _f32)

    deg = _deg_kernel(dst)
    y1 = _tc1(deg, x, W1)
    a1 = _agg_kernel(y1, srcp, dstp, zeros)
    y2 = _tc2(deg, a1, b1, W2)
    a2 = _agg_kernel(y2, srcp, dstp, zeros)
    out = _tc3(deg, a2, b2)
    return out

# --- scband reference (transcript-rebuilt; emitter-appended) ---
"""Pipeline reference for scband-graph-encoder-28587302322919 (READ-ONLY COPY).

The authoritative reference and input builder live on the scoring server;
editing this copy changes nothing except your own understanding.
"""

import jax, jax.numpy as jnp
import numpy as np

NUM_NODES = 10000
NUM_EDGES = 320000
D_IN = 128
D_HID = 128
D_OUT = 128


def gcn_conv(x, edge_index, W, b, num_nodes):
    # GCNConv: out = D^{-1/2} (A + I) D^{-1/2} X W + b
    src = edge_index[0]
    dst = edge_index[1]
    loop = jnp.arange(num_nodes, dtype=edge_index.dtype)
    src = jnp.concatenate([src, loop])
    dst = jnp.concatenate([dst, loop])
    deg = jnp.zeros((num_nodes,), dtype=x.dtype).at[dst].add(1.0)
    dinv = jnp.where(deg > 0, jax.lax.rsqrt(deg), 0.0)
    norm = dinv[src] * dinv[dst]
    xw = x @ W
    msg = jnp.take(xw, src, axis=0) * norm[:, None]
    out = jax.ops.segment_sum(msg, dst, num_segments=num_nodes)
    return out + b


def setup_inputs(seed: int = 0) -> dict:
    key = jax.random.key(seed)
    k_x, k_e, k_w1, k_w2 = jax.random.split(key, 4)
    x = jax.random.normal(k_x, (NUM_NODES, D_IN), dtype=jnp.float32)
    adj = jax.random.randint(k_e, (2, NUM_EDGES), 0, NUM_NODES, dtype=jnp.int64)
    # glorot-style init for GCN weights
    s1 = (6.0 / (D_IN + D_HID)) ** 0.5
    W1 = jax.random.uniform(k_w1, (D_IN, D_HID), dtype=jnp.float32, minval=-s1, maxval=s1)
    b1 = jnp.zeros((D_HID,), dtype=jnp.float32)
    s2 = (6.0 / (D_HID + D_OUT)) ** 0.5
    W2 = jax.random.uniform(k_w2, (D_HID, D_OUT), dtype=jnp.float32, minval=-s2, maxval=s2)
    b2 = jnp.zeros((D_OUT,), dtype=jnp.float32)
    return {"x": x, "adj": adj, "W1": W1, "b1": b1, "W2": W2, "b2": b2}


def reference(x, adj, W1, b1, W2, b2):
    # eval mode: F.dropout is identity when training=False
    h = gcn_conv(x, adj, W1, b1, NUM_NODES)
    h = jax.nn.relu(h)
    out = gcn_conv(h, adj, W2, b2, NUM_NODES)
    return out

if __name__ == "__main__":
    import jax
    _d = setup_inputs()
    print(jax.jit(kernel)(*tuple(_d.values())))

</pallas_src>

<mosaic_0001>
#map = affine_map<(d0, d1) -> (0, 0)>
#map1 = affine_map<(d0, d1) -> (0)>
#map2 = affine_map<(d0, d1) -> (0, 0, 0)>
module attributes {stable_mosaic.version = 14 : i64} {
  func.func @_agg_kernel(%arg0: i32, %arg1: i32, %arg2: memref<10000x128xf32, #tpu.memory_space<hbm>>, %arg3: memref<320000xi32, #tpu.memory_space<hbm>>, %arg4: memref<320000xi32, #tpu.memory_space<hbm>>, %arg5: memref<10000x128xf32, #tpu.memory_space<hbm>>, %arg6: memref<2x10000x128xf32, #tpu.memory_space<hbm>>, %arg7: memref<80xi32, #tpu.memory_space<vmem>>, %arg8: memref<80xi32, #tpu.memory_space<vmem>>, %arg9: memref<80xi32, #tpu.memory_space<vmem>>, %arg10: memref<80xi32, #tpu.memory_space<vmem>>, %arg11: memref<80xi32, #tpu.memory_space<vmem>>, %arg12: memref<80xi32, #tpu.memory_space<vmem>>, %arg13: memref<80xi32, #tpu.memory_space<vmem>>, %arg14: memref<80xi32, #tpu.memory_space<vmem>>, %arg15: memref<80x128xf32, #tpu.memory_space<vmem>>, %arg16: memref<80x128xf32, #tpu.memory_space<vmem>>, %arg17: memref<80x128xf32, #tpu.memory_space<vmem>>, %arg18: memref<80x128xf32, #tpu.memory_space<vmem>>, %arg19: memref<10000x128xf32, #tpu.memory_space<vmem_shared>>, %arg20: memref<!tpu.dma_semaphore, #tpu.memory_space<semaphore_mem>>, %arg21: memref<!tpu.dma_semaphore, #tpu.memory_space<semaphore_mem>>, %arg22: memref<!tpu.dma_semaphore, #tpu.memory_space<semaphore_mem>>, %arg23: memref<!tpu.dma_semaphore, #tpu.memory_space<semaphore_mem>>, %arg24: memref<!tpu.dma_semaphore, #tpu.memory_space<semaphore_mem>>, %arg25: memref<!tpu.dma_semaphore, #tpu.memory_space<semaphore_mem>>, %arg26: memref<!tpu.dma_semaphore, #tpu.memory_space<semaphore_mem>>, %arg27: memref<!tpu.dma_semaphore, #tpu.memory_space<semaphore_mem>>, %arg28: memref<!tpu.dma_semaphore, #tpu.memory_space<semaphore_mem>>, %arg29: memref<!tpu.dma_semaphore, #tpu.memory_space<semaphore_mem>>, %arg30: memref<!tpu.dma_semaphore, #tpu.memory_space<semaphore_mem>>, %arg31: memref<!tpu.dma_semaphore, #tpu.memory_space<semaphore_mem>>, %arg32: memref<!tpu.dma_semaphore, #tpu.memory_space<semaphore_mem>>, %arg33: memref<!tpu.dma_semaphore, #tpu.memory_space<semaphore_mem>>, %arg34: memref<!tpu.dma_semaphore, #tpu.memory_space<semaphore_mem>>, %arg35: memref<!tpu.dma_semaphore, #tpu.memory_space<semaphore_mem>>) attributes {dimension_semantics = [#tpu.dimension_semantics<core_parallel>, #tpu.dimension_semantics<subcore_parallel>], iteration_bounds = array<i64: 2, 16>, scalar_prefetch = 0 : i64, scratch_operands = 29 : i64, tpu.core_type = #tpu.core_type<sc_vector_subcore>, window_params = [{transform_indices = #map}, {transform_indices = #map1}, {transform_indices = #map1}, {transform_indices = #map}, {transform_indices = #map2}]} {
    %mul3A = arith.constant 2 : i32
    %mul3A_0 = arith.muli %arg1, %mul3A : i32
    %add3A = arith.addi %mul3A_0, %arg0 : i32
    %mul3A_1 = arith.constant 10000 : i32
    %mul3A_2 = arith.muli %add3A, %mul3A_1 : i32
    %add3A_3 = arith.constant 0 : i32
    %add3A_4 = arith.addi %mul3A_2, %add3A_3 : i32
    %multiple_of3A = tpu.assume_multiple %add3A_4, 8 : i32
    %dma_start3A = tpu.memref_slice %arg3[%multiple_of3A] : memref<320000xi32, #tpu.memory_space<hbm>> -> memref<80xi32, #tpu.memory_space<hbm>>
    %dma_start3A_5 = tpu.memref_slice %arg3[%multiple_of3A] : memref<320000xi32, #tpu.memory_space<hbm>> -> memref<80xi32, #tpu.memory_space<hbm>>
    tpu.enqueue_dma source(%dma_start3A_5 : memref<80xi32, #tpu.memory_space<hbm>>) target(%arg7 : memref<80xi32, #tpu.memory_space<vmem>>) target_semaphore(%arg20 : memref<!tpu.dma_semaphore, #tpu.memory_space<semaphore_mem>>)
    %add3A_6 = arith.constant 0 : i32
    %add3A_7 = arith.addi %mul3A_2, %add3A_6 : i32
    %multiple_of3A_8 = tpu.assume_multiple %add3A_7, 8 : i32
    %dma_start3A_9 = tpu.memref_slice %arg4[%multiple_of3A_8] : memref<320000xi32, #tpu.memory_space<hbm>> -> memref<80xi32, #tpu.memory_space<hbm>>
    %dma_start3A_10 = tpu.memref_slice %arg4[%multiple_of3A_8] : memref<320000xi32, #tpu.memory_space<hbm>> -> memref<80xi32, #tpu.memory_space<hbm>>
    tpu.enqueue_dma source(%dma_start3A_10 : memref<80xi32, #tpu.memory_space<hbm>>) target(%arg11 : memref<80xi32, #tpu.memory_space<vmem>>) target_semaphore(%arg24 : memref<!tpu.dma_semaphore, #tpu.memory_space<semaphore_mem>>)
    %add3A_11 = arith.constant 80 : i32
    %add3A_12 = arith.addi %mul3A_2, %add3A_11 : i32
    %multiple_of3A_13 = tpu.assume_multiple %add3A_12, 8 : i32
    %dma_start3A_14 = tpu.memref_slice %arg3[%multiple_of3A_13] : memref<320000xi32, #tpu.memory_space<hbm>> -> memref<80xi32, #tpu.memory_space<hbm>>
    %dma_start3A_15 = tpu.memref_slice %arg3[%multiple_of3A_13] : memref<320000xi32, #tpu.memory_space<hbm>> -> memref<80xi32, #tpu.memory_space<hbm>>
    tpu.enqueue_dma source(%dma_start3A_15 : memref<80xi32, #tpu.memory_space<hbm>>) target(%arg8 : memref<80xi32, #tpu.memory_space<vmem>>) target_semaphore(%arg21 : memref<!tpu.dma_semaphore, #tpu.memory_space<semaphore_mem>>)
    %add3A_16 = arith.constant 80 : i32
    %add3A_17 = arith.addi %mul3A_2, %add3A_16 : i32
    %multiple_of3A_18 = tpu.assume_multiple %add3A_17, 8 : i32
    %dma_start3A_19 = tpu.memref_slice %arg4[%multiple_of3A_18] : memref<320000xi32, #tpu.memory_space<hbm>> -> memref<80xi32, #tpu.memory_space<hbm>>
    %dma_start3A_20 = tpu.memref_slice %arg4[%multiple_of3A_18] : memref<320000xi32, #tpu.memory_space<hbm>> -> memref<80xi32, #tpu.memory_space<hbm>>
    tpu.enqueue_dma source(%dma_start3A_20 : memref<80xi32, #tpu.memory_space<hbm>>) target(%arg12 : memref<80xi32, #tpu.memory_space<vmem>>) target_semaphore(%arg25 : memref<!tpu.dma_semaphore, #tpu.memory_space<semaphore_mem>>)
    %add3A_21 = arith.constant 160 : i32
    %add3A_22 = arith.addi %mul3A_2, %add3A_21 : i32
    %multiple_of3A_23 = tpu.assume_multiple %add3A_22, 8 : i32
    %dma_start3A_24 = tpu.memref_slice %arg3[%multiple_of3A_23] : memref<320000xi32, #tpu.memory_space<hbm>> -> memref<80xi32, #tpu.memory_space<hbm>>
    %dma_start3A_25 = tpu.memref_slice %arg3[%multiple_of3A_23] : memref<320000xi32, #tpu.memory_space<hbm>> -> memref<80xi32, #tpu.memory_space<hbm>>
    tpu.enqueue_dma source(%dma_start3A_25 : memref<80xi32, #tpu.memory_space<hbm>>) target(%arg9 : memref<80xi32, #tpu.memory_space<vmem>>) target_semaphore(%arg22 : memref<!tpu.dma_semaphore, #tpu.memory_space<semaphore_mem>>)
    %add3A_26 = arith.constant 160 : i32
    %add3A_27 = arith.addi %mul3A_2, %add3A_26 : i32
    %multiple_of3A_28 = tpu.assume_multiple %add3A_27, 8 : i32
    %dma_start3A_29 = tpu.memref_slice %arg4[%multiple_of3A_28] : memref<320000xi32, #tpu.memory_space<hbm>> -> memref<80xi32, #tpu.memory_space<hbm>>
    %dma_start3A_30 = tpu.memref_slice %arg4[%multiple_of3A_28] : memref<320000xi32, #tpu.memory_space<hbm>> -> memref<80xi32, #tpu.memory_space<hbm>>
    tpu.enqueue_dma source(%dma_start3A_30 : memref<80xi32, #tpu.memory_space<hbm>>) target(%arg13 : memref<80xi32, #tpu.memory_space<vmem>>) target_semaphore(%arg26 : memref<!tpu.dma_semaphore, #tpu.memory_space<semaphore_mem>>)
    %add3A_31 = arith.constant 240 : i32
    %add3A_32 = arith.addi %mul3A_2, %add3A_31 : i32
    %multiple_of3A_33 = tpu.assume_multiple %add3A_32, 8 : i32
    %dma_start3A_34 = tpu.memref_slice %arg3[%multiple_of3A_33] : memref<320000xi32, #tpu.memory_space<hbm>> -> memref<80xi32, #tpu.memory_space<hbm>>
    %dma_start3A_35 = tpu.memref_slice %arg3[%multiple_of3A_33] : memref<320000xi32, #tpu.memory_space<hbm>> -> memref<80xi32, #tpu.memory_space<hbm>>
    tpu.enqueue_dma source(%dma_start3A_35 : memref<80xi32, #tpu.memory_space<hbm>>) target(%arg10 : memref<80xi32, #tpu.memory_space<vmem>>) target_semaphore(%arg23 : memref<!tpu.dma_semaphore, #tpu.memory_space<semaphore_mem>>)
    %add3A_36 = arith.constant 240 : i32
    %add3A_37 = arith.addi %mul3A_2, %add3A_36 : i32
    %multiple_of3A_38 = tpu.assume_multiple %add3A_37, 8 : i32
    %dma_start3A_39 = tpu.memref_slice %arg4[%multiple_of3A_38] : memref<320000xi32, #tpu.memory_space<hbm>> -> memref<80xi32, #tpu.memory_space<hbm>>
    %dma_start3A_40 = tpu.memref_slice %arg4[%multiple_of3A_38] : memref<320000xi32, #tpu.memory_space<hbm>> -> memref<80xi32, #tpu.memory_space<hbm>>
    tpu.enqueue_dma source(%dma_start3A_40 : memref<80xi32, #tpu.memory_space<hbm>>) target(%arg14 : memref<80xi32, #tpu.memory_space<vmem>>) target_semaphore(%arg27 : memref<!tpu.dma_semaphore, #tpu.memory_space<semaphore_mem>>)
    %dma_wait3A = arith.constant 0 : i32
    %dma_wait3A_41 = tpu.memref_slice %arg3[%dma_wait3A] : memref<320000xi32, #tpu.memory_space<hbm>> -> memref<80xi32, #tpu.memory_space<hbm>>
    %dma_wait3A_42 = arith.constant 0 : i32
    %dma_wait3A_43 = tpu.memref_slice %arg3[%dma_wait3A_42] : memref<320000xi32, #tpu.memory_space<hbm>> -> memref<80xi32, #tpu.memory_space<hbm>>
    tpu.wait_dma2 semaphore(%arg20 : memref<!tpu.dma_semaphore, #tpu.memory_space<semaphore_mem>>) src(%dma_wait3A_43 : memref<80xi32, #tpu.memory_space<hbm>>) dst(%arg7 : memref<80xi32, #tpu.memory_space<vmem>>)
    %dma_start3A_44 = arith.constant 0 : i32
    %dma_start3A_45 = arith.constant 0 : i32
    %dma_start3A_46 = tpu.memref_slice %arg2[%dma_start3A_44, %dma_start3A_45] : memref<10000x128xf32, #tpu.memory_space<hbm>> -> memref<10000x128xf32, #tpu.memory_space<hbm>>
    tpu.enqueue_indirect_dma source(%dma_start3A_46 : memref<10000x128xf32, #tpu.memory_space<hbm>>) target(%arg15 : memref<80x128xf32, #tpu.memory_space<vmem>>) offsets(%arg7 : memref<80xi32, #tpu.memory_space<vmem>>) semaphore(%arg28 : memref<!tpu.dma_semaphore, #tpu.memory_space<semaphore_mem>>)
    %dma_wait3A_47 = arith.constant 0 : i32
    %dma_wait3A_48 = tpu.memref_slice %arg3[%dma_wait3A_47] : memref<320000xi32, #tpu.memory_space<hbm>> -> memref<80xi32, #tpu.memory_space<hbm>>
    %dma_wait3A_49 = arith.constant 0 : i32
    %dma_wait3A_50 = tpu.memref_slice %arg3[%dma_wait3A_49] : memref<320000xi32, #tpu.memory_space<hbm>> -> memref<80xi32, #tpu.memory_space<hbm>>
    tpu.wait_dma2 semaphore(%arg21 : memref<!tpu.dma_semaphore, #tpu.memory_space<semaphore_mem>>) src(%dma_wait3A_50 : memref<80xi32, #tpu.memory_space<hbm>>) dst(%arg8 : memref<80xi32, #tpu.memory_space<vmem>>)
    %dma_start3A_51 = arith.constant 0 : i32
    %dma_start3A_52 = arith.constant 0 : i32
    %dma_start3A_53 = tpu.memref_slice %arg2[%dma_start3A_51, %dma_start3A_52] : memref<10000x128xf32, #tpu.memory_space<hbm>> -> memref<10000x128xf32, #tpu.memory_space<hbm>>
    tpu.enqueue_indirect_dma source(%dma_start3A_53 : memref<10000x128xf32, #tpu.memory_space<hbm>>) target(%arg16 : memref<80x128xf32, #tpu.memory_space<vmem>>) offsets(%arg8 : memref<80xi32, #tpu.memory_space<vmem>>) semaphore(%arg29 : memref<!tpu.dma_semaphore, #tpu.memory_space<semaphore_mem>>)
    %dma_wait3A_54 = arith.constant 0 : i32
    %dma_wait3A_55 = tpu.memref_slice %arg3[%dma_wait3A_54] : memref<320000xi32, #tpu.memory_space<hbm>> -> memref<80xi32, #tpu.memory_space<hbm>>
    %dma_wait3A_56 = arith.constant 0 : i32
    %dma_wait3A_57 = tpu.memref_slice %arg3[%dma_wait3A_56] : memref<320000xi32, #tpu.memory_space<hbm>> -> memref<80xi32, #tpu.memory_space<hbm>>
    tpu.wait_dma2 semaphore(%arg22 : memref<!tpu.dma_semaphore, #tpu.memory_space<semaphore_mem>>) src(%dma_wait3A_57 : memref<80xi32, #tpu.memory_space<hbm>>) dst(%arg9 : memref<80xi32, #tpu.memory_space<vmem>>)
    %dma_start3A_58 = arith.constant 0 : i32
    %dma_start3A_59 = arith.constant 0 : i32
    %dma_start3A_60 = tpu.memref_slice %arg2[%dma_start3A_58, %dma_start3A_59] : memref<10000x128xf32, #tpu.memory_space<hbm>> -> memref<10000x128xf32, #tpu.memory_space<hbm>>
    tpu.enqueue_indirect_dma source(%dma_start3A_60 : memref<10000x128xf32, #tpu.memory_space<hbm>>) target(%arg17 : memref<80x128xf32, #tpu.memory_space<vmem>>) offsets(%arg9 : memref<80xi32, #tpu.memory_space<vmem>>) semaphore(%arg30 : memref<!tpu.dma_semaphore, #tpu.memory_space<semaphore_mem>>)
    %mul3A_61 = arith.constant 624 : i32
    %mul3A_62 = arith.muli %arg1, %mul3A_61 : i32
    %multiple_of3A_63 = tpu.assume_multiple %mul3A_62, 8 : i32
    %eq3A = arith.constant 0 : i32
    %eq3A_64 = arith.cmpi eq, %arg0, %eq3A : i32
    %convert_element_type3A = arith.extui %eq3A_64 : i1 to i32
    %cond3A = arith.constant 0 : i32
    %cond3A_65 = arith.cmpi ne, %convert_element_type3A, %cond3A : i32
    scf.if %cond3A_65 {
      %lt3A_107 = arith.constant 15 : i32
      %lt3A_108 = arith.cmpi slt, %arg1, %lt3A_107 : i32
      %convert_element_type3A_109 = arith.extui %lt3A_108 : i1 to i32
      %cond3A_110 = arith.constant 0 : i32
      %cond3A_111 = arith.cmpi ne, %convert_element_type3A_109, %cond3A_110 : i32
      scf.if %cond3A_111 {
        "tpu.region"() ({
          %run_scoped3A = tpu.sem_alloc : memref<!tpu.dma_semaphore, #tpu.memory_space<semaphore_mem>>
          %dma_start3A_117 = arith.constant 0 : i32
          %dma_start3A_118 = tpu.memref_slice %arg19[%multiple_of3A_63, %dma_start3A_117] : memref<10000x128xf32, #tpu.memory_space<vmem_shared>> -> memref<624x128xf32, #tpu.memory_space<vmem_shared>>
          %dma_start3A_119 = arith.constant 0 : i32
          %dma_start3A_120 = tpu.memref_slice %arg2[%multiple_of3A_63, %dma_start3A_119] : memref<10000x128xf32, #tpu.memory_space<hbm>> -> memref<624x128xf32, #tpu.memory_space<hbm>>
          tpu.enqueue_dma source(%dma_start3A_120 : memref<624x128xf32, #tpu.memory_space<hbm>>) target(%dma_start3A_118 : memref<624x128xf32, #tpu.memory_space<vmem_shared>>) target_semaphore(%run_scoped3A : memref<!tpu.dma_semaphore, #tpu.memory_space<semaphore_mem>>)
          %dma_wait3A_121 = arith.constant 0 : i32
          %dma_wait3A_122 = tpu.memref_slice %arg19[%multiple_of3A_63, %dma_wait3A_121] : memref<10000x128xf32, #tpu.memory_space<vmem_shared>> -> memref<624x128xf32, #tpu.memory_space<vmem_shared>>
          %dma_wait3A_123 = arith.constant 0 : i32
          %dma_wait3A_124 = tpu.memref_slice %arg2[%multiple_of3A_63, %dma_wait3A_123] : memref<10000x128xf32, #tpu.memory_space<hbm>> -> memref<624x128xf32, #tpu.memory_space<hbm>>
          tpu.wait_dma2 semaphore(%run_scoped3A : memref<!tpu.dma_semaphore, #tpu.memory_space<semaphore_mem>>) src(%dma_wait3A_124 : memref<624x128xf32, #tpu.memory_space<hbm>>) dst(%dma_wait3A_122 : memref<624x128xf32, #tpu.memory_space<vmem_shared>>)
          tpu.yield
        }) : () -> ()
      } else {
      }
      %eq3A_112 = arith.constant 15 : i32
      %eq3A_113 = arith.cmpi eq, %arg1, %eq3A_112 : i32
      %convert_element_type3A_114 = arith.extui %eq3A_113 : i1 to i32
      %cond3A_115 = arith.constant 0 : i32
      %cond3A_116 = arith.cmpi ne, %convert_element_type3A_114, %cond3A_115 : i32
      scf.if %cond3A_116 {
        "tpu.region"() ({
          %run_scoped3A = tpu.sem_alloc : memref<!tpu.dma_semaphore, #tpu.memory_space<semaphore_mem>>
          %dma_start3A_117 = arith.constant 9360 : i32
          %dma_start3A_118 = arith.constant 0 : i32
          %dma_start3A_119 = tpu.memref_slice %arg19[%dma_start3A_117, %dma_start3A_118] : memref<10000x128xf32, #tpu.memory_space<vmem_shared>> -> memref<640x128xf32, #tpu.memory_space<vmem_shared>>
          %dma_start3A_120 = arith.constant 9360 : i32
          %dma_start3A_121 = arith.constant 0 : i32
          %dma_start3A_122 = tpu.memref_slice %arg2[%dma_start3A_120, %dma_start3A_121] : memref<10000x128xf32, #tpu.memory_space<hbm>> -> memref<640x128xf32, #tpu.memory_space<hbm>>
          tpu.enqueue_dma source(%dma_start3A_122 : memref<640x128xf32, #tpu.memory_space<hbm>>) target(%dma_start3A_119 : memref<640x128xf32, #tpu.memory_space<vmem_shared>>) target_semaphore(%run_scoped3A : memref<!tpu.dma_semaphore, #tpu.memory_space<semaphore_mem>>)
          %dma_wait3A_123 = arith.constant 9360 : i32
          %dma_wait3A_124 = arith.constant 0 : i32
          %dma_wait3A_125 = tpu.memref_slice %arg19[%dma_wait3A_123, %dma_wait3A_124] : memref<10000x128xf32, #tpu.memory_space<vmem_shared>> -> memref<640x128xf32, #tpu.memory_space<vmem_shared>>
          %dma_wait3A_126 = arith.constant 9360 : i32
          %dma_wait3A_127 = arith.constant 0 : i32
          %dma_wait3A_128 = tpu.memref_slice %arg2[%dma_wait3A_126, %dma_wait3A_127] : memref<10000x128xf32, #tpu.memory_space<hbm>> -> memref<640x128xf32, #tpu.memory_space<hbm>>
          tpu.wait_dma2 semaphore(%run_scoped3A : memref<!tpu.dma_semaphore, #tpu.memory_space<semaphore_mem>>) src(%dma_wait3A_128 : memref<640x128xf32, #tpu.memory_space<hbm>>) dst(%dma_wait3A_125 : memref<640x128xf32, #tpu.memory_space<vmem_shared>>)
          tpu.yield
        }) : () -> ()
      } else {
      }
    } else {
    }
    %eq3A_66 = arith.constant 1 : i32
    %eq3A_67 = arith.cmpi eq, %arg0, %eq3A_66 : i32
    %convert_element_type3A_68 = arith.extui %eq3A_67 : i1 to i32
    %cond3A_69 = arith.constant 0 : i32
    %cond3A_70 = arith.cmpi ne, %convert_element_type3A_68, %cond3A_69 : i32
    scf.if %cond3A_70 {
      %lt3A_107 = arith.constant 15 : i32
      %lt3A_108 = arith.cmpi slt, %arg1, %lt3A_107 : i32
      %convert_element_type3A_109 = arith.extui %lt3A_108 : i1 to i32
      %cond3A_110 = arith.constant 0 : i32
      %cond3A_111 = arith.cmpi ne, %convert_element_type3A_109, %cond3A_110 : i32
      scf.if %cond3A_111 {
        "tpu.region"() ({
          %run_scoped3A = tpu.sem_alloc : memref<!tpu.dma_semaphore, #tpu.memory_space<semaphore_mem>>
          %dma_start3A_117 = arith.constant 0 : i32
          %dma_start3A_118 = tpu.memref_slice %arg19[%multiple_of3A_63, %dma_start3A_117] : memref<10000x128xf32, #tpu.memory_space<vmem_shared>> -> memref<624x128xf32, #tpu.memory_space<vmem_shared>>
          %dma_start3A_119 = arith.constant 0 : i32
          %dma_start3A_120 = tpu.memref_slice %arg5[%multiple_of3A_63, %dma_start3A_119] : memref<10000x128xf32, #tpu.memory_space<hbm>> -> memref<624x128xf32, #tpu.memory_space<hbm>>
          tpu.enqueue_dma source(%dma_start3A_120 : memref<624x128xf32, #tpu.memory_space<hbm>>) target(%dma_start3A_118 : memref<624x128xf32, #tpu.memory_space<vmem_shared>>) target_semaphore(%run_scoped3A : memref<!tpu.dma_semaphore, #tpu.memory_space<semaphore_mem>>)
          %dma_wait3A_121 = arith.constant 0 : i32
          %dma_wait3A_122 = tpu.memref_slice %arg19[%multiple_of3A_63, %dma_wait3A_121] : memref<10000x128xf32, #tpu.memory_space<vmem_shared>> -> memref<624x128xf32, #tpu.memory_space<vmem_shared>>
          %dma_wait3A_123 = arith.constant 0 : i32
          %dma_wait3A_124 = tpu.memref_slice %arg5[%multiple_of3A_63, %dma_wait3A_123] : memref<10000x128xf32, #tpu.memory_space<hbm>> -> memref<624x128xf32, #tpu.memory_space<hbm>>
          tpu.wait_dma2 semaphore(%run_scoped3A : memref<!tpu.dma_semaphore, #tpu.memory_space<semaphore_mem>>) src(%dma_wait3A_124 : memref<624x128xf32, #tpu.memory_space<hbm>>) dst(%dma_wait3A_122 : memref<624x128xf32, #tpu.memory_space<vmem_shared>>)
          tpu.yield
        }) : () -> ()
      } else {
      }
      %eq3A_112 = arith.constant 15 : i32
      %eq3A_113 = arith.cmpi eq, %arg1, %eq3A_112 : i32
      %convert_element_type3A_114 = arith.extui %eq3A_113 : i1 to i32
      %cond3A_115 = arith.constant 0 : i32
      %cond3A_116 = arith.cmpi ne, %convert_element_type3A_114, %cond3A_115 : i32
      scf.if %cond3A_116 {
        "tpu.region"() ({
          %run_scoped3A = tpu.sem_alloc : memref<!tpu.dma_semaphore, #tpu.memory_space<semaphore_mem>>
          %dma_start3A_117 = arith.constant 9360 : i32
          %dma_start3A_118 = arith.constant 0 : i32
          %dma_start3A_119 = tpu.memref_slice %arg19[%dma_start3A_117, %dma_start3A_118] : memref<10000x128xf32, #tpu.memory_space<vmem_shared>> -> memref<640x128xf32, #tpu.memory_space<vmem_shared>>
          %dma_start3A_120 = arith.constant 9360 : i32
          %dma_start3A_121 = arith.constant 0 : i32
          %dma_start3A_122 = tpu.memref_slice %arg5[%dma_start3A_120, %dma_start3A_121] : memref<10000x128xf32, #tpu.memory_space<hbm>> -> memref<640x128xf32, #tpu.memory_space<hbm>>
          tpu.enqueue_dma source(%dma_start3A_122 : memref<640x128xf32, #tpu.memory_space<hbm>>) target(%dma_start3A_119 : memref<640x128xf32, #tpu.memory_space<vmem_shared>>) target_semaphore(%run_scoped3A : memref<!tpu.dma_semaphore, #tpu.memory_space<semaphore_mem>>)
          %dma_wait3A_123 = arith.constant 9360 : i32
          %dma_wait3A_124 = arith.constant 0 : i32
          %dma_wait3A_125 = tpu.memref_slice %arg19[%dma_wait3A_123, %dma_wait3A_124] : memref<10000x128xf32, #tpu.memory_space<vmem_shared>> -> memref<640x128xf32, #tpu.memory_space<vmem_shared>>
          %dma_wait3A_126 = arith.constant 9360 : i32
          %dma_wait3A_127 = arith.constant 0 : i32
          %dma_wait3A_128 = tpu.memref_slice %arg5[%dma_wait3A_126, %dma_wait3A_127] : memref<10000x128xf32, #tpu.memory_space<hbm>> -> memref<640x128xf32, #tpu.memory_space<hbm>>
          tpu.wait_dma2 semaphore(%run_scoped3A : memref<!tpu.dma_semaphore, #tpu.memory_space<semaphore_mem>>) src(%dma_wait3A_128 : memref<640x128xf32, #tpu.memory_space<hbm>>) dst(%dma_wait3A_125 : memref<640x128xf32, #tpu.memory_space<vmem_shared>>)
          tpu.yield
        }) : () -> ()
      } else {
      }
    } else {
    }
    %barrier3A = arith.constant 0 : index
    tpu.barrier barrier_id(%barrier3A)
    %scan3A = arith.constant 0 : i32
    %scan3A_71 = arith.constant 0 : i32
    %scan3A_72 = arith.constant 31 : i32
    %scan3A_73 = arith.addi %scan3A_71, %scan3A_72 : i32
    %scan3A_74 = arith.constant 1 : i32
    scf.for %scan3A_107 = %scan3A_71 to %scan3A_73 step %scan3A_74  : i32 {
      %mul3A_108 = arith.constant 4 : i32
      %mul3A_109 = arith.muli %mul3A_108, %scan3A_107 : i32
      %add3A_110 = arith.constant 0 : i32
      %add3A_111 = arith.addi %mul3A_109, %add3A_110 : i32
      %ge3A = arith.constant 1 : i32
      %ge3A_112 = arith.cmpi sge, %add3A_111, %ge3A : i32
      %convert_element_type3A_113 = arith.extui %ge3A_112 : i1 to i32
      %cond3A_114 = arith.constant 0 : i32
      %cond3A_115 = arith.cmpi ne, %convert_element_type3A_113, %cond3A_114 : i32
      scf.if %cond3A_115 {
        %dma_wait3A_280 = arith.constant 0 : i32
        %dma_wait3A_281 = arith.constant 0 : i32
        %dma_wait3A_282 = tpu.memref_slice %arg19[%dma_wait3A_280, %dma_wait3A_281] : memref<10000x128xf32, #tpu.memory_space<vmem_shared>> -> memref<10000x128xf32, #tpu.memory_space<vmem_shared>>
        tpu.wait_indirect_dma semaphore(%arg35 : memref<!tpu.dma_semaphore, #tpu.memory_space<semaphore_mem>>) src(%arg18 : memref<80x128xf32, #tpu.memory_space<vmem>>) dst(%dma_wait3A_282 : memref<10000x128xf32, #tpu.memory_space<vmem_shared>>)
      } else {
      }
      %ge3A_116 = arith.constant 1 : i32
      %ge3A_117 = arith.cmpi sge, %add3A_111, %ge3A_116 : i32
      %sub3A = arith.constant 1 : i32
      %sub3A_118 = arith.subi %add3A_111, %sub3A : i32
      %add3A_119 = arith.constant 4 : i32
      %add3A_120 = arith.addi %sub3A_118, %add3A_119 : i32
      %lt3A_121 = arith.constant 125 : i32
      %lt3A_122 = arith.cmpi slt, %add3A_120, %lt3A_121 : i32
      %and3A_123 = arith.andi %ge3A_117, %lt3A_122 : i1
      %convert_element_type3A_124 = arith.extui %and3A_123 : i1 to i32
      %cond3A_125 = arith.constant 0 : i32
      %cond3A_126 = arith.cmpi ne, %convert_element_type3A_124, %cond3A_125 : i32
      scf.if %cond3A_126 {
        %sub3A_280 = arith.constant 1 : i32
        %sub3A_281 = arith.subi %add3A_111, %sub3A_280 : i32
        %add3A_282 = arith.constant 4 : i32
        %add3A_283 = arith.addi %sub3A_281, %add3A_282 : i32
        %mul3A_284 = arith.constant 80 : i32
        %mul3A_285 = arith.muli %add3A_283, %mul3A_284 : i32
        %add3A_286 = arith.addi %mul3A_2, %mul3A_285 : i32
        %multiple_of3A_287 = tpu.assume_multiple %add3A_286, 8 : i32
        %dma_start3A_288 = tpu.memref_slice %arg4[%multiple_of3A_287] : memref<320000xi32, #tpu.memory_space<hbm>> -> memref<80xi32, #tpu.memory_space<hbm>>
        %dma_start3A_289 = tpu.memref_slice %arg4[%multiple_of3A_287] : memref<320000xi32, #tpu.memory_space<hbm>> -> memref<80xi32, #tpu.memory_space<hbm>>
        tpu.enqueue_dma source(%dma_start3A_289 : memref<80xi32, #tpu.memory_space<hbm>>) target(%arg14 : memref<80xi32, #tpu.memory_space<vmem>>) target_semaphore(%arg27 : memref<!tpu.dma_semaphore, #tpu.memory_space<semaphore_mem>>)
      } else {
      }
      %add3A_127 = arith.constant 3 : i32
      %add3A_128 = arith.addi %add3A_111, %add3A_127 : i32
      %lt3A_129 = arith.constant 125 : i32
      %lt3A_130 = arith.cmpi slt, %add3A_128, %lt3A_129 : i32
      %convert_element_type3A_131 = arith.extui %lt3A_130 : i1 to i32
      %cond3A_132 = arith.constant 0 : i32
      %cond3A_133 = arith.cmpi ne, %convert_element_type3A_131, %cond3A_132 : i32
      scf.if %cond3A_133 {
        %dma_wait3A_280 = arith.constant 0 : i32
        %dma_wait3A_281 = tpu.memref_slice %arg3[%dma_wait3A_280] : memref<320000xi32, #tpu.memory_space<hbm>> -> memref<80xi32, #tpu.memory_space<hbm>>
        %dma_wait3A_282 = arith.constant 0 : i32
        %dma_wait3A_283 = tpu.memref_slice %arg3[%dma_wait3A_282] : memref<320000xi32, #tpu.memory_space<hbm>> -> memref<80xi32, #tpu.memory_space<hbm>>
        tpu.wait_dma2 semaphore(%arg23 : memref<!tpu.dma_semaphore, #tpu.memory_space<semaphore_mem>>) src(%dma_wait3A_283 : memref<80xi32, #tpu.memory_space<hbm>>) dst(%arg10 : memref<80xi32, #tpu.memory_space<vmem>>)
        %dma_start3A_284 = arith.constant 0 : i32
        %dma_start3A_285 = arith.constant 0 : i32
        %dma_start3A_286 = tpu.memref_slice %arg2[%dma_start3A_284, %dma_start3A_285] : memref<10000x128xf32, #tpu.memory_space<hbm>> -> memref<10000x128xf32, #tpu.memory_space<hbm>>
        tpu.enqueue_indirect_dma source(%dma_start3A_286 : memref<10000x128xf32, #tpu.memory_space<hbm>>) target(%arg18 : memref<80x128xf32, #tpu.memory_space<vmem>>) offsets(%arg10 : memref<80xi32, #tpu.memory_space<vmem>>) semaphore(%arg31 : memref<!tpu.dma_semaphore, #tpu.memory_space<semaphore_mem>>)
      } else {
      }
      %dma_wait3A_134 = arith.constant 0 : i32
      %dma_wait3A_135 = arith.constant 0 : i32
      %dma_wait3A_136 = tpu.memref_slice %arg2[%dma_wait3A_134, %dma_wait3A_135] : memref<10000x128xf32, #tpu.memory_space<hbm>> -> memref<10000x128xf32, #tpu.memory_space<hbm>>
      tpu.wait_indirect_dma semaphore(%arg28 : memref<!tpu.dma_semaphore, #tpu.memory_space<semaphore_mem>>) src(%dma_wait3A_136 : memref<10000x128xf32, #tpu.memory_space<hbm>>) dst(%arg15 : memref<80x128xf32, #tpu.memory_space<vmem>>)
      %dma_wait3A_137 = arith.constant 0 : i32
      %dma_wait3A_138 = tpu.memref_slice %arg4[%dma_wait3A_137] : memref<320000xi32, #tpu.memory_space<hbm>> -> memref<80xi32, #tpu.memory_space<hbm>>
      %dma_wait3A_139 = arith.constant 0 : i32
      %dma_wait3A_140 = tpu.memref_slice %arg4[%dma_wait3A_139] : memref<320000xi32, #tpu.memory_space<hbm>> -> memref<80xi32, #tpu.memory_space<hbm>>
      tpu.wait_dma2 semaphore(%arg24 : memref<!tpu.dma_semaphore, #tpu.memory_space<semaphore_mem>>) src(%dma_wait3A_140 : memref<80xi32, #tpu.memory_space<hbm>>) dst(%arg11 : memref<80xi32, #tpu.memory_space<vmem>>)
      %dma_start3A_141 = arith.constant 0 : i32
      %dma_start3A_142 = arith.constant 0 : i32
      %dma_start3A_143 = tpu.memref_slice %arg19[%dma_start3A_141, %dma_start3A_142] : memref<10000x128xf32, #tpu.memory_space<vmem_shared>> -> memref<10000x128xf32, #tpu.memory_space<vmem_shared>>
      tpu.enqueue_indirect_dma source(%arg15 : memref<80x128xf32, #tpu.memory_space<vmem>>) target(%dma_start3A_143 : memref<10000x128xf32, #tpu.memory_space<vmem_shared>>) offsets(%arg11 : memref<80xi32, #tpu.memory_space<vmem>>) semaphore(%arg32 : memref<!tpu.dma_semaphore, #tpu.memory_space<semaphore_mem>>) {add = true}
      %add3A_144 = arith.constant 4 : i32
      %add3A_145 = arith.addi %add3A_111, %add3A_144 : i32
      %lt3A_146 = arith.constant 125 : i32
      %lt3A_147 = arith.cmpi slt, %add3A_145, %lt3A_146 : i32
      %convert_element_type3A_148 = arith.extui %lt3A_147 : i1 to i32
      %cond3A_149 = arith.constant 0 : i32
      %cond3A_150 = arith.cmpi ne, %convert_element_type3A_148, %cond3A_149 : i32
      scf.if %cond3A_150 {
        %add3A_280 = arith.constant 4 : i32
        %add3A_281 = arith.addi %add3A_111, %add3A_280 : i32
        %mul3A_282 = arith.constant 80 : i32
        %mul3A_283 = arith.muli %add3A_281, %mul3A_282 : i32
        %add3A_284 = arith.addi %mul3A_2, %mul3A_283 : i32
        %multiple_of3A_285 = tpu.assume_multiple %add3A_284, 8 : i32
        %dma_start3A_286 = tpu.memref_slice %arg3[%multiple_of3A_285] : memref<320000xi32, #tpu.memory_space<hbm>> -> memref<80xi32, #tpu.memory_space<hbm>>
        %dma_start3A_287 = tpu.memref_slice %arg3[%multiple_of3A_285] : memref<320000xi32, #tpu.memory_space<hbm>> -> memref<80xi32, #tpu.memory_space<hbm>>
        tpu.enqueue_dma source(%dma_start3A_287 : memref<80xi32, #tpu.memory_space<hbm>>) target(%arg7 : memref<80xi32, #tpu.memory_space<vmem>>) target_semaphore(%arg20 : memref<!tpu.dma_semaphore, #tpu.memory_space<semaphore_mem>>)
      } else {
      }
      %add3A_151 = arith.constant 1 : i32
      %add3A_152 = arith.addi %mul3A_109, %add3A_151 : i32
      %ge3A_153 = arith.constant 1 : i32
      %ge3A_154 = arith.cmpi sge, %add3A_152, %ge3A_153 : i32
      %convert_element_type3A_155 = arith.extui %ge3A_154 : i1 to i32
      %cond3A_156 = arith.constant 0 : i32
      %cond3A_157 = arith.cmpi ne, %convert_element_type3A_155, %cond3A_156 : i32
      scf.if %cond3A_157 {
        %dma_wait3A_280 = arith.constant 0 : i32
        %dma_wait3A_281 = arith.constant 0 : i32
        %dma_wait3A_282 = tpu.memref_slice %arg19[%dma_wait3A_280, %dma_wait3A_281] : memref<10000x128xf32, #tpu.memory_space<vmem_shared>> -> memref<10000x128xf32, #tpu.memory_space<vmem_shared>>
        tpu.wait_indirect_dma semaphore(%arg32 : memref<!tpu.dma_semaphore, #tpu.memory_space<semaphore_mem>>) src(%arg15 : memref<80x128xf32, #tpu.memory_space<vmem>>) dst(%dma_wait3A_282 : memref<10000x128xf32, #tpu.memory_space<vmem_shared>>)
      } else {
      }
      %ge3A_158 = arith.constant 1 : i32
      %ge3A_159 = arith.cmpi sge, %add3A_152, %ge3A_158 : i32
      %sub3A_160 = arith.constant 1 : i32
      %sub3A_161 = arith.subi %add3A_152, %sub3A_160 : i32
      %add3A_162 = arith.constant 4 : i32
      %add3A_163 = arith.addi %sub3A_161, %add3A_162 : i32
      %lt3A_164 = arith.constant 125 : i32
      %lt3A_165 = arith.cmpi slt, %add3A_163, %lt3A_164 : i32
      %and3A_166 = arith.andi %ge3A_159, %lt3A_165 : i1
      %convert_element_type3A_167 = arith.extui %and3A_166 : i1 to i32
      %cond3A_168 = arith.constant 0 : i32
      %cond3A_169 = arith.cmpi ne, %convert_element_type3A_167, %cond3A_168 : i32
      scf.if %cond3A_169 {
        %sub3A_280 = arith.constant 1 : i32
        %sub3A_281 = arith.subi %add3A_152, %sub3A_280 : i32
        %add3A_282 = arith.constant 4 : i32
        %add3A_283 = arith.addi %sub3A_281, %add3A_282 : i32
        %mul3A_284 = arith.constant 80 : i32
        %mul3A_285 = arith.muli %add3A_283, %mul3A_284 : i32
        %add3A_286 = arith.addi %mul3A_2, %mul3A_285 : i32
        %multiple_of3A_287 = tpu.assume_multiple %add3A_286, 8 : i32
        %dma_start3A_288 = tpu.memref_slice %arg4[%multiple_of3A_287] : memref<320000xi32, #tpu.memory_space<hbm>> -> memref<80xi32, #tpu.memory_space<hbm>>
        %dma_start3A_289 = tpu.memref_slice %arg4[%multiple_of3A_287] : memref<320000xi32, #tpu.memory_space<hbm>> -> memref<80xi32, #tpu.memory_space<hbm>>
        tpu.enqueue_dma source(%dma_start3A_289 : memref<80xi32, #tpu.memory_space<hbm>>) target(%arg11 : memref<80xi32, #tpu.memory_space<vmem>>) target_semaphore(%arg24 : memref<!tpu.dma_semaphore, #tpu.memory_space<semaphore_mem>>)
      } else {
      }
      %add3A_170 = arith.constant 3 : i32
      %add3A_171 = arith.addi %add3A_152, %add3A_170 : i32
      %lt3A_172 = arith.constant 125 : i32
      %lt3A_173 = arith.cmpi slt, %add3A_171, %lt3A_172 : i32
      %convert_element_type3A_174 = arith.extui %lt3A_173 : i1 to i32
      %cond3A_175 = arith.constant 0 : i32
      %cond3A_176 = arith.cmpi ne, %convert_element_type3A_174, %cond3A_175 : i32
      scf.if %cond3A_176 {
        %dma_wait3A_280 = arith.constant 0 : i32
        %dma_wait3A_281 = tpu.memref_slice %arg3[%dma_wait3A_280] : memref<320000xi32, #tpu.memory_space<hbm>> -> memref<80xi32, #tpu.memory_space<hbm>>
        %dma_wait3A_282 = arith.constant 0 : i32
        %dma_wait3A_283 = tpu.memref_slice %arg3[%dma_wait3A_282] : memref<320000xi32, #tpu.memory_space<hbm>> -> memref<80xi32, #tpu.memory_space<hbm>>
        tpu.wait_dma2 semaphore(%arg20 : memref<!tpu.dma_semaphore, #tpu.memory_space<semaphore_mem>>) src(%dma_wait3A_283 : memref<80xi32, #tpu.memory_space<hbm>>) dst(%arg7 : memref<80xi32, #tpu.memory_space<vmem>>)
        %dma_start3A_284 = arith.constant 0 : i32
        %dma_start3A_285 = arith.constant 0 : i32
        %dma_start3A_286 = tpu.memref_slice %arg2[%dma_start3A_284, %dma_start3A_285] : memref<10000x128xf32, #tpu.memory_space<hbm>> -> memref<10000x128xf32, #tpu.memory_space<hbm>>
        tpu.enqueue_indirect_dma source(%dma_start3A_286 : memref<10000x128xf32, #tpu.memory_space<hbm>>) target(%arg15 : memref<80x128xf32, #tpu.memory_space<vmem>>) offsets(%arg7 : memref<80xi32, #tpu.memory_space<vmem>>) semaphore(%arg28 : memref<!tpu.dma_semaphore, #tpu.memory_space<semaphore_mem>>)
      } else {
      }
      %dma_wait3A_177 = arith.constant 0 : i32
      %dma_wait3A_178 = arith.constant 0 : i32
      %dma_wait3A_179 = tpu.memref_slice %arg2[%dma_wait3A_177, %dma_wait3A_178] : memref<10000x128xf32, #tpu.memory_space<hbm>> -> memref<10000x128xf32, #tpu.memory_space<hbm>>
      tpu.wait_indirect_dma semaphore(%arg29 : memref<!tpu.dma_semaphore, #tpu.memory_space<semaphore_mem>>) src(%dma_wait3A_179 : memref<10000x128xf32, #tpu.memory_space<hbm>>) dst(%arg16 : memref<80x128xf32, #tpu.memory_space<vmem>>)
      %dma_wait3A_180 = arith.constant 0 : i32
      %dma_wait3A_181 = tpu.memref_slice %arg4[%dma_wait3A_180] : memref<320000xi32, #tpu.memory_space<hbm>> -> memref<80xi32, #tpu.memory_space<hbm>>
      %dma_wait3A_182 = arith.constant 0 : i32
      %dma_wait3A_183 = tpu.memref_slice %arg4[%dma_wait3A_182] : memref<320000xi32, #tpu.memory_space<hbm>> -> memref<80xi32, #tpu.memory_space<hbm>>
      tpu.wait_dma2 semaphore(%arg25 : memref<!tpu.dma_semaphore, #tpu.memory_space<semaphore_mem>>) src(%dma_wait3A_183 : memref<80xi32, #tpu.memory_space<hbm>>) dst(%arg12 : memref<80xi32, #tpu.memory_space<vmem>>)
      %dma_start3A_184 = arith.constant 0 : i32
      %dma_start3A_185 = arith.constant 0 : i32
      %dma_start3A_186 = tpu.memref_slice %arg19[%dma_start3A_184, %dma_start3A_185] : memref<10000x128xf32, #tpu.memory_space<vmem_shared>> -> memref<10000x128xf32, #tpu.memory_space<vmem_shared>>
      tpu.enqueue_indirect_dma source(%arg16 : memref<80x128xf32, #tpu.memory_space<vmem>>) target(%dma_start3A_186 : memref<10000x128xf32, #tpu.memory_space<vmem_shared>>) offsets(%arg12 : memref<80xi32, #tpu.memory_space<vmem>>) semaphore(%arg33 : memref<!tpu.dma_semaphore, #tpu.memory_space<semaphore_mem>>) {add = true}
      %add3A_187 = arith.constant 4 : i32
      %add3A_188 = arith.addi %add3A_152, %add3A_187 : i32
      %lt3A_189 = arith.constant 125 : i32
      %lt3A_190 = arith.cmpi slt, %add3A_188, %lt3A_189 : i32
      %convert_element_type3A_191 = arith.extui %lt3A_190 : i1 to i32
      %cond3A_192 = arith.constant 0 : i32
      %cond3A_193 = arith.cmpi ne, %convert_element_type3A_191, %cond3A_192 : i32
      scf.if %cond3A_193 {
        %add3A_280 = arith.constant 4 : i32
        %add3A_281 = arith.addi %add3A_152, %add3A_280 : i32
        %mul3A_282 = arith.constant 80 : i32
        %mul3A_283 = arith.muli %add3A_281, %mul3A_282 : i32
        %add3A_284 = arith.addi %mul3A_2, %mul3A_283 : i32
        %multiple_of3A_285 = tpu.assume_multiple %add3A_284, 8 : i32
        %dma_start3A_286 = tpu.memref_slice %arg3[%multiple_of3A_285] : memref<320000xi32, #tpu.memory_space<hbm>> -> memref<80xi32, #tpu.memory_space<hbm>>
        %dma_start3A_287 = tpu.memref_slice %arg3[%multiple_of3A_285] : memref<320000xi32, #tpu.memory_space<hbm>> -> memref<80xi32, #tpu.memory_space<hbm>>
        tpu.enqueue_dma source(%dma_start3A_287 : memref<80xi32, #tpu.memory_space<hbm>>) target(%arg8 : memref<80xi32, #tpu.memory_space<vmem>>) target_semaphore(%arg21 : memref<!tpu.dma_semaphore, #tpu.memory_space<semaphore_mem>>)
      } else {
      }
      %add3A_194 = arith.constant 2 : i32
      %add3A_195 = arith.addi %mul3A_109, %add3A_194 : i32
      %ge3A_196 = arith.constant 1 : i32
      %ge3A_197 = arith.cmpi sge, %add3A_195, %ge3A_196 : i32
      %convert_element_type3A_198 = arith.extui %ge3A_197 : i1 to i32
      %cond3A_199 = arith.constant 0 : i32
      %cond3A_200 = arith.cmpi ne, %convert_element_type3A_198, %cond3A_199 : i32
      scf.if %cond3A_200 {
        %dma_wait3A_280 = arith.constant 0 : i32
        %dma_wait3A_281 = arith.constant 0 : i32
        %dma_wait3A_282 = tpu.memref_slice %arg19[%dma_wait3A_280, %dma_wait3A_281] : memref<10000x128xf32, #tpu.memory_space<vmem_shared>> -> memref<10000x128xf32, #tpu.memory_space<vmem_shared>>
        tpu.wait_indirect_dma semaphore(%arg33 : memref<!tpu.dma_semaphore, #tpu.memory_space<semaphore_mem>>) src(%arg16 : memref<80x128xf32, #tpu.memory_space<vmem>>) dst(%dma_wait3A_282 : memref<10000x128xf32, #tpu.memory_space<vmem_shared>>)
      } else {
      }
      %ge3A_201 = arith.constant 1 : i32
      %ge3A_202 = arith.cmpi sge, %add3A_195, %ge3A_201 : i32
      %sub3A_203 = arith.constant 1 : i32
      %sub3A_204 = arith.subi %add3A_195, %sub3A_203 : i32
      %add3A_205 = arith.constant 4 : i32
      %add3A_206 = arith.addi %sub3A_204, %add3A_205 : i32
      %lt3A_207 = arith.constant 125 : i32
      %lt3A_208 = arith.cmpi slt, %add3A_206, %lt3A_207 : i32
      %and3A_209 = arith.andi %ge3A_202, %lt3A_208 : i1
      %convert_element_type3A_210 = arith.extui %and3A_209 : i1 to i32
      %cond3A_211 = arith.constant 0 : i32
      %cond3A_212 = arith.cmpi ne, %convert_element_type3A_210, %cond3A_211 : i32
      scf.if %cond3A_212 {
        %sub3A_280 = arith.constant 1 : i32
        %sub3A_281 = arith.subi %add3A_195, %sub3A_280 : i32
        %add3A_282 = arith.constant 4 : i32
        %add3A_283 = arith.addi %sub3A_281, %add3A_282 : i32
        %mul3A_284 = arith.constant 80 : i32
        %mul3A_285 = arith.muli %add3A_283, %mul3A_284 : i32
        %add3A_286 = arith.addi %mul3A_2, %mul3A_285 : i32
        %multiple_of3A_287 = tpu.assume_multiple %add3A_286, 8 : i32
        %dma_start3A_288 = tpu.memref_slice %arg4[%multiple_of3A_287] : memref<320000xi32, #tpu.memory_space<hbm>> -> memref<80xi32, #tpu.memory_space<hbm>>
        %dma_start3A_289 = tpu.memref_slice %arg4[%multiple_of3A_287] : memref<320000xi32, #tpu.memory_space<hbm>> -> memref<80xi32, #tpu.memory_space<hbm>>
        tpu.enqueue_dma source(%dma_start3A_289 : memref<80xi32, #tpu.memory_space<hbm>>) target(%arg12 : memref<80xi32, #tpu.memory_space<vmem>>) target_semaphore(%arg25 : memref<!tpu.dma_semaphore, #tpu.memory_space<semaphore_mem>>)
      } else {
      }
      %add3A_213 = arith.constant 3 : i32
      %add3A_214 = arith.addi %add3A_195, %add3A_213 : i32
      %lt3A_215 = arith.constant 125 : i32
      %lt3A_216 = arith.cmpi slt, %add3A_214, %lt3A_215 : i32
      %convert_element_type3A_217 = arith.extui %lt3A_216 : i1 to i32
      %cond3A_218 = arith.constant 0 : i32
      %cond3A_219 = arith.cmpi ne, %convert_element_type3A_217, %cond3A_218 : i32
      scf.if %cond3A_219 {
        %dma_wait3A_280 = arith.constant 0 : i32
        %dma_wait3A_281 = tpu.memref_slice %arg3[%dma_wait3A_280] : memref<320000xi32, #tpu.memory_space<hbm>> -> memref<80xi32, #tpu.memory_space<hbm>>
        %dma_wait3A_282 = arith.constant 0 : i32
        %dma_wait3A_283 = tpu.memref_slice %arg3[%dma_wait3A_282] : memref<320000xi32, #tpu.memory_space<hbm>> -> memref<80xi32, #tpu.memory_space<hbm>>
        tpu.wait_dma2 semaphore(%arg21 : memref<!tpu.dma_semaphore, #tpu.memory_space<semaphore_mem>>) src(%dma_wait3A_283 : memref<80xi32, #tpu.memory_space<hbm>>) dst(%arg8 : memref<80xi32, #tpu.memory_space<vmem>>)
        %dma_start3A_284 = arith.constant 0 : i32
        %dma_start3A_285 = arith.constant 0 : i32
        %dma_start3A_286 = tpu.memref_slice %arg2[%dma_start3A_284, %dma_start3A_285] : memref<10000x128xf32, #tpu.memory_space<hbm>> -> memref<10000x128xf32, #tpu.memory_space<hbm>>
        tpu.enqueue_indirect_dma source(%dma_start3A_286 : memref<10000x128xf32, #tpu.memory_space<hbm>>) target(%arg16 : memref<80x128xf32, #tpu.memory_space<vmem>>) offsets(%arg8 : memref<80xi32, #tpu.memory_space<vmem>>) semaphore(%arg29 : memref<!tpu.dma_semaphore, #tpu.memory_space<semaphore_mem>>)
      } else {
      }
      %dma_wait3A_220 = arith.constant 0 : i32
      %dma_wait3A_221 = arith.constant 0 : i32
      %dma_wait3A_222 = tpu.memref_slice %arg2[%dma_wait3A_220, %dma_wait3A_221] : memref<10000x128xf32, #tpu.memory_space<hbm>> -> memref<10000x128xf32, #tpu.memory_space<hbm>>
      tpu.wait_indirect_dma semaphore(%arg30 : memref<!tpu.dma_semaphore, #tpu.memory_space<semaphore_mem>>) src(%dma_wait3A_222 : memref<10000x128xf32, #tpu.memory_space<hbm>>) dst(%arg17 : memref<80x128xf32, #tpu.memory_space<vmem>>)
      %dma_wait3A_223 = arith.constant 0 : i32
      %dma_wait3A_224 = tpu.memref_slice %arg4[%dma_wait3A_223] : memref<320000xi32, #tpu.memory_space<hbm>> -> memref<80xi32, #tpu.memory_space<hbm>>
      %dma_wait3A_225 = arith.constant 0 : i32
      %dma_wait3A_226 = tpu.memref_slice %arg4[%dma_wait3A_225] : memref<320000xi32, #tpu.memory_space<hbm>> -> memref<80xi32, #tpu.memory_space<hbm>>
      tpu.wait_dma2 semaphore(%arg26 : memref<!tpu.dma_semaphore, #tpu.memory_space<semaphore_mem>>) src(%dma_wait3A_226 : memref<80xi32, #tpu.memory_space<hbm>>) dst(%arg13 : memref<80xi32, #tpu.memory_space<vmem>>)
      %dma_start3A_227 = arith.constant 0 : i32
      %dma_start3A_228 = arith.constant 0 : i32
      %dma_start3A_229 = tpu.memref_slice %arg19[%dma_start3A_227, %dma_start3A_228] : memref<10000x128xf32, #tpu.memory_space<vmem_shared>> -> memref<10000x128xf32, #tpu.memory_space<vmem_shared>>
      tpu.enqueue_indirect_dma source(%arg17 : memref<80x128xf32, #tpu.memory_space<vmem>>) target(%dma_start3A_229 : memref<10000x128xf32, #tpu.memory_space<vmem_shared>>) offsets(%arg13 : memref<80xi32, #tpu.memory_space<vmem>>) semaphore(%arg34 : memref<!tpu.dma_semaphore, #tpu.memory_space<semaphore_mem>>) {add = true}
      %add3A_230 = arith.constant 4 : i32
      %add3A_231 = arith.addi %add3A_195, %add3A_230 : i32
      %lt3A_232 = arith.constant 125 : i32
      %lt3A_233 = arith.cmpi slt, %add3A_231, %lt3A_232 : i32
      %convert_element_type3A_234 = arith.extui %lt3A_233 : i1 to i32
      %cond3A_235 = arith.constant 0 : i32
      %cond3A_236 = arith.cmpi ne, %convert_element_type3A_234, %cond3A_235 : i32
      scf.if %cond3A_236 {
        %add3A_280 = arith.constant 4 : i32
        %add3A_281 = arith.addi %add3A_195, %add3A_280 : i32
        %mul3A_282 = arith.constant 80 : i32
        %mul3A_283 = arith.muli %add3A_281, %mul3A_282 : i32
        %add3A_284 = arith.addi %mul3A_2, %mul3A_283 : i32
        %multiple_of3A_285 = tpu.assume_multiple %add3A_284, 8 : i32
        %dma_start3A_286 = tpu.memref_slice %arg3[%multiple_of3A_285] : memref<320000xi32, #tpu.memory_space<hbm>> -> memref<80xi32, #tpu.memory_space<hbm>>
        %dma_start3A_287 = tpu.memref_slice %arg3[%multiple_of3A_285] : memref<320000xi32, #tpu.memory_space<hbm>> -> memref<80xi32, #tpu.memory_space<hbm>>
        tpu.enqueue_dma source(%dma_start3A_287 : memref<80xi32, #tpu.memory_space<hbm>>) target(%arg9 : memref<80xi32, #tpu.memory_space<vmem>>) target_semaphore(%arg22 : memref<!tpu.dma_semaphore, #tpu.memory_space<semaphore_mem>>)
      } else {
      }
      %add3A_237 = arith.constant 3 : i32
      %add3A_238 = arith.addi %mul3A_109, %add3A_237 : i32
      %ge3A_239 = arith.constant 1 : i32
      %ge3A_240 = arith.cmpi sge, %add3A_238, %ge3A_239 : i32
      %convert_element_type3A_241 = arith.extui %ge3A_240 : i1 to i32
      %cond3A_242 = arith.constant 0 : i32
      %cond3A_243 = arith.cmpi ne, %convert_element_type3A_241, %cond3A_242 : i32
      scf.if %cond3A_243 {
        %dma_wait3A_280 = arith.constant 0 : i32
        %dma_wait3A_281 = arith.constant 0 : i32
        %dma_wait3A_282 = tpu.memref_slice %arg19[%dma_wait3A_280, %dma_wait3A_281] : memref<10000x128xf32, #tpu.memory_space<vmem_shared>> -> memref<10000x128xf32, #tpu.memory_space<vmem_shared>>
        tpu.wait_indirect_dma semaphore(%arg34 : memref<!tpu.dma_semaphore, #tpu.memory_space<semaphore_mem>>) src(%arg17 : memref<80x128xf32, #tpu.memory_space<vmem>>) dst(%dma_wait3A_282 : memref<10000x128xf32, #tpu.memory_space<vmem_shared>>)
      } else {
      }
      %ge3A_244 = arith.constant 1 : i32
      %ge3A_245 = arith.cmpi sge, %add3A_238, %ge3A_244 : i32
      %sub3A_246 = arith.constant 1 : i32
      %sub3A_247 = arith.subi %add3A_238, %sub3A_246 : i32
      %add3A_248 = arith.constant 4 : i32
      %add3A_249 = arith.addi %sub3A_247, %add3A_248 : i32
      %lt3A_250 = arith.constant 125 : i32
      %lt3A_251 = arith.cmpi slt, %add3A_249, %lt3A_250 : i32
      %and3A_252 = arith.andi %ge3A_245, %lt3A_251 : i1
      %convert_element_type3A_253 = arith.extui %and3A_252 : i1 to i32
      %cond3A_254 = arith.constant 0 : i32
      %cond3A_255 = arith.cmpi ne, %convert_element_type3A_253, %cond3A_254 : i32
      scf.if %cond3A_255 {
        %sub3A_280 = arith.constant 1 : i32
        %sub3A_281 = arith.subi %add3A_238, %sub3A_280 : i32
        %add3A_282 = arith.constant 4 : i32
        %add3A_283 = arith.addi %sub3A_281, %add3A_282 : i32
        %mul3A_284 = arith.constant 80 : i32
        %mul3A_285 = arith.muli %add3A_283, %mul3A_284 : i32
        %add3A_286 = arith.addi %mul3A_2, %mul3A_285 : i32
        %multiple_of3A_287 = tpu.assume_multiple %add3A_286, 8 : i32
        %dma_start3A_288 = tpu.memref_slice %arg4[%multiple_of3A_287] : memref<320000xi32, #tpu.memory_space<hbm>> -> memref<80xi32, #tpu.memory_space<hbm>>
        %dma_start3A_289 = tpu.memref_slice %arg4[%multiple_of3A_287] : memref<320000xi32, #tpu.memory_space<hbm>> -> memref<80xi32, #tpu.memory_space<hbm>>
        tpu.enqueue_dma source(%dma_start3A_289 : memref<80xi32, #tpu.memory_space<hbm>>) target(%arg13 : memref<80xi32, #tpu.memory_space<vmem>>) target_semaphore(%arg26 : memref<!tpu.dma_semaphore, #tpu.memory_space<semaphore_mem>>)
      } else {
      }
      %add3A_256 = arith.constant 3 : i32
      %add3A_257 = arith.addi %add3A_238, %add3A_256 : i32
      %lt3A_258 = arith.constant 125 : i32
      %lt3A_259 = arith.cmpi slt, %add3A_257, %lt3A_258 : i32
      %convert_element_type3A_260 = arith.extui %lt3A_259 : i1 to i32
      %cond3A_261 = arith.constant 0 : i32
      %cond3A_262 = arith.cmpi ne, %convert_element_type3A_260, %cond3A_261 : i32
      scf.if %cond3A_262 {
        %dma_wait3A_280 = arith.constant 0 : i32
        %dma_wait3A_281 = tpu.memref_slice %arg3[%dma_wait3A_280] : memref<320000xi32, #tpu.memory_space<hbm>> -> memref<80xi32, #tpu.memory_space<hbm>>
        %dma_wait3A_282 = arith.constant 0 : i32
        %dma_wait3A_283 = tpu.memref_slice %arg3[%dma_wait3A_282] : memref<320000xi32, #tpu.memory_space<hbm>> -> memref<80xi32, #tpu.memory_space<hbm>>
        tpu.wait_dma2 semaphore(%arg22 : memref<!tpu.dma_semaphore, #tpu.memory_space<semaphore_mem>>) src(%dma_wait3A_283 : memref<80xi32, #tpu.memory_space<hbm>>) dst(%arg9 : memref<80xi32, #tpu.memory_space<vmem>>)
        %dma_start3A_284 = arith.constant 0 : i32
        %dma_start3A_285 = arith.constant 0 : i32
        %dma_start3A_286 = tpu.memref_slice %arg2[%dma_start3A_284, %dma_start3A_285] : memref<10000x128xf32, #tpu.memory_space<hbm>> -> memref<10000x128xf32, #tpu.memory_space<hbm>>
        tpu.enqueue_indirect_dma source(%dma_start3A_286 : memref<10000x128xf32, #tpu.memory_space<hbm>>) target(%arg17 : memref<80x128xf32, #tpu.memory_space<vmem>>) offsets(%arg9 : memref<80xi32, #tpu.memory_space<vmem>>) semaphore(%arg30 : memref<!tpu.dma_semaphore, #tpu.memory_space<semaphore_mem>>)
      } else {
      }
      %dma_wait3A_263 = arith.constant 0 : i32
      %dma_wait3A_264 = arith.constant 0 : i32
      %dma_wait3A_265 = tpu.memref_slice %arg2[%dma_wait3A_263, %dma_wait3A_264] : memref<10000x128xf32, #tpu.memory_space<hbm>> -> memref<10000x128xf32, #tpu.memory_space<hbm>>
      tpu.wait_indirect_dma semaphore(%arg31 : memref<!tpu.dma_semaphore, #tpu.memory_space<semaphore_mem>>) src(%dma_wait3A_265 : memref<10000x128xf32, #tpu.memory_space<hbm>>) dst(%arg18 : memref<80x128xf32, #tpu.memory_space<vmem>>)
      %dma_wait3A_266 = arith.constant 0 : i32
      %dma_wait3A_267 = tpu.memref_slice %arg4[%dma_wait3A_266] : memref<320000xi32, #tpu.memory_space<hbm>> -> memref<80xi32, #tpu.memory_space<hbm>>
      %dma_wait3A_268 = arith.constant 0 : i32
      %dma_wait3A_269 = tpu.memref_slice %arg4[%dma_wait3A_268] : memref<320000xi32, #tpu.memory_space<hbm>> -> memref<80xi32, #tpu.memory_space<hbm>>
      tpu.wait_dma2 semaphore(%arg27 : memref<!tpu.dma_semaphore, #tpu.memory_space<semaphore_mem>>) src(%dma_wait3A_269 : memref<80xi32, #tpu.memory_space<hbm>>) dst(%arg14 : memref<80xi32, #tpu.memory_space<vmem>>)
      %dma_start3A_270 = arith.constant 0 : i32
      %dma_start3A_271 = arith.constant 0 : i32
      %dma_start3A_272 = tpu.memref_slice %arg19[%dma_start3A_270, %dma_start3A_271] : memref<10000x128xf32, #tpu.memory_space<vmem_shared>> -> memref<10000x128xf32, #tpu.memory_space<vmem_shared>>
      tpu.enqueue_indirect_dma source(%arg18 : memref<80x128xf32, #tpu.memory_space<vmem>>) target(%dma_start3A_272 : memref<10000x128xf32, #tpu.memory_space<vmem_shared>>) offsets(%arg14 : memref<80xi32, #tpu.memory_space<vmem>>) semaphore(%arg35 : memref<!tpu.dma_semaphore, #tpu.memory_space<semaphore_mem>>) {add = true}
      %add3A_273 = arith.constant 4 : i32
      %add3A_274 = arith.addi %add3A_238, %add3A_273 : i32
      %lt3A_275 = arith.constant 125 : i32
      %lt3A_276 = arith.cmpi slt, %add3A_274, %lt3A_275 : i32
      %convert_element_type3A_277 = arith.extui %lt3A_276 : i1 to i32
      %cond3A_278 = arith.constant 0 : i32
      %cond3A_279 = arith.cmpi ne, %convert_element_type3A_277, %cond3A_278 : i32
      scf.if %cond3A_279 {
        %add3A_280 = arith.constant 4 : i32
        %add3A_281 = arith.addi %add3A_238, %add3A_280 : i32
        %mul3A_282 = arith.constant 80 : i32
        %mul3A_283 = arith.muli %add3A_281, %mul3A_282 : i32
        %add3A_284 = arith.addi %mul3A_2, %mul3A_283 : i32
        %multiple_of3A_285 = tpu.assume_multiple %add3A_284, 8 : i32
        %dma_start3A_286 = tpu.memref_slice %arg3[%multiple_of3A_285] : memref<320000xi32, #tpu.memory_space<hbm>> -> memref<80xi32, #tpu.memory_space<hbm>>
        %dma_start3A_287 = tpu.memref_slice %arg3[%multiple_of3A_285] : memref<320000xi32, #tpu.memory_space<hbm>> -> memref<80xi32, #tpu.memory_space<hbm>>
        tpu.enqueue_dma source(%dma_start3A_287 : memref<80xi32, #tpu.memory_space<hbm>>) target(%arg10 : memref<80xi32, #tpu.memory_space<vmem>>) target_semaphore(%arg23 : memref<!tpu.dma_semaphore, #tpu.memory_space<semaphore_mem>>)
      } else {
      }
    }
    %scan3A_75 = arith.constant 31 : i32
    %dma_wait3A_76 = arith.constant 0 : i32
    %dma_wait3A_77 = arith.constant 0 : i32
    %dma_wait3A_78 = tpu.memref_slice %arg19[%dma_wait3A_76, %dma_wait3A_77] : memref<10000x128xf32, #tpu.memory_space<vmem_shared>> -> memref<10000x128xf32, #tpu.memory_space<vmem_shared>>
    tpu.wait_indirect_dma semaphore(%arg35 : memref<!tpu.dma_semaphore, #tpu.memory_space<semaphore_mem>>) src(%arg18 : memref<80x128xf32, #tpu.memory_space<vmem>>) dst(%dma_wait3A_78 : memref<10000x128xf32, #tpu.memory_space<vmem_shared>>)
    %and3A = arith.constant true
    %and3A_79 = arith.constant false
    %and3A_80 = arith.andi %and3A, %and3A_79 : i1
    %convert_element_type3A_81 = arith.extui %and3A_80 : i1 to i32
    %cond3A_82 = arith.constant 0 : i32
    %cond3A_83 = arith.cmpi ne, %convert_element_type3A_81, %cond3A_82 : i32
    scf.if %cond3A_83 {
      %add3A_107 = arith.constant 10160 : i32
      %add3A_108 = arith.addi %mul3A_2, %add3A_107 : i32
      %multiple_of3A_109 = tpu.assume_multiple %add3A_108, 8 : i32
      %dma_start3A_110 = tpu.memref_slice %arg4[%multiple_of3A_109] : memref<320000xi32, #tpu.memory_space<hbm>> -> memref<80xi32, #tpu.memory_space<hbm>>
      %dma_start3A_111 = tpu.memref_slice %arg4[%multiple_of3A_109] : memref<320000xi32, #tpu.memory_space<hbm>> -> memref<80xi32, #tpu.memory_space<hbm>>
      tpu.enqueue_dma source(%dma_start3A_111 : memref<80xi32, #tpu.memory_space<hbm>>) target(%arg14 : memref<80xi32, #tpu.memory_space<vmem>>) target_semaphore(%arg27 : memref<!tpu.dma_semaphore, #tpu.memory_space<semaphore_mem>>)
    } else {
    }
    %dma_wait3A_84 = arith.constant 0 : i32
    %dma_wait3A_85 = arith.constant 0 : i32
    %dma_wait3A_86 = tpu.memref_slice %arg2[%dma_wait3A_84, %dma_wait3A_85] : memref<10000x128xf32, #tpu.memory_space<hbm>> -> memref<10000x128xf32, #tpu.memory_space<hbm>>
    tpu.wait_indirect_dma semaphore(%arg28 : memref<!tpu.dma_semaphore, #tpu.memory_space<semaphore_mem>>) src(%dma_wait3A_86 : memref<10000x128xf32, #tpu.memory_space<hbm>>) dst(%arg15 : memref<80x128xf32, #tpu.memory_space<vmem>>)
    %dma_wait3A_87 = arith.constant 0 : i32
    %dma_wait3A_88 = tpu.memref_slice %arg4[%dma_wait3A_87] : memref<320000xi32, #tpu.memory_space<hbm>> -> memref<80xi32, #tpu.memory_space<hbm>>
    %dma_wait3A_89 = arith.constant 0 : i32
    %dma_wait3A_90 = tpu.memref_slice %arg4[%dma_wait3A_89] : memref<320000xi32, #tpu.memory_space<hbm>> -> memref<80xi32, #tpu.memory_space<hbm>>
    tpu.wait_dma2 semaphore(%arg24 : memref<!tpu.dma_semaphore, #tpu.memory_space<semaphore_mem>>) src(%dma_wait3A_90 : memref<80xi32, #tpu.memory_space<hbm>>) dst(%arg11 : memref<80xi32, #tpu.memory_space<vmem>>)
    %dma_start3A_91 = arith.constant 0 : i32
    %dma_start3A_92 = arith.constant 0 : i32
    %dma_start3A_93 = tpu.memref_slice %arg19[%dma_start3A_91, %dma_start3A_92] : memref<10000x128xf32, #tpu.memory_space<vmem_shared>> -> memref<10000x128xf32, #tpu.memory_space<vmem_shared>>
    tpu.enqueue_indirect_dma source(%arg15 : memref<80x128xf32, #tpu.memory_space<vmem>>) target(%dma_start3A_93 : memref<10000x128xf32, #tpu.memory_space<vmem_shared>>) offsets(%arg11 : memref<80xi32, #tpu.memory_space<vmem>>) semaphore(%arg32 : memref<!tpu.dma_semaphore, #tpu.memory_space<semaphore_mem>>) {add = true}
    %dma_wait3A_94 = arith.constant 0 : i32
    %dma_wait3A_95 = arith.constant 0 : i32
    %dma_wait3A_96 = tpu.memref_slice %arg19[%dma_wait3A_94, %dma_wait3A_95] : memref<10000x128xf32, #tpu.memory_space<vmem_shared>> -> memref<10000x128xf32, #tpu.memory_space<vmem_shared>>
    tpu.wait_indirect_dma semaphore(%arg32 : memref<!tpu.dma_semaphore, #tpu.memory_space<semaphore_mem>>) src(%arg15 : memref<80x128xf32, #tpu.memory_space<vmem>>) dst(%dma_wait3A_96 : memref<10000x128xf32, #tpu.memory_space<vmem_shared>>)
    %barrier3A_97 = arith.constant 0 : index
    tpu.barrier barrier_id(%barrier3A_97)
    %lt3A = arith.constant 15 : i32
    %lt3A_98 = arith.cmpi slt, %arg1, %lt3A : i32
    %convert_element_type3A_99 = arith.extui %lt3A_98 : i1 to i32
    %cond3A_100 = arith.constant 0 : i32
    %cond3A_101 = arith.cmpi ne, %convert_element_type3A_99, %cond3A_100 : i32
    scf.if %cond3A_101 {
      "tpu.region"() ({
        %run_scoped3A = tpu.sem_alloc : memref<!tpu.dma_semaphore, #tpu.memory_space<semaphore_mem>>
        %dma_start3A_107 = arith.constant 0 : i32
        %dma_start3A_108 = tpu.memref_slice %arg6[%arg0, %multiple_of3A_63, %dma_start3A_107] : memref<2x10000x128xf32, #tpu.memory_space<hbm>> -> memref<1x624x128xf32, #tpu.memory_space<hbm>>
        %dma_start3A_109 = tpu.memref_squeeze %dma_start3A_108 : memref<1x624x128xf32, #tpu.memory_space<hbm>> -> memref<624x128xf32, #tpu.memory_space<hbm>>
        %dma_start3A_110 = arith.constant 0 : i32
        %dma_start3A_111 = tpu.memref_slice %arg19[%multiple_of3A_63, %dma_start3A_110] : memref<10000x128xf32, #tpu.memory_space<vmem_shared>> -> memref<624x128xf32, #tpu.memory_space<vmem_shared>>
        tpu.enqueue_dma source(%dma_start3A_111 : memref<624x128xf32, #tpu.memory_space<vmem_shared>>) target(%dma_start3A_109 : memref<624x128xf32, #tpu.memory_space<hbm>>) target_semaphore(%run_scoped3A : memref<!tpu.dma_semaphore, #tpu.memory_space<semaphore_mem>>)
        %dma_wait3A_112 = arith.constant 0 : i32
        %dma_wait3A_113 = tpu.memref_slice %arg6[%arg0, %multiple_of3A_63, %dma_wait3A_112] : memref<2x10000x128xf32, #tpu.memory_space<hbm>> -> memref<1x624x128xf32, #tpu.memory_space<hbm>>
        %dma_wait3A_114 = tpu.memref_squeeze %dma_wait3A_113 : memref<1x624x128xf32, #tpu.memory_space<hbm>> -> memref<624x128xf32, #tpu.memory_space<hbm>>
        %dma_wait3A_115 = arith.constant 0 : i32
        %dma_wait3A_116 = tpu.memref_slice %arg19[%multiple_of3A_63, %dma_wait3A_115] : memref<10000x128xf32, #tpu.memory_space<vmem_shared>> -> memref<624x128xf32, #tpu.memory_space<vmem_shared>>
        tpu.wait_dma2 semaphore(%run_scoped3A : memref<!tpu.dma_semaphore, #tpu.memory_space<semaphore_mem>>) src(%dma_wait3A_116 : memref<624x128xf32, #tpu.memory_space<vmem_shared>>) dst(%dma_wait3A_114 : memref<624x128xf32, #tpu.memory_space<hbm>>)
        tpu.yield
      }) : () -> ()
    } else {
    }
    %eq3A_102 = arith.constant 15 : i32
    %eq3A_103 = arith.cmpi eq, %arg1, %eq3A_102 : i32
    %convert_element_type3A_104 = arith.extui %eq3A_103 : i1 to i32
    %cond3A_105 = arith.constant 0 : i32
    %cond3A_106 = arith.cmpi ne, %convert_element_type3A_104, %cond3A_105 : i32
    scf.if %cond3A_106 {
      "tpu.region"() ({
        %run_scoped3A = tpu.sem_alloc : memref<!tpu.dma_semaphore, #tpu.memory_space<semaphore_mem>>
        %dma_start3A_107 = arith.constant 9360 : i32
        %dma_start3A_108 = arith.constant 0 : i32
        %dma_start3A_109 = tpu.memref_slice %arg6[%arg0, %dma_start3A_107, %dma_start3A_108] : memref<2x10000x128xf32, #tpu.memory_space<hbm>> -> memref<1x640x128xf32, #tpu.memory_space<hbm>>
        %dma_start3A_110 = tpu.memref_squeeze %dma_start3A_109 : memref<1x640x128xf32, #tpu.memory_space<hbm>> -> memref<640x128xf32, #tpu.memory_space<hbm>>
        %dma_start3A_111 = arith.constant 9360 : i32
        %dma_start3A_112 = arith.constant 0 : i32
        %dma_start3A_113 = tpu.memref_slice %arg19[%dma_start3A_111, %dma_start3A_112] : memref<10000x128xf32, #tpu.memory_space<vmem_shared>> -> memref<640x128xf32, #tpu.memory_space<vmem_shared>>
        tpu.enqueue_dma source(%dma_start3A_113 : memref<640x128xf32, #tpu.memory_space<vmem_shared>>) target(%dma_start3A_110 : memref<640x128xf32, #tpu.memory_space<hbm>>) target_semaphore(%run_scoped3A : memref<!tpu.dma_semaphore, #tpu.memory_space<semaphore_mem>>)
        %dma_wait3A_114 = arith.constant 9360 : i32
        %dma_wait3A_115 = arith.constant 0 : i32
        %dma_wait3A_116 = tpu.memref_slice %arg6[%arg0, %dma_wait3A_114, %dma_wait3A_115] : memref<2x10000x128xf32, #tpu.memory_space<hbm>> -> memref<1x640x128xf32, #tpu.memory_space<hbm>>
        %dma_wait3A_117 = tpu.memref_squeeze %dma_wait3A_116 : memref<1x640x128xf32, #tpu.memory_space<hbm>> -> memref<640x128xf32, #tpu.memory_space<hbm>>
        %dma_wait3A_118 = arith.constant 9360 : i32
        %dma_wait3A_119 = arith.constant 0 : i32
        %dma_wait3A_120 = tpu.memref_slice %arg19[%dma_wait3A_118, %dma_wait3A_119] : memref<10000x128xf32, #tpu.memory_space<vmem_shared>> -> memref<640x128xf32, #tpu.memory_space<vmem_shared>>
        tpu.wait_dma2 semaphore(%run_scoped3A : memref<!tpu.dma_semaphore, #tpu.memory_space<semaphore_mem>>) src(%dma_wait3A_120 : memref<640x128xf32, #tpu.memory_space<vmem_shared>>) dst(%dma_wait3A_117 : memref<640x128xf32, #tpu.memory_space<hbm>>)
        tpu.yield
      }) : () -> ()
    } else {
    }
    return
  }
}

#map = affine_map<(d0, d1) -> (0)>
#map1 = affine_map<(d0, d1) -> (0, 0)>
module attributes {stable_mosaic.version = 14 : i64} {
  func.func @_deg_kernel(%arg0: i32, %arg1: i32, %arg2: memref<320000xi32, #tpu.memory_space<hbm>>, %arg3: memref<32x10000xf32, #tpu.memory_space<hbm>>, %arg4: memref<10000xi32, #tpu.memory_space<vmem>>, %arg5: memref<10000xf32, #tpu.memory_space<vmem>>) attributes {dimension_semantics = [#tpu.dimension_semantics<core_parallel>, #tpu.dimension_semantics<subcore_parallel>], iteration_bounds = array<i64: 2, 16>, scalar_prefetch = 0 : i64, scratch_operands = 2 : i64, tpu.core_type = #tpu.core_type<sc_vector_subcore>, window_params = [{transform_indices = #map}, {transform_indices = #map1}]} {
    %mul3A = arith.constant 2 : i32
    %mul3A_0 = arith.muli %arg1, %mul3A : i32
    %add3A = arith.addi %mul3A_0, %arg0 : i32
    %scan3A = arith.constant 0 : i32
    %scan3A_1 = arith.constant 0 : i32
    %scan3A_2 = arith.constant 625 : i32
    %scan3A_3 = arith.addi %scan3A_1, %scan3A_2 : i32
    %scan3A_4 = arith.constant 1 : i32
    scf.for %scan3A_15 = %scan3A_1 to %scan3A_3 step %scan3A_4  : i32 {
      %broadcast_in_dim3A_16 = arith.constant 0.000000e+00 : f32
      %broadcast_in_dim3A_17 = vector.broadcast %broadcast_in_dim3A_16 : f32 to vector<16xf32>
      %mul3A_18 = arith.constant 16 : i32
      %mul3A_19 = arith.muli %scan3A_15, %mul3A_18 : i32
      %swap3A = arith.index_cast %mul3A_19 : i32 to index
      %swap3A_20 = tpu.vector_load %arg5[%swap3A] {strides = array<i32>} : memref<10000xf32, #tpu.memory_space<vmem>>, vector<16xf32>,
      tpu.vector_store %arg5[%swap3A], %broadcast_in_dim3A_17 {strides = array<i32>} : memref<10000xf32, #tpu.memory_space<vmem>>, vector<16xf32>,
    }
    %scan3A_5 = arith.constant 625 : i32
    %mul3A_6 = arith.constant 10000 : i32
    %mul3A_7 = arith.muli %add3A, %mul3A_6 : i32
    "tpu.region"() ({
      %run_scoped3A = tpu.sem_alloc : memref<!tpu.dma_semaphore, #tpu.memory_space<semaphore_mem>>
      %dma_start3A = tpu.memref_slice %arg2[%mul3A_7] : memref<320000xi32, #tpu.memory_space<hbm>> -> memref<10000xi32, #tpu.memory_space<hbm>>
      %dma_start3A_15 = tpu.memref_slice %arg2[%mul3A_7] : memref<320000xi32, #tpu.memory_space<hbm>> -> memref<10000xi32, #tpu.memory_space<hbm>>
      tpu.enqueue_dma source(%dma_start3A_15 : memref<10000xi32, #tpu.memory_space<hbm>>) target(%arg4 : memref<10000xi32, #tpu.memory_space<vmem>>) target_semaphore(%run_scoped3A : memref<!tpu.dma_semaphore, #tpu.memory_space<semaphore_mem>>)
      %dma_wait3A = tpu.memref_slice %arg2[%mul3A_7] : memref<320000xi32, #tpu.memory_space<hbm>> -> memref<10000xi32, #tpu.memory_space<hbm>>
      %dma_wait3A_16 = tpu.memref_slice %arg2[%mul3A_7] : memref<320000xi32, #tpu.memory_space<hbm>> -> memref<10000xi32, #tpu.memory_space<hbm>>
      tpu.wait_dma2 semaphore(%run_scoped3A : memref<!tpu.dma_semaphore, #tpu.memory_space<semaphore_mem>>) src(%dma_wait3A_16 : memref<10000xi32, #tpu.memory_space<hbm>>) dst(%arg4 : memref<10000xi32, #tpu.memory_space<vmem>>)
      tpu.yield
    }) : () -> ()
    %broadcast_in_dim3A = arith.constant 1.000000e+00 : f32
    %broadcast_in_dim3A_8 = vector.broadcast %broadcast_in_dim3A : f32 to vector<16xf32>
    %scan3A_9 = arith.constant 0 : i32
    %scan3A_10 = arith.constant 0 : i32
    %scan3A_11 = arith.constant 625 : i32
    %scan3A_12 = arith.addi %scan3A_10, %scan3A_11 : i32
    %scan3A_13 = arith.constant 1 : i32
    scf.for %scan3A_15 = %scan3A_10 to %scan3A_12 step %scan3A_13  : i32 {
      %mul3A_16 = arith.constant 16 : i32
      %mul3A_17 = arith.muli %scan3A_15, %mul3A_16 : i32
      %get3A = arith.index_cast %mul3A_17 : i32 to index
      %get3A_18 = tpu.vector_load %arg4[%get3A] {strides = array<i32>} : memref<10000xi32, #tpu.memory_space<vmem>>, vector<16xi32>,
      tpu.vector_store_idx %arg5[%get3A_18], %broadcast_in_dim3A_8 {add = true} : memref<10000xf32, #tpu.memory_space<vmem>>[vector<16xi32>], vector<16xf32>,
    }
    %scan3A_14 = arith.constant 625 : i32
    "tpu.region"() ({
      %run_scoped3A = tpu.sem_alloc : memref<!tpu.dma_semaphore, #tpu.memory_space<semaphore_mem>>
      %dma_start3A = arith.constant 0 : i32
      %dma_start3A_15 = tpu.memref_slice %arg3[%add3A, %dma_start3A] : memref<32x10000xf32, #tpu.memory_space<hbm>> -> memref<1x10000xf32, #tpu.memory_space<hbm>>
      %dma_start3A_16 = tpu.memref_squeeze %dma_start3A_15 : memref<1x10000xf32, #tpu.memory_space<hbm>> -> memref<10000xf32, #tpu.memory_space<hbm>>
      %dma_start3A_17 = arith.constant 0 : i32
      %dma_start3A_18 = tpu.memref_slice %arg3[%add3A, %dma_start3A_17] : memref<32x10000xf32, #tpu.memory_space<hbm>> -> memref<1x10000xf32, #tpu.memory_space<hbm>>
      %dma_start3A_19 = tpu.memref_squeeze %dma_start3A_18 : memref<1x10000xf32, #tpu.memory_space<hbm>> -> memref<10000xf32, #tpu.memory_space<hbm>>
      tpu.enqueue_dma source(%arg5 : memref<10000xf32, #tpu.memory_space<vmem>>) target(%dma_start3A_19 : memref<10000xf32, #tpu.memory_space<hbm>>) target_semaphore(%run_scoped3A : memref<!tpu.dma_semaphore, #tpu.memory_space<semaphore_mem>>)
      %dma_wait3A = arith.constant 0 : i32
      %dma_wait3A_20 = tpu.memref_slice %arg3[%add3A, %dma_wait3A] : memref<32x10000xf32, #tpu.memory_space<hbm>> -> memref<1x10000xf32, #tpu.memory_space<hbm>>
      %dma_wait3A_21 = tpu.memref_squeeze %dma_wait3A_20 : memref<1x10000xf32, #tpu.memory_space<hbm>> -> memref<10000xf32, #tpu.memory_space<hbm>>
      %dma_wait3A_22 = arith.constant 0 : i32
      %dma_wait3A_23 = tpu.memref_slice %arg3[%add3A, %dma_wait3A_22] : memref<32x10000xf32, #tpu.memory_space<hbm>> -> memref<1x10000xf32, #tpu.memory_space<hbm>>
      %dma_wait3A_24 = tpu.memref_squeeze %dma_wait3A_23 : memref<1x10000xf32, #tpu.memory_space<hbm>> -> memref<10000xf32, #tpu.memory_space<hbm>>
      tpu.wait_dma2 semaphore(%run_scoped3A : memref<!tpu.dma_semaphore, #tpu.memory_space<semaphore_mem>>) src(%arg5 : memref<10000xf32, #tpu.memory_space<vmem>>) dst(%dma_wait3A_24 : memref<10000xf32, #tpu.memory_space<hbm>>)
      tpu.yield
    }) : () -> ()
    return
  }
}

#map = affine_map<(d0, d1) -> (0, 0)>
#map1 = affine_map<(d0, d1) -> (0)>
#map2 = affine_map<(d0, d1) -> (0, 0, 0)>
module attributes {stable_mosaic.version = 14 : i64} {
  func.func @_agg_kernel(%arg0: i32, %arg1: i32, %arg2: memref<10000x128xf32, #tpu.memory_space<hbm>>, %arg3: memref<320000xi32, #tpu.memory_space<hbm>>, %arg4: memref<320000xi32, #tpu.memory_space<hbm>>, %arg5: memref<10000x128xf32, #tpu.memory_space<hbm>>, %arg6: memref<2x10000x128xf32, #tpu.memory_space<hbm>>, %arg7: memref<80xi32, #tpu.memory_space<vmem>>, %arg8: memref<80xi32, #tpu.memory_space<vmem>>, %arg9: memref<80xi32, #tpu.memory_space<vmem>>, %arg10: memref<80xi32, #tpu.memory_space<vmem>>, %arg11: memref<80xi32, #tpu.memory_space<vmem>>, %arg12: memref<80xi32, #tpu.memory_space<vmem>>, %arg13: memref<80xi32, #tpu.memory_space<vmem>>, %arg14: memref<80xi32, #tpu.memory_space<vmem>>, %arg15: memref<80x128xf32, #tpu.memory_space<vmem>>, %arg16: memref<80x128xf32, #tpu.memory_space<vmem>>, %arg17: memref<80x128xf32, #tpu.memory_space<vmem>>, %arg18: memref<80x128xf32, #tpu.memory_space<vmem>>, %arg19: memref<10000x128xf32, #tpu.memory_space<vmem_shared>>, %arg20: memref<!tpu.dma_semaphore, #tpu.memory_space<semaphore_mem>>, %arg21: memref<!tpu.dma_semaphore, #tpu.memory_space<semaphore_mem>>, %arg22: memref<!tpu.dma_semaphore, #tpu.memory_space<semaphore_mem>>, %arg23: memref<!tpu.dma_semaphore, #tpu.memory_space<semaphore_mem>>, %arg24: memref<!tpu.dma_semaphore, #tpu.memory_space<semaphore_mem>>, %arg25: memref<!tpu.dma_semaphore, #tpu.memory_space<semaphore_mem>>, %arg26: memref<!tpu.dma_semaphore, #tpu.memory_space<semaphore_mem>>, %arg27: memref<!tpu.dma_semaphore, #tpu.memory_space<semaphore_mem>>, %arg28: memref<!tpu.dma_semaphore, #tpu.memory_space<semaphore_mem>>, %arg29: memref<!tpu.dma_semaphore, #tpu.memory_space<semaphore_mem>>, %arg30: memref<!tpu.dma_semaphore, #tpu.memory_space<semaphore_mem>>, %arg31: memref<!tpu.dma_semaphore, #tpu.memory_space<semaphore_mem>>, %arg32: memref<!tpu.dma_semaphore, #tpu.memory_space<semaphore_mem>>, %arg33: memref<!tpu.dma_semaphore, #tpu.memory_space<semaphore_mem>>, %arg34: memref<!tpu.dma_semaphore, #tpu.memory_space<semaphore_mem>>, %arg35: memref<!tpu.dma_semaphore, #tpu.memory_space<semaphore_mem>>) attributes {dimension_semantics = [#tpu.dimension_semantics<core_parallel>, #tpu.dimension_semantics<subcore_parallel>], iteration_bounds = array<i64: 2, 16>, scalar_prefetch = 0 : i64, scratch_operands = 29 : i64, tpu.core_type = #tpu.core_type<sc_vector_subcore>, window_params = [{transform_indices = #map}, {transform_indices = #map1}, {transform_indices = #map1}, {transform_indices = #map}, {transform_indices = #map2}]} {
    %mul3A = arith.constant 2 : i32
    %mul3A_0 = arith.muli %arg1, %mul3A : i32
    %add3A = arith.addi %mul3A_0, %arg0 : i32
    %mul3A_1 = arith.constant 10000 : i32
    %mul3A_2 = arith.muli %add3A, %mul3A_1 : i32
    %add3A_3 = arith.constant 0 : i32
    %add3A_4 = arith.addi %mul3A_2, %add3A_3 : i32
    %multiple_of3A = tpu.assume_multiple %add3A_4, 8 : i32
    %dma_start3A = tpu.memref_slice %arg3[%multiple_of3A] : memref<320000xi32, #tpu.memory_space<hbm>> -> memref<80xi32, #tpu.memory_space<hbm>>
    %dma_start3A_5 = tpu.memref_slice %arg3[%multiple_of3A] : memref<320000xi32, #tpu.memory_space<hbm>> -> memref<80xi32, #tpu.memory_space<hbm>>
    tpu.enqueue_dma source(%dma_start3A_5 : memref<80xi32, #tpu.memory_space<hbm>>) target(%arg7 : memref<80xi32, #tpu.memory_space<vmem>>) target_semaphore(%arg20 : memref<!tpu.dma_semaphore, #tpu.memory_space<semaphore_mem>>)
    %add3A_6 = arith.constant 0 : i32
    %add3A_7 = arith.addi %mul3A_2, %add3A_6 : i32
    %multiple_of3A_8 = tpu.assume_multiple %add3A_7, 8 : i32
    %dma_start3A_9 = tpu.memref_slice %arg4[%multiple_of3A_8] : memref<320000xi32, #tpu.memory_space<hbm>> -> memref<80xi32, #tpu.memory_space<hbm>>
    %dma_start3A_10 = tpu.memref_slice %arg4[%multiple_of3A_8] : memref<320000xi32, #tpu.memory_space<hbm>> -> memref<80xi32, #tpu.memory_space<hbm>>
    tpu.enqueue_dma source(%dma_start3A_10 : memref<80xi32, #tpu.memory_space<hbm>>) target(%arg11 : memref<80xi32, #tpu.memory_space<vmem>>) target_semaphore(%arg24 : memref<!tpu.dma_semaphore, #tpu.memory_space<semaphore_mem>>)
    %add3A_11 = arith.constant 80 : i32
    %add3A_12 = arith.addi %mul3A_2, %add3A_11 : i32
    %multiple_of3A_13 = tpu.assume_multiple %add3A_12, 8 : i32
    %dma_start3A_14 = tpu.memref_slice %arg3[%multiple_of3A_13] : memref<320000xi32, #tpu.memory_space<hbm>> -> memref<80xi32, #tpu.memory_space<hbm>>
    %dma_start3A_15 = tpu.memref_slice %arg3[%multiple_of3A_13] : memref<320000xi32, #tpu.memory_space<hbm>> -> memref<80xi32, #tpu.memory_space<hbm>>
    tpu.enqueue_dma source(%dma_start3A_15 : memref<80xi32, #tpu.memory_space<hbm>>) target(%arg8 : memref<80xi32, #tpu.memory_space<vmem>>) target_semaphore(%arg21 : memref<!tpu.dma_semaphore, #tpu.memory_space<semaphore_mem>>)
    %add3A_16 = arith.constant 80 : i32
    %add3A_17 = arith.addi %mul3A_2, %add3A_16 : i32
    %multiple_of3A_18 = tpu.assume_multiple %add3A_17, 8 : i32
    %dma_start3A_19 = tpu.memref_slice %arg4[%multiple_of3A_18] : memref<320000xi32, #tpu.memory_space<hbm>> -> memref<80xi32, #tpu.memory_space<hbm>>
    %dma_start3A_20 = tpu.memref_slice %arg4[%multiple_of3A_18] : memref<320000xi32, #tpu.memory_space<hbm>> -> memref<80xi32, #tpu.memory_space<hbm>>
    tpu.enqueue_dma source(%dma_start3A_20 : memref<80xi32, #tpu.memory_space<hbm>>) target(%arg12 : memref<80xi32, #tpu.memory_space<vmem>>) target_semaphore(%arg25 : memref<!tpu.dma_semaphore, #tpu.memory_space<semaphore_mem>>)
    %add3A_21 = arith.constant 160 : i32
    %add3A_22 = arith.addi %mul3A_2, %add3A_21 : i32
    %multiple_of3A_23 = tpu.assume_multiple %add3A_22, 8 : i32
    %dma_start3A_24 = tpu.memref_slice %arg3[%multiple_of3A_23] : memref<320000xi32, #tpu.memory_space<hbm>> -> memref<80xi32, #tpu.memory_space<hbm>>
    %dma_start3A_25 = tpu.memref_slice %arg3[%multiple_of3A_23] : memref<320000xi32, #tpu.memory_space<hbm>> -> memref<80xi32, #tpu.memory_space<hbm>>
    tpu.enqueue_dma source(%dma_start3A_25 : memref<80xi32, #tpu.memory_space<hbm>>) target(%arg9 : memref<80xi32, #tpu.memory_space<vmem>>) target_semaphore(%arg22 : memref<!tpu.dma_semaphore, #tpu.memory_space<semaphore_mem>>)
    %add3A_26 = arith.constant 160 : i32
    %add3A_27 = arith.addi %mul3A_2, %add3A_26 : i32
    %multiple_of3A_28 = tpu.assume_multiple %add3A_27, 8 : i32
    %dma_start3A_29 = tpu.memref_slice %arg4[%multiple_of3A_28] : memref<320000xi32, #tpu.memory_space<hbm>> -> memref<80xi32, #tpu.memory_space<hbm>>
    %dma_start3A_30 = tpu.memref_slice %arg4[%multiple_of3A_28] : memref<320000xi32, #tpu.memory_space<hbm>> -> memref<80xi32, #tpu.memory_space<hbm>>
    tpu.enqueue_dma source(%dma_start3A_30 : memref<80xi32, #tpu.memory_space<hbm>>) target(%arg13 : memref<80xi32, #tpu.memory_space<vmem>>) target_semaphore(%arg26 : memref<!tpu.dma_semaphore, #tpu.memory_space<semaphore_mem>>)
    %add3A_31 = arith.constant 240 : i32
    %add3A_32 = arith.addi %mul3A_2, %add3A_31 : i32
    %multiple_of3A_33 = tpu.assume_multiple %add3A_32, 8 : i32
    %dma_start3A_34 = tpu.memref_slice %arg3[%multiple_of3A_33] : memref<320000xi32, #tpu.memory_space<hbm>> -> memref<80xi32, #tpu.memory_space<hbm>>
    %dma_start3A_35 = tpu.memref_slice %arg3[%multiple_of3A_33] : memref<320000xi32, #tpu.memory_space<hbm>> -> memref<80xi32, #tpu.memory_space<hbm>>
    tpu.enqueue_dma source(%dma_start3A_35 : memref<80xi32, #tpu.memory_space<hbm>>) target(%arg10 : memref<80xi32, #tpu.memory_space<vmem>>) target_semaphore(%arg23 : memref<!tpu.dma_semaphore, #tpu.memory_space<semaphore_mem>>)
    %add3A_36 = arith.constant 240 : i32
    %add3A_37 = arith.addi %mul3A_2, %add3A_36 : i32
    %multiple_of3A_38 = tpu.assume_multiple %add3A_37, 8 : i32
    %dma_start3A_39 = tpu.memref_slice %arg4[%multiple_of3A_38] : memref<320000xi32, #tpu.memory_space<hbm>> -> memref<80xi32, #tpu.memory_space<hbm>>
    %dma_start3A_40 = tpu.memref_slice %arg4[%multiple_of3A_38] : memref<320000xi32, #tpu.memory_space<hbm>> -> memref<80xi32, #tpu.memory_space<hbm>>
    tpu.enqueue_dma source(%dma_start3A_40 : memref<80xi32, #tpu.memory_space<hbm>>) target(%arg14 : memref<80xi32, #tpu.memory_space<vmem>>) target_semaphore(%arg27 : memref<!tpu.dma_semaphore, #tpu.memory_space<semaphore_mem>>)
    %dma_wait3A = arith.constant 0 : i32
    %dma_wait3A_41 = tpu.memref_slice %arg3[%dma_wait3A] : memref<320000xi32, #tpu.memory_space<hbm>> -> memref<80xi32, #tpu.memory_space<hbm>>
    %dma_wait3A_42 = arith.constant 0 : i32
    %dma_wait3A_43 = tpu.memref_slice %arg3[%dma_wait3A_42] : memref<320000xi32, #tpu.memory_space<hbm>> -> memref<80xi32, #tpu.memory_space<hbm>>
    tpu.wait_dma2 semaphore(%arg20 : memref<!tpu.dma_semaphore, #tpu.memory_space<semaphore_mem>>) src(%dma_wait3A_43 : memref<80xi32, #tpu.memory_space<hbm>>) dst(%arg7 : memref<80xi32, #tpu.memory_space<vmem>>)
    %dma_start3A_44 = arith.constant 0 : i32
    %dma_start3A_45 = arith.constant 0 : i32
    %dma_start3A_46 = tpu.memref_slice %arg2[%dma_start3A_44, %dma_start3A_45] : memref<10000x128xf32, #tpu.memory_space<hbm>> -> memref<10000x128xf32, #tpu.memory_space<hbm>>
    tpu.enqueue_indirect_dma source(%dma_start3A_46 : memref<10000x128xf32, #tpu.memory_space<hbm>>) target(%arg15 : memref<80x128xf32, #tpu.memory_space<vmem>>) offsets(%arg7 : memref<80xi32, #tpu.memory_space<vmem>>) semaphore(%arg28 : memref<!tpu.dma_semaphore, #tpu.memory_space<semaphore_mem>>)
    %dma_wait3A_47 = arith.constant 0 : i32
    %dma_wait3A_48 = tpu.memref_slice %arg3[%dma_wait3A_47] : memref<320000xi32, #tpu.memory_space<hbm>> -> memref<80xi32, #tpu.memory_space<hbm>>
    %dma_wait3A_49 = arith.constant 0 : i32
    %dma_wait3A_50 = tpu.memref_slice %arg3[%dma_wait3A_49] : memref<320000xi32, #tpu.memory_space<hbm>> -> memref<80xi32, #tpu.memory_space<hbm>>
    tpu.wait_dma2 semaphore(%arg21 : memref<!tpu.dma_semaphore, #tpu.memory_space<semaphore_mem>>) src(%dma_wait3A_50 : memref<80xi32, #tpu.memory_space<hbm>>) dst(%arg8 : memref<80xi32, #tpu.memory_space<vmem>>)
    %dma_start3A_51 = arith.constant 0 : i32
    %dma_start3A_52 = arith.constant 0 : i32
    %dma_start3A_53 = tpu.memref_slice %arg2[%dma_start3A_51, %dma_start3A_52] : memref<10000x128xf32, #tpu.memory_space<hbm>> -> memref<10000x128xf32, #tpu.memory_space<hbm>>
    tpu.enqueue_indirect_dma source(%dma_start3A_53 : memref<10000x128xf32, #tpu.memory_space<hbm>>) target(%arg16 : memref<80x128xf32, #tpu.memory_space<vmem>>) offsets(%arg8 : memref<80xi32, #tpu.memory_space<vmem>>) semaphore(%arg29 : memref<!tpu.dma_semaphore, #tpu.memory_space<semaphore_mem>>)
    %dma_wait3A_54 = arith.constant 0 : i32
    %dma_wait3A_55 = tpu.memref_slice %arg3[%dma_wait3A_54] : memref<320000xi32, #tpu.memory_space<hbm>> -> memref<80xi32, #tpu.memory_space<hbm>>
    %dma_wait3A_56 = arith.constant 0 : i32
    %dma_wait3A_57 = tpu.memref_slice %arg3[%dma_wait3A_56] : memref<320000xi32, #tpu.memory_space<hbm>> -> memref<80xi32, #tpu.memory_space<hbm>>
    tpu.wait_dma2 semaphore(%arg22 : memref<!tpu.dma_semaphore, #tpu.memory_space<semaphore_mem>>) src(%dma_wait3A_57 : memref<80xi32, #tpu.memory_space<hbm>>) dst(%arg9 : memref<80xi32, #tpu.memory_space<vmem>>)
    %dma_start3A_58 = arith.constant 0 : i32
    %dma_start3A_59 = arith.constant 0 : i32
    %dma_start3A_60 = tpu.memref_slice %arg2[%dma_start3A_58, %dma_start3A_59] : memref<10000x128xf32, #tpu.memory_space<hbm>> -> memref<10000x128xf32, #tpu.memory_space<hbm>>
    tpu.enqueue_indirect_dma source(%dma_start3A_60 : memref<10000x128xf32, #tpu.memory_space<hbm>>) target(%arg17 : memref<80x128xf32, #tpu.memory_space<vmem>>) offsets(%arg9 : memref<80xi32, #tpu.memory_space<vmem>>) semaphore(%arg30 : memref<!tpu.dma_semaphore, #tpu.memory_space<semaphore_mem>>)
    %mul3A_61 = arith.constant 624 : i32
    %mul3A_62 = arith.muli %arg1, %mul3A_61 : i32
    %multiple_of3A_63 = tpu.assume_multiple %mul3A_62, 8 : i32
    %eq3A = arith.constant 0 : i32
    %eq3A_64 = arith.cmpi eq, %arg0, %eq3A : i32
    %convert_element_type3A = arith.extui %eq3A_64 : i1 to i32
    %cond3A = arith.constant 0 : i32
    %cond3A_65 = arith.cmpi ne, %convert_element_type3A, %cond3A : i32
    scf.if %cond3A_65 {
      %lt3A_107 = arith.constant 15 : i32
      %lt3A_108 = arith.cmpi slt, %arg1, %lt3A_107 : i32
      %convert_element_type3A_109 = arith.extui %lt3A_108 : i1 to i32
      %cond3A_110 = arith.constant 0 : i32
      %cond3A_111 = arith.cmpi ne, %convert_element_type3A_109, %cond3A_110 : i32
      scf.if %cond3A_111 {
        "tpu.region"() ({
          %run_scoped3A = tpu.sem_alloc : memref<!tpu.dma_semaphore, #tpu.memory_space<semaphore_mem>>
          %dma_start3A_117 = arith.constant 0 : i32
          %dma_start3A_118 = tpu.memref_slice %arg19[%multiple_of3A_63, %dma_start3A_117] : memref<10000x128xf32, #tpu.memory_space<vmem_shared>> -> memref<624x128xf32, #tpu.memory_space<vmem_shared>>
          %dma_start3A_119 = arith.constant 0 : i32
          %dma_start3A_120 = tpu.memref_slice %arg2[%multiple_of3A_63, %dma_start3A_119] : memref<10000x128xf32, #tpu.memory_space<hbm>> -> memref<624x128xf32, #tpu.memory_space<hbm>>
          tpu.enqueue_dma source(%dma_start3A_120 : memref<624x128xf32, #tpu.memory_space<hbm>>) target(%dma_start3A_118 : memref<624x128xf32, #tpu.memory_space<vmem_shared>>) target_semaphore(%run_scoped3A : memref<!tpu.dma_semaphore, #tpu.memory_space<semaphore_mem>>)
          %dma_wait3A_121 = arith.constant 0 : i32
          %dma_wait3A_122 = tpu.memref_slice %arg19[%multiple_of3A_63, %dma_wait3A_121] : memref<10000x128xf32, #tpu.memory_space<vmem_shared>> -> memref<624x128xf32, #tpu.memory_space<vmem_shared>>
          %dma_wait3A_123 = arith.constant 0 : i32
          %dma_wait3A_124 = tpu.memref_slice %arg2[%multiple_of3A_63, %dma_wait3A_123] : memref<10000x128xf32, #tpu.memory_space<hbm>> -> memref<624x128xf32, #tpu.memory_space<hbm>>
          tpu.wait_dma2 semaphore(%run_scoped3A : memref<!tpu.dma_semaphore, #tpu.memory_space<semaphore_mem>>) src(%dma_wait3A_124 : memref<624x128xf32, #tpu.memory_space<hbm>>) dst(%dma_wait3A_122 : memref<624x128xf32, #tpu.memory_space<vmem_shared>>)
          tpu.yield
        }) : () -> ()
      } else {
      }
      %eq3A_112 = arith.constant 15 : i32
      %eq3A_113 = arith.cmpi eq, %arg1, %eq3A_112 : i32
      %convert_element_type3A_114 = arith.extui %eq3A_113 : i1 to i32
      %cond3A_115 = arith.constant 0 : i32
      %cond3A_116 = arith.cmpi ne, %convert_element_type3A_114, %cond3A_115 : i32
      scf.if %cond3A_116 {
        "tpu.region"() ({
          %run_scoped3A = tpu.sem_alloc : memref<!tpu.dma_semaphore, #tpu.memory_space<semaphore_mem>>
          %dma_start3A_117 = arith.constant 9360 : i32
          %dma_start3A_118 = arith.constant 0 : i32
          %dma_start3A_119 = tpu.memref_slice %arg19[%dma_start3A_117, %dma_start3A_118] : memref<10000x128xf32, #tpu.memory_space<vmem_shared>> -> memref<640x128xf32, #tpu.memory_space<vmem_shared>>
          %dma_start3A_120 = arith.constant 9360 : i32
          %dma_start3A_121 = arith.constant 0 : i32
          %dma_start3A_122 = tpu.memref_slice %arg2[%dma_start3A_120, %dma_start3A_121] : memref<10000x128xf32, #tpu.memory_space<hbm>> -> memref<640x128xf32, #tpu.memory_space<hbm>>
          tpu.enqueue_dma source(%dma_start3A_122 : memref<640x128xf32, #tpu.memory_space<hbm>>) target(%dma_start3A_119 : memref<640x128xf32, #tpu.memory_space<vmem_shared>>) target_semaphore(%run_scoped3A : memref<!tpu.dma_semaphore, #tpu.memory_space<semaphore_mem>>)
          %dma_wait3A_123 = arith.constant 9360 : i32
          %dma_wait3A_124 = arith.constant 0 : i32
          %dma_wait3A_125 = tpu.memref_slice %arg19[%dma_wait3A_123, %dma_wait3A_124] : memref<10000x128xf32, #tpu.memory_space<vmem_shared>> -> memref<640x128xf32, #tpu.memory_space<vmem_shared>>
          %dma_wait3A_126 = arith.constant 9360 : i32
          %dma_wait3A_127 = arith.constant 0 : i32
          %dma_wait3A_128 = tpu.memref_slice %arg2[%dma_wait3A_126, %dma_wait3A_127] : memref<10000x128xf32, #tpu.memory_space<hbm>> -> memref<640x128xf32, #tpu.memory_space<hbm>>
          tpu.wait_dma2 semaphore(%run_scoped3A : memref<!tpu.dma_semaphore, #tpu.memory_space<semaphore_mem>>) src(%dma_wait3A_128 : memref<640x128xf32, #tpu.memory_space<hbm>>) dst(%dma_wait3A_125 : memref<640x128xf32, #tpu.memory_space<vmem_shared>>)
          tpu.yield
        }) : () -> ()
      } else {
      }
    } else {
    }
    %eq3A_66 = arith.constant 1 : i32
    %eq3A_67 = arith.cmpi eq, %arg0, %eq3A_66 : i32
    %convert_element_type3A_68 = arith.extui %eq3A_67 : i1 to i32
    %cond3A_69 = arith.constant 0 : i32
    %cond3A_70 = arith.cmpi ne, %convert_element_type3A_68, %cond3A_69 : i32
    scf.if %cond3A_70 {
      %lt3A_107 = arith.constant 15 : i32
      %lt3A_108 = arith.cmpi slt, %arg1, %lt3A_107 : i32
      %convert_element_type3A_109 = arith.extui %lt3A_108 : i1 to i32
      %cond3A_110 = arith.constant 0 : i32
      %cond3A_111 = arith.cmpi ne, %convert_element_type3A_109, %cond3A_110 : i32
      scf.if %cond3A_111 {
        "tpu.region"() ({
          %run_scoped3A = tpu.sem_alloc : memref<!tpu.dma_semaphore, #tpu.memory_space<semaphore_mem>>
          %dma_start3A_117 = arith.constant 0 : i32
          %dma_start3A_118 = tpu.memref_slice %arg19[%multiple_of3A_63, %dma_start3A_117] : memref<10000x128xf32, #tpu.memory_space<vmem_shared>> -> memref<624x128xf32, #tpu.memory_space<vmem_shared>>
          %dma_start3A_119 = arith.constant 0 : i32
          %dma_start3A_120 = tpu.memref_slice %arg5[%multiple_of3A_63, %dma_start3A_119] : memref<10000x128xf32, #tpu.memory_space<hbm>> -> memref<624x128xf32, #tpu.memory_space<hbm>>
          tpu.enqueue_dma source(%dma_start3A_120 : memref<624x128xf32, #tpu.memory_space<hbm>>) target(%dma_start3A_118 : memref<624x128xf32, #tpu.memory_space<vmem_shared>>) target_semaphore(%run_scoped3A : memref<!tpu.dma_semaphore, #tpu.memory_space<semaphore_mem>>)
          %dma_wait3A_121 = arith.constant 0 : i32
          %dma_wait3A_122 = tpu.memref_slice %arg19[%multiple_of3A_63, %dma_wait3A_121] : memref<10000x128xf32, #tpu.memory_space<vmem_shared>> -> memref<624x128xf32, #tpu.memory_space<vmem_shared>>
          %dma_wait3A_123 = arith.constant 0 : i32
          %dma_wait3A_124 = tpu.memref_slice %arg5[%multiple_of3A_63, %dma_wait3A_123] : memref<10000x128xf32, #tpu.memory_space<hbm>> -> memref<624x128xf32, #tpu.memory_space<hbm>>
          tpu.wait_dma2 semaphore(%run_scoped3A : memref<!tpu.dma_semaphore, #tpu.memory_space<semaphore_mem>>) src(%dma_wait3A_124 : memref<624x128xf32, #tpu.memory_space<hbm>>) dst(%dma_wait3A_122 : memref<624x128xf32, #tpu.memory_space<vmem_shared>>)
          tpu.yield
        }) : () -> ()
      } else {
      }
      %eq3A_112 = arith.constant 15 : i32
      %eq3A_113 = arith.cmpi eq, %arg1, %eq3A_112 : i32
      %convert_element_type3A_114 = arith.extui %eq3A_113 : i1 to i32
      %cond3A_115 = arith.constant 0 : i32
      %cond3A_116 = arith.cmpi ne, %convert_element_type3A_114, %cond3A_115 : i32
      scf.if %cond3A_116 {
        "tpu.region"() ({
          %run_scoped3A = tpu.sem_alloc : memref<!tpu.dma_semaphore, #tpu.memory_space<semaphore_mem>>
          %dma_start3A_117 = arith.constant 9360 : i32
          %dma_start3A_118 = arith.constant 0 : i32
          %dma_start3A_119 = tpu.memref_slice %arg19[%dma_start3A_117, %dma_start3A_118] : memref<10000x128xf32, #tpu.memory_space<vmem_shared>> -> memref<640x128xf32, #tpu.memory_space<vmem_shared>>
          %dma_start3A_120 = arith.constant 9360 : i32
          %dma_start3A_121 = arith.constant 0 : i32
          %dma_start3A_122 = tpu.memref_slice %arg5[%dma_start3A_120, %dma_start3A_121] : memref<10000x128xf32, #tpu.memory_space<hbm>> -> memref<640x128xf32, #tpu.memory_space<hbm>>
          tpu.enqueue_dma source(%dma_start3A_122 : memref<640x128xf32, #tpu.memory_space<hbm>>) target(%dma_start3A_119 : memref<640x128xf32, #tpu.memory_space<vmem_shared>>) target_semaphore(%run_scoped3A : memref<!tpu.dma_semaphore, #tpu.memory_space<semaphore_mem>>)
          %dma_wait3A_123 = arith.constant 9360 : i32
          %dma_wait3A_124 = arith.constant 0 : i32
          %dma_wait3A_125 = tpu.memref_slice %arg19[%dma_wait3A_123, %dma_wait3A_124] : memref<10000x128xf32, #tpu.memory_space<vmem_shared>> -> memref<640x128xf32, #tpu.memory_space<vmem_shared>>
          %dma_wait3A_126 = arith.constant 9360 : i32
          %dma_wait3A_127 = arith.constant 0 : i32
          %dma_wait3A_128 = tpu.memref_slice %arg5[%dma_wait3A_126, %dma_wait3A_127] : memref<10000x128xf32, #tpu.memory_space<hbm>> -> memref<640x128xf32, #tpu.memory_space<hbm>>
          tpu.wait_dma2 semaphore(%run_scoped3A : memref<!tpu.dma_semaphore, #tpu.memory_space<semaphore_mem>>) src(%dma_wait3A_128 : memref<640x128xf32, #tpu.memory_space<hbm>>) dst(%dma_wait3A_125 : memref<640x128xf32, #tpu.memory_space<vmem_shared>>)
          tpu.yield
        }) : () -> ()
      } else {
      }
    } else {
    }
    %barrier3A = arith.constant 0 : index
    tpu.barrier barrier_id(%barrier3A)
    %scan3A = arith.constant 0 : i32
    %scan3A_71 = arith.constant 0 : i32
    %scan3A_72 = arith.constant 31 : i32
    %scan3A_73 = arith.addi %scan3A_71, %scan3A_72 : i32
    %scan3A_74 = arith.constant 1 : i32
    scf.for %scan3A_107 = %scan3A_71 to %scan3A_73 step %scan3A_74  : i32 {
      %mul3A_108 = arith.constant 4 : i32
      %mul3A_109 = arith.muli %mul3A_108, %scan3A_107 : i32
      %add3A_110 = arith.constant 0 : i32
      %add3A_111 = arith.addi %mul3A_109, %add3A_110 : i32
      %ge3A = arith.constant 1 : i32
      %ge3A_112 = arith.cmpi sge, %add3A_111, %ge3A : i32
      %convert_element_type3A_113 = arith.extui %ge3A_112 : i1 to i32
      %cond3A_114 = arith.constant 0 : i32
      %cond3A_115 = arith.cmpi ne, %convert_element_type3A_113, %cond3A_114 : i32
      scf.if %cond3A_115 {
        %dma_wait3A_280 = arith.constant 0 : i32
        %dma_wait3A_281 = arith.constant 0 : i32
        %dma_wait3A_282 = tpu.memref_slice %arg19[%dma_wait3A_280, %dma_wait3A_281] : memref<10000x128xf32, #tpu.memory_space<vmem_shared>> -> memref<10000x128xf32, #tpu.memory_space<vmem_shared>>
        tpu.wait_indirect_dma semaphore(%arg35 : memref<!tpu.dma_semaphore, #tpu.memory_space<semaphore_mem>>) src(%arg18 : memref<80x128xf32, #tpu.memory_space<vmem>>) dst(%dma_wait3A_282 : memref<10000x128xf32, #tpu.memory_space<vmem_shared>>)
      } else {
      }
      %ge3A_116 = arith.constant 1 : i32
      %ge3A_117 = arith.cmpi sge, %add3A_111, %ge3A_116 : i32
      %sub3A = arith.constant 1 : i32
      %sub3A_118 = arith.subi %add3A_111, %sub3A : i32
      %add3A_119 = arith.constant 4 : i32
      %add3A_120 = arith.addi %sub3A_118, %add3A_119 : i32
      %lt3A_121 = arith.constant 125 : i32
      %lt3A_122 = arith.cmpi slt, %add3A_120, %lt3A_121 : i32
      %and3A_123 = arith.andi %ge3A_117, %lt3A_122 : i1
      %convert_element_type3A_124 = arith.extui %and3A_123 : i1 to i32
      %cond3A_125 = arith.constant 0 : i32
      %cond3A_126 = arith.cmpi ne, %convert_element_type3A_124, %cond3A_125 : i32
      scf.if %cond3A_126 {
        %sub3A_280 = arith.constant 1 : i32
        %sub3A_281 = arith.subi %add3A_111, %sub3A_280 : i32
        %add3A_282 = arith.constant 4 : i32
        %add3A_283 = arith.addi %sub3A_281, %add3A_282 : i32
        %mul3A_284 = arith.constant 80 : i32
        %mul3A_285 = arith.muli %add3A_283, %mul3A_284 : i32
        %add3A_286 = arith.addi %mul3A_2, %mul3A_285 : i32
        %multiple_of3A_287 = tpu.assume_multiple %add3A_286, 8 : i32
        %dma_start3A_288 = tpu.memref_slice %arg4[%multiple_of3A_287] : memref<320000xi32, #tpu.memory_space<hbm>> -> memref<80xi32, #tpu.memory_space<hbm>>
        %dma_start3A_289 = tpu.memref_slice %arg4[%multiple_of3A_287] : memref<320000xi32, #tpu.memory_space<hbm>> -> memref<80xi32, #tpu.memory_space<hbm>>
        tpu.enqueue_dma source(%dma_start3A_289 : memref<80xi32, #tpu.memory_space<hbm>>) target(%arg14 : memref<80xi32, #tpu.memory_space<vmem>>) target_semaphore(%arg27 : memref<!tpu.dma_semaphore, #tpu.memory_space<semaphore_mem>>)
      } else {
      }
      %add3A_127 = arith.constant 3 : i32
      %add3A_128 = arith.addi %add3A_111, %add3A_127 : i32
      %lt3A_129 = arith.constant 125 : i32
      %lt3A_130 = arith.cmpi slt, %add3A_128, %lt3A_129 : i32
      %convert_element_type3A_131 = arith.extui %lt3A_130 : i1 to i32
      %cond3A_132 = arith.constant 0 : i32
      %cond3A_133 = arith.cmpi ne, %convert_element_type3A_131, %cond3A_132 : i32
      scf.if %cond3A_133 {
        %dma_wait3A_280 = arith.constant 0 : i32
        %dma_wait3A_281 = tpu.memref_slice %arg3[%dma_wait3A_280] : memref<320000xi32, #tpu.memory_space<hbm>> -> memref<80xi32, #tpu.memory_space<hbm>>
        %dma_wait3A_282 = arith.constant 0 : i32
        %dma_wait3A_283 = tpu.memref_slice %arg3[%dma_wait3A_282] : memref<320000xi32, #tpu.memory_space<hbm>> -> memref<80xi32, #tpu.memory_space<hbm>>
        tpu.wait_dma2 semaphore(%arg23 : memref<!tpu.dma_semaphore, #tpu.memory_space<semaphore_mem>>) src(%dma_wait3A_283 : memref<80xi32, #tpu.memory_space<hbm>>) dst(%arg10 : memref<80xi32, #tpu.memory_space<vmem>>)
        %dma_start3A_284 = arith.constant 0 : i32
        %dma_start3A_285 = arith.constant 0 : i32
        %dma_start3A_286 = tpu.memref_slice %arg2[%dma_start3A_284, %dma_start3A_285] : memref<10000x128xf32, #tpu.memory_space<hbm>> -> memref<10000x128xf32, #tpu.memory_space<hbm>>
        tpu.enqueue_indirect_dma source(%dma_start3A_286 : memref<10000x128xf32, #tpu.memory_space<hbm>>) target(%arg18 : memref<80x128xf32, #tpu.memory_space<vmem>>) offsets(%arg10 : memref<80xi32, #tpu.memory_space<vmem>>) semaphore(%arg31 : memref<!tpu.dma_semaphore, #tpu.memory_space<semaphore_mem>>)
      } else {
      }
      %dma_wait3A_134 = arith.constant 0 : i32
      %dma_wait3A_135 = arith.constant 0 : i32
      %dma_wait3A_136 = tpu.memref_slice %arg2[%dma_wait3A_134, %dma_wait3A_135] : memref<10000x128xf32, #tpu.memory_space<hbm>> -> memref<10000x128xf32, #tpu.memory_space<hbm>>
      tpu.wait_indirect_dma semaphore(%arg28 : memref<!tpu.dma_semaphore, #tpu.memory_space<semaphore_mem>>) src(%dma_wait3A_136 : memref<10000x128xf32, #tpu.memory_space<hbm>>) dst(%arg15 : memref<80x128xf32, #tpu.memory_space<vmem>>)
      %dma_wait3A_137 = arith.constant 0 : i32
      %dma_wait3A_138 = tpu.memref_slice %arg4[%dma_wait3A_137] : memref<320000xi32, #tpu.memory_space<hbm>> -> memref<80xi32, #tpu.memory_space<hbm>>
      %dma_wait3A_139 = arith.constant 0 : i32
      %dma_wait3A_140 = tpu.memref_slice %arg4[%dma_wait3A_139] : memref<320000xi32, #tpu.memory_space<hbm>> -> memref<80xi32, #tpu.memory_space<hbm>>
      tpu.wait_dma2 semaphore(%arg24 : memref<!tpu.dma_semaphore, #tpu.memory_space<semaphore_mem>>) src(%dma_wait3A_140 : memref<80xi32, #tpu.memory_space<hbm>>) dst(%arg11 : memref<80xi32, #tpu.memory_space<vmem>>)
      %dma_start3A_141 = arith.constant 0 : i32
      %dma_start3A_142 = arith.constant 0 : i32
      %dma_start3A_143 = tpu.memref_slice %arg19[%dma_start3A_141, %dma_start3A_142] : memref<10000x128xf32, #tpu.memory_space<vmem_shared>> -> memref<10000x128xf32, #tpu.memory_space<vmem_shared>>
      tpu.enqueue_indirect_dma source(%arg15 : memref<80x128xf32, #tpu.memory_space<vmem>>) target(%dma_start3A_143 : memref<10000x128xf32, #tpu.memory_space<vmem_shared>>) offsets(%arg11 : memref<80xi32, #tpu.memory_space<vmem>>) semaphore(%arg32 : memref<!tpu.dma_semaphore, #tpu.memory_space<semaphore_mem>>) {add = true}
      %add3A_144 = arith.constant 4 : i32
      %add3A_145 = arith.addi %add3A_111, %add3A_144 : i32
      %lt3A_146 = arith.constant 125 : i32
      %lt3A_147 = arith.cmpi slt, %add3A_145, %lt3A_146 : i32
      %convert_element_type3A_148 = arith.extui %lt3A_147 : i1 to i32
      %cond3A_149 = arith.constant 0 : i32
      %cond3A_150 = arith.cmpi ne, %convert_element_type3A_148, %cond3A_149 : i32
      scf.if %cond3A_150 {
        %add3A_280 = arith.constant 4 : i32
        %add3A_281 = arith.addi %add3A_111, %add3A_280 : i32
        %mul3A_282 = arith.constant 80 : i32
        %mul3A_283 = arith.muli %add3A_281, %mul3A_282 : i32
        %add3A_284 = arith.addi %mul3A_2, %mul3A_283 : i32
        %multiple_of3A_285 = tpu.assume_multiple %add3A_284, 8 : i32
        %dma_start3A_286 = tpu.memref_slice %arg3[%multiple_of3A_285] : memref<320000xi32, #tpu.memory_space<hbm>> -> memref<80xi32, #tpu.memory_space<hbm>>
        %dma_start3A_287 = tpu.memref_slice %arg3[%multiple_of3A_285] : memref<320000xi32, #tpu.memory_space<hbm>> -> memref<80xi32, #tpu.memory_space<hbm>>
        tpu.enqueue_dma source(%dma_start3A_287 : memref<80xi32, #tpu.memory_space<hbm>>) target(%arg7 : memref<80xi32, #tpu.memory_space<vmem>>) target_semaphore(%arg20 : memref<!tpu.dma_semaphore, #tpu.memory_space<semaphore_mem>>)
      } else {
      }
      %add3A_151 = arith.constant 1 : i32
      %add3A_152 = arith.addi %mul3A_109, %add3A_151 : i32
      %ge3A_153 = arith.constant 1 : i32
      %ge3A_154 = arith.cmpi sge, %add3A_152, %ge3A_153 : i32
      %convert_element_type3A_155 = arith.extui %ge3A_154 : i1 to i32
      %cond3A_156 = arith.constant 0 : i32
      %cond3A_157 = arith.cmpi ne, %convert_element_type3A_155, %cond3A_156 : i32
      scf.if %cond3A_157 {
        %dma_wait3A_280 = arith.constant 0 : i32
        %dma_wait3A_281 = arith.constant 0 : i32
        %dma_wait3A_282 = tpu.memref_slice %arg19[%dma_wait3A_280, %dma_wait3A_281] : memref<10000x128xf32, #tpu.memory_space<vmem_shared>> -> memref<10000x128xf32, #tpu.memory_space<vmem_shared>>
        tpu.wait_indirect_dma semaphore(%arg32 : memref<!tpu.dma_semaphore, #tpu.memory_space<semaphore_mem>>) src(%arg15 : memref<80x128xf32, #tpu.memory_space<vmem>>) dst(%dma_wait3A_282 : memref<10000x128xf32, #tpu.memory_space<vmem_shared>>)
      } else {
      }
      %ge3A_158 = arith.constant 1 : i32
      %ge3A_159 = arith.cmpi sge, %add3A_152, %ge3A_158 : i32
      %sub3A_160 = arith.constant 1 : i32
      %sub3A_161 = arith.subi %add3A_152, %sub3A_160 : i32
      %add3A_162 = arith.constant 4 : i32
      %add3A_163 = arith.addi %sub3A_161, %add3A_162 : i32
      %lt3A_164 = arith.constant 125 : i32
      %lt3A_165 = arith.cmpi slt, %add3A_163, %lt3A_164 : i32
      %and3A_166 = arith.andi %ge3A_159, %lt3A_165 : i1
      %convert_element_type3A_167 = arith.extui %and3A_166 : i1 to i32
      %cond3A_168 = arith.constant 0 : i32
      %cond3A_169 = arith.cmpi ne, %convert_element_type3A_167, %cond3A_168 : i32
      scf.if %cond3A_169 {
        %sub3A_280 = arith.constant 1 : i32
        %sub3A_281 = arith.subi %add3A_152, %sub3A_280 : i32
        %add3A_282 = arith.constant 4 : i32
        %add3A_283 = arith.addi %sub3A_281, %add3A_282 : i32
        %mul3A_284 = arith.constant 80 : i32
        %mul3A_285 = arith.muli %add3A_283, %mul3A_284 : i32
        %add3A_286 = arith.addi %mul3A_2, %mul3A_285 : i32
        %multiple_of3A_287 = tpu.assume_multiple %add3A_286, 8 : i32
        %dma_start3A_288 = tpu.memref_slice %arg4[%multiple_of3A_287] : memref<320000xi32, #tpu.memory_space<hbm>> -> memref<80xi32, #tpu.memory_space<hbm>>
        %dma_start3A_289 = tpu.memref_slice %arg4[%multiple_of3A_287] : memref<320000xi32, #tpu.memory_space<hbm>> -> memref<80xi32, #tpu.memory_space<hbm>>
        tpu.enqueue_dma source(%dma_start3A_289 : memref<80xi32, #tpu.memory_space<hbm>>) target(%arg11 : memref<80xi32, #tpu.memory_space<vmem>>) target_semaphore(%arg24 : memref<!tpu.dma_semaphore, #tpu.memory_space<semaphore_mem>>)
      } else {
      }
      %add3A_170 = arith.constant 3 : i32
      %add3A_171 = arith.addi %add3A_152, %add3A_170 : i32
      %lt3A_172 = arith.constant 125 : i32
      %lt3A_173 = arith.cmpi slt, %add3A_171, %lt3A_172 : i32
      %convert_element_type3A_174 = arith.extui %lt3A_173 : i1 to i32
      %cond3A_175 = arith.constant 0 : i32
      %cond3A_176 = arith.cmpi ne, %convert_element_type3A_174, %cond3A_175 : i32
      scf.if %cond3A_176 {
        %dma_wait3A_280 = arith.constant 0 : i32
        %dma_wait3A_281 = tpu.memref_slice %arg3[%dma_wait3A_280] : memref<320000xi32, #tpu.memory_space<hbm>> -> memref<80xi32, #tpu.memory_space<hbm>>
        %dma_wait3A_282 = arith.constant 0 : i32
        %dma_wait3A_283 = tpu.memref_slice %arg3[%dma_wait3A_282] : memref<320000xi32, #tpu.memory_space<hbm>> -> memref<80xi32, #tpu.memory_space<hbm>>
        tpu.wait_dma2 semaphore(%arg20 : memref<!tpu.dma_semaphore, #tpu.memory_space<semaphore_mem>>) src(%dma_wait3A_283 : memref<80xi32, #tpu.memory_space<hbm>>) dst(%arg7 : memref<80xi32, #tpu.memory_space<vmem>>)
        %dma_start3A_284 = arith.constant 0 : i32
        %dma_start3A_285 = arith.constant 0 : i32
        %dma_start3A_286 = tpu.memref_slice %arg2[%dma_start3A_284, %dma_start3A_285] : memref<10000x128xf32, #tpu.memory_space<hbm>> -> memref<10000x128xf32, #tpu.memory_space<hbm>>
        tpu.enqueue_indirect_dma source(%dma_start3A_286 : memref<10000x128xf32, #tpu.memory_space<hbm>>) target(%arg15 : memref<80x128xf32, #tpu.memory_space<vmem>>) offsets(%arg7 : memref<80xi32, #tpu.memory_space<vmem>>) semaphore(%arg28 : memref<!tpu.dma_semaphore, #tpu.memory_space<semaphore_mem>>)
      } else {
      }
      %dma_wait3A_177 = arith.constant 0 : i32
      %dma_wait3A_178 = arith.constant 0 : i32
      %dma_wait3A_179 = tpu.memref_slice %arg2[%dma_wait3A_177, %dma_wait3A_178] : memref<10000x128xf32, #tpu.memory_space<hbm>> -> memref<10000x128xf32, #tpu.memory_space<hbm>>
      tpu.wait_indirect_dma semaphore(%arg29 : memref<!tpu.dma_semaphore, #tpu.memory_space<semaphore_mem>>) src(%dma_wait3A_179 : memref<10000x128xf32, #tpu.memory_space<hbm>>) dst(%arg16 : memref<80x128xf32, #tpu.memory_space<vmem>>)
      %dma_wait3A_180 = arith.constant 0 : i32
      %dma_wait3A_181 = tpu.memref_slice %arg4[%dma_wait3A_180] : memref<320000xi32, #tpu.memory_space<hbm>> -> memref<80xi32, #tpu.memory_space<hbm>>
      %dma_wait3A_182 = arith.constant 0 : i32
      %dma_wait3A_183 = tpu.memref_slice %arg4[%dma_wait3A_182] : memref<320000xi32, #tpu.memory_space<hbm>> -> memref<80xi32, #tpu.memory_space<hbm>>
      tpu.wait_dma2 semaphore(%arg25 : memref<!tpu.dma_semaphore, #tpu.memory_space<semaphore_mem>>) src(%dma_wait3A_183 : memref<80xi32, #tpu.memory_space<hbm>>) dst(%arg12 : memref<80xi32, #tpu.memory_space<vmem>>)
      %dma_start3A_184 = arith.constant 0 : i32
      %dma_start3A_185 = arith.constant 0 : i32
      %dma_start3A_186 = tpu.memref_slice %arg19[%dma_start3A_184, %dma_start3A_185] : memref<10000x128xf32, #tpu.memory_space<vmem_shared>> -> memref<10000x128xf32, #tpu.memory_space<vmem_shared>>
      tpu.enqueue_indirect_dma source(%arg16 : memref<80x128xf32, #tpu.memory_space<vmem>>) target(%dma_start3A_186 : memref<10000x128xf32, #tpu.memory_space<vmem_shared>>) offsets(%arg12 : memref<80xi32, #tpu.memory_space<vmem>>) semaphore(%arg33 : memref<!tpu.dma_semaphore, #tpu.memory_space<semaphore_mem>>) {add = true}
      %add3A_187 = arith.constant 4 : i32
      %add3A_188 = arith.addi %add3A_152, %add3A_187 : i32
      %lt3A_189 = arith.constant 125 : i32
      %lt3A_190 = arith.cmpi slt, %add3A_188, %lt3A_189 : i32
      %convert_element_type3A_191 = arith.extui %lt3A_190 : i1 to i32
      %cond3A_192 = arith.constant 0 : i32
      %cond3A_193 = arith.cmpi ne, %convert_element_type3A_191, %cond3A_192 : i32
      scf.if %cond3A_193 {
        %add3A_280 = arith.constant 4 : i32
        %add3A_281 = arith.addi %add3A_152, %add3A_280 : i32
        %mul3A_282 = arith.constant 80 : i32
        %mul3A_283 = arith.muli %add3A_281, %mul3A_282 : i32
        %add3A_284 = arith.addi %mul3A_2, %mul3A_283 : i32
        %multiple_of3A_285 = tpu.assume_multiple %add3A_284, 8 : i32
        %dma_start3A_286 = tpu.memref_slice %arg3[%multiple_of3A_285] : memref<320000xi32, #tpu.memory_space<hbm>> -> memref<80xi32, #tpu.memory_space<hbm>>
        %dma_start3A_287 = tpu.memref_slice %arg3[%multiple_of3A_285] : memref<320000xi32, #tpu.memory_space<hbm>> -> memref<80xi32, #tpu.memory_space<hbm>>
        tpu.enqueue_dma source(%dma_start3A_287 : memref<80xi32, #tpu.memory_space<hbm>>) target(%arg8 : memref<80xi32, #tpu.memory_space<vmem>>) target_semaphore(%arg21 : memref<!tpu.dma_semaphore, #tpu.memory_space<semaphore_mem>>)
      } else {
      }
      %add3A_194 = arith.constant 2 : i32
      %add3A_195 = arith.addi %mul3A_109, %add3A_194 : i32
      %ge3A_196 = arith.constant 1 : i32
      %ge3A_197 = arith.cmpi sge, %add3A_195, %ge3A_196 : i32
      %convert_element_type3A_198 = arith.extui %ge3A_197 : i1 to i32
      %cond3A_199 = arith.constant 0 : i32
      %cond3A_200 = arith.cmpi ne, %convert_element_type3A_198, %cond3A_199 : i32
      scf.if %cond3A_200 {
        %dma_wait3A_280 = arith.constant 0 : i32
        %dma_wait3A_281 = arith.constant 0 : i32
        %dma_wait3A_282 = tpu.memref_slice %arg19[%dma_wait3A_280, %dma_wait3A_281] : memref<10000x128xf32, #tpu.memory_space<vmem_shared>> -> memref<10000x128xf32, #tpu.memory_space<vmem_shared>>
        tpu.wait_indirect_dma semaphore(%arg33 : memref<!tpu.dma_semaphore, #tpu.memory_space<semaphore_mem>>) src(%arg16 : memref<80x128xf32, #tpu.memory_space<vmem>>) dst(%dma_wait3A_282 : memref<10000x128xf32, #tpu.memory_space<vmem_shared>>)
      } else {
      }
      %ge3A_201 = arith.constant 1 : i32
      %ge3A_202 = arith.cmpi sge, %add3A_195, %ge3A_201 : i32
      %sub3A_203 = arith.constant 1 : i32
      %sub3A_204 = arith.subi %add3A_195, %sub3A_203 : i32
      %add3A_205 = arith.constant 4 : i32
      %add3A_206 = arith.addi %sub3A_204, %add3A_205 : i32
      %lt3A_207 = arith.constant 125 : i32
      %lt3A_208 = arith.cmpi slt, %add3A_206, %lt3A_207 : i32
      %and3A_209 = arith.andi %ge3A_202, %lt3A_208 : i1
      %convert_element_type3A_210 = arith.extui %and3A_209 : i1 to i32
      %cond3A_211 = arith.constant 0 : i32
      %cond3A_212 = arith.cmpi ne, %convert_element_type3A_210, %cond3A_211 : i32
      scf.if %cond3A_212 {
        %sub3A_280 = arith.constant 1 : i32
        %sub3A_281 = arith.subi %add3A_195, %sub3A_280 : i32
        %add3A_282 = arith.constant 4 : i32
        %add3A_283 = arith.addi %sub3A_281, %add3A_282 : i32
        %mul3A_284 = arith.constant 80 : i32
        %mul3A_285 = arith.muli %add3A_283, %mul3A_284 : i32
        %add3A_286 = arith.addi %mul3A_2, %mul3A_285 : i32
        %multiple_of3A_287 = tpu.assume_multiple %add3A_286, 8 : i32
        %dma_start3A_288 = tpu.memref_slice %arg4[%multiple_of3A_287] : memref<320000xi32, #tpu.memory_space<hbm>> -> memref<80xi32, #tpu.memory_space<hbm>>
        %dma_start3A_289 = tpu.memref_slice %arg4[%multiple_of3A_287] : memref<320000xi32, #tpu.memory_space<hbm>> -> memref<80xi32, #tpu.memory_space<hbm>>
        tpu.enqueue_dma source(%dma_start3A_289 : memref<80xi32, #tpu.memory_space<hbm>>) target(%arg12 : memref<80xi32, #tpu.memory_space<vmem>>) target_semaphore(%arg25 : memref<!tpu.dma_semaphore, #tpu.memory_space<semaphore_mem>>)
      } else {
      }
      %add3A_213 = arith.constant 3 : i32
      %add3A_214 = arith.addi %add3A_195, %add3A_213 : i32
      %lt3A_215 = arith.constant 125 : i32
      %lt3A_216 = arith.cmpi slt, %add3A_214, %lt3A_215 : i32
      %convert_element_type3A_217 = arith.extui %lt3A_216 : i1 to i32
      %cond3A_218 = arith.constant 0 : i32
      %cond3A_219 = arith.cmpi ne, %convert_element_type3A_217, %cond3A_218 : i32
      scf.if %cond3A_219 {
        %dma_wait3A_280 = arith.constant 0 : i32
        %dma_wait3A_281 = tpu.memref_slice %arg3[%dma_wait3A_280] : memref<320000xi32, #tpu.memory_space<hbm>> -> memref<80xi32, #tpu.memory_space<hbm>>
        %dma_wait3A_282 = arith.constant 0 : i32
        %dma_wait3A_283 = tpu.memref_slice %arg3[%dma_wait3A_282] : memref<320000xi32, #tpu.memory_space<hbm>> -> memref<80xi32, #tpu.memory_space<hbm>>
        tpu.wait_dma2 semaphore(%arg21 : memref<!tpu.dma_semaphore, #tpu.memory_space<semaphore_mem>>) src(%dma_wait3A_283 : memref<80xi32, #tpu.memory_space<hbm>>) dst(%arg8 : memref<80xi32, #tpu.memory_space<vmem>>)
        %dma_start3A_284 = arith.constant 0 : i32
        %dma_start3A_285 = arith.constant 0 : i32
        %dma_start3A_286 = tpu.memref_slice %arg2[%dma_start3A_284, %dma_start3A_285] : memref<10000x128xf32, #tpu.memory_space<hbm>> -> memref<10000x128xf32, #tpu.memory_space<hbm>>
        tpu.enqueue_indirect_dma source(%dma_start3A_286 : memref<10000x128xf32, #tpu.memory_space<hbm>>) target(%arg16 : memref<80x128xf32, #tpu.memory_space<vmem>>) offsets(%arg8 : memref<80xi32, #tpu.memory_space<vmem>>) semaphore(%arg29 : memref<!tpu.dma_semaphore, #tpu.memory_space<semaphore_mem>>)
      } else {
      }
      %dma_wait3A_220 = arith.constant 0 : i32
      %dma_wait3A_221 = arith.constant 0 : i32
      %dma_wait3A_222 = tpu.memref_slice %arg2[%dma_wait3A_220, %dma_wait3A_221] : memref<10000x128xf32, #tpu.memory_space<hbm>> -> memref<10000x128xf32, #tpu.memory_space<hbm>>
      tpu.wait_indirect_dma semaphore(%arg30 : memref<!tpu.dma_semaphore, #tpu.memory_space<semaphore_mem>>) src(%dma_wait3A_222 : memref<10000x128xf32, #tpu.memory_space<hbm>>) dst(%arg17 : memref<80x128xf32, #tpu.memory_space<vmem>>)
      %dma_wait3A_223 = arith.constant 0 : i32
      %dma_wait3A_224 = tpu.memref_slice %arg4[%dma_wait3A_223] : memref<320000xi32, #tpu.memory_space<hbm>> -> memref<80xi32, #tpu.memory_space<hbm>>
      %dma_wait3A_225 = arith.constant 0 : i32
      %dma_wait3A_226 = tpu.memref_slice %arg4[%dma_wait3A_225] : memref<320000xi32, #tpu.memory_space<hbm>> -> memref<80xi32, #tpu.memory_space<hbm>>
      tpu.wait_dma2 semaphore(%arg26 : memref<!tpu.dma_semaphore, #tpu.memory_space<semaphore_mem>>) src(%dma_wait3A_226 : memref<80xi32, #tpu.memory_space<hbm>>) dst(%arg13 : memref<80xi32, #tpu.memory_space<vmem>>)
      %dma_start3A_227 = arith.constant 0 : i32
      %dma_start3A_228 = arith.constant 0 : i32
      %dma_start3A_229 = tpu.memref_slice %arg19[%dma_start3A_227, %dma_start3A_228] : memref<10000x128xf32, #tpu.memory_space<vmem_shared>> -> memref<10000x128xf32, #tpu.memory_space<vmem_shared>>
      tpu.enqueue_indirect_dma source(%arg17 : memref<80x128xf32, #tpu.memory_space<vmem>>) target(%dma_start3A_229 : memref<10000x128xf32, #tpu.memory_space<vmem_shared>>) offsets(%arg13 : memref<80xi32, #tpu.memory_space<vmem>>) semaphore(%arg34 : memref<!tpu.dma_semaphore, #tpu.memory_space<semaphore_mem>>) {add = true}
      %add3A_230 = arith.constant 4 : i32
      %add3A_231 = arith.addi %add3A_195, %add3A_230 : i32
      %lt3A_232 = arith.constant 125 : i32
      %lt3A_233 = arith.cmpi slt, %add3A_231, %lt3A_232 : i32
      %convert_element_type3A_234 = arith.extui %lt3A_233 : i1 to i32
      %cond3A_235 = arith.constant 0 : i32
      %cond3A_236 = arith.cmpi ne, %convert_element_type3A_234, %cond3A_235 : i32
      scf.if %cond3A_236 {
        %add3A_280 = arith.constant 4 : i32
        %add3A_281 = arith.addi %add3A_195, %add3A_280 : i32
        %mul3A_282 = arith.constant 80 : i32
        %mul3A_283 = arith.muli %add3A_281, %mul3A_282 : i32
        %add3A_284 = arith.addi %mul3A_2, %mul3A_283 : i32
        %multiple_of3A_285 = tpu.assume_multiple %add3A_284, 8 : i32
        %dma_start3A_286 = tpu.memref_slice %arg3[%multiple_of3A_285] : memref<320000xi32, #tpu.memory_space<hbm>> -> memref<80xi32, #tpu.memory_space<hbm>>
        %dma_start3A_287 = tpu.memref_slice %arg3[%multiple_of3A_285] : memref<320000xi32, #tpu.memory_space<hbm>> -> memref<80xi32, #tpu.memory_space<hbm>>
        tpu.enqueue_dma source(%dma_start3A_287 : memref<80xi32, #tpu.memory_space<hbm>>) target(%arg9 : memref<80xi32, #tpu.memory_space<vmem>>) target_semaphore(%arg22 : memref<!tpu.dma_semaphore, #tpu.memory_space<semaphore_mem>>)
      } else {
      }
      %add3A_237 = arith.constant 3 : i32
      %add3A_238 = arith.addi %mul3A_109, %add3A_237 : i32
      %ge3A_239 = arith.constant 1 : i32
      %ge3A_240 = arith.cmpi sge, %add3A_238, %ge3A_239 : i32
      %convert_element_type3A_241 = arith.extui %ge3A_240 : i1 to i32
      %cond3A_242 = arith.constant 0 : i32
      %cond3A_243 = arith.cmpi ne, %convert_element_type3A_241, %cond3A_242 : i32
      scf.if %cond3A_243 {
        %dma_wait3A_280 = arith.constant 0 : i32
        %dma_wait3A_281 = arith.constant 0 : i32
        %dma_wait3A_282 = tpu.memref_slice %arg19[%dma_wait3A_280, %dma_wait3A_281] : memref<10000x128xf32, #tpu.memory_space<vmem_shared>> -> memref<10000x128xf32, #tpu.memory_space<vmem_shared>>
        tpu.wait_indirect_dma semaphore(%arg34 : memref<!tpu.dma_semaphore, #tpu.memory_space<semaphore_mem>>) src(%arg17 : memref<80x128xf32, #tpu.memory_space<vmem>>) dst(%dma_wait3A_282 : memref<10000x128xf32, #tpu.memory_space<vmem_shared>>)
      } else {
      }
      %ge3A_244 = arith.constant 1 : i32
      %ge3A_245 = arith.cmpi sge, %add3A_238, %ge3A_244 : i32
      %sub3A_246 = arith.constant 1 : i32
      %sub3A_247 = arith.subi %add3A_238, %sub3A_246 : i32
      %add3A_248 = arith.constant 4 : i32
      %add3A_249 = arith.addi %sub3A_247, %add3A_248 : i32
      %lt3A_250 = arith.constant 125 : i32
      %lt3A_251 = arith.cmpi slt, %add3A_249, %lt3A_250 : i32
      %and3A_252 = arith.andi %ge3A_245, %lt3A_251 : i1
      %convert_element_type3A_253 = arith.extui %and3A_252 : i1 to i32
      %cond3A_254 = arith.constant 0 : i32
      %cond3A_255 = arith.cmpi ne, %convert_element_type3A_253, %cond3A_254 : i32
      scf.if %cond3A_255 {
        %sub3A_280 = arith.constant 1 : i32
        %sub3A_281 = arith.subi %add3A_238, %sub3A_280 : i32
        %add3A_282 = arith.constant 4 : i32
        %add3A_283 = arith.addi %sub3A_281, %add3A_282 : i32
        %mul3A_284 = arith.constant 80 : i32
        %mul3A_285 = arith.muli %add3A_283, %mul3A_284 : i32
        %add3A_286 = arith.addi %mul3A_2, %mul3A_285 : i32
        %multiple_of3A_287 = tpu.assume_multiple %add3A_286, 8 : i32
        %dma_start3A_288 = tpu.memref_slice %arg4[%multiple_of3A_287] : memref<320000xi32, #tpu.memory_space<hbm>> -> memref<80xi32, #tpu.memory_space<hbm>>
        %dma_start3A_289 = tpu.memref_slice %arg4[%multiple_of3A_287] : memref<320000xi32, #tpu.memory_space<hbm>> -> memref<80xi32, #tpu.memory_space<hbm>>
        tpu.enqueue_dma source(%dma_start3A_289 : memref<80xi32, #tpu.memory_space<hbm>>) target(%arg13 : memref<80xi32, #tpu.memory_space<vmem>>) target_semaphore(%arg26 : memref<!tpu.dma_semaphore, #tpu.memory_space<semaphore_mem>>)
      } else {
      }
      %add3A_256 = arith.constant 3 : i32
      %add3A_257 = arith.addi %add3A_238, %add3A_256 : i32
      %lt3A_258 = arith.constant 125 : i32
      %lt3A_259 = arith.cmpi slt, %add3A_257, %lt3A_258 : i32
      %convert_element_type3A_260 = arith.extui %lt3A_259 : i1 to i32
      %cond3A_261 = arith.constant 0 : i32
      %cond3A_262 = arith.cmpi ne, %convert_element_type3A_260, %cond3A_261 : i32
      scf.if %cond3A_262 {
        %dma_wait3A_280 = arith.constant 0 : i32
        %dma_wait3A_281 = tpu.memref_slice %arg3[%dma_wait3A_280] : memref<320000xi32, #tpu.memory_space<hbm>> -> memref<80xi32, #tpu.memory_space<hbm>>
        %dma_wait3A_282 = arith.constant 0 : i32
        %dma_wait3A_283 = tpu.memref_slice %arg3[%dma_wait3A_282] : memref<320000xi32, #tpu.memory_space<hbm>> -> memref<80xi32, #tpu.memory_space<hbm>>
        tpu.wait_dma2 semaphore(%arg22 : memref<!tpu.dma_semaphore, #tpu.memory_space<semaphore_mem>>) src(%dma_wait3A_283 : memref<80xi32, #tpu.memory_space<hbm>>) dst(%arg9 : memref<80xi32, #tpu.memory_space<vmem>>)
        %dma_start3A_284 = arith.constant 0 : i32
        %dma_start3A_285 = arith.constant 0 : i32
        %dma_start3A_286 = tpu.memref_slice %arg2[%dma_start3A_284, %dma_start3A_285] : memref<10000x128xf32, #tpu.memory_space<hbm>> -> memref<10000x128xf32, #tpu.memory_space<hbm>>
        tpu.enqueue_indirect_dma source(%dma_start3A_286 : memref<10000x128xf32, #tpu.memory_space<hbm>>) target(%arg17 : memref<80x128xf32, #tpu.memory_space<vmem>>) offsets(%arg9 : memref<80xi32, #tpu.memory_space<vmem>>) semaphore(%arg30 : memref<!tpu.dma_semaphore, #tpu.memory_space<semaphore_mem>>)
      } else {
      }
      %dma_wait3A_263 = arith.constant 0 : i32
      %dma_wait3A_264 = arith.constant 0 : i32
      %dma_wait3A_265 = tpu.memref_slice %arg2[%dma_wait3A_263, %dma_wait3A_264] : memref<10000x128xf32, #tpu.memory_space<hbm>> -> memref<10000x128xf32, #tpu.memory_space<hbm>>
      tpu.wait_indirect_dma semaphore(%arg31 : memref<!tpu.dma_semaphore, #tpu.memory_space<semaphore_mem>>) src(%dma_wait3A_265 : memref<10000x128xf32, #tpu.memory_space<hbm>>) dst(%arg18 : memref<80x128xf32, #tpu.memory_space<vmem>>)
      %dma_wait3A_266 = arith.constant 0 : i32
      %dma_wait3A_267 = tpu.memref_slice %arg4[%dma_wait3A_266] : memref<320000xi32, #tpu.memory_space<hbm>> -> memref<80xi32, #tpu.memory_space<hbm>>
      %dma_wait3A_268 = arith.constant 0 : i32
      %dma_wait3A_269 = tpu.memref_slice %arg4[%dma_wait3A_268] : memref<320000xi32, #tpu.memory_space<hbm>> -> memref<80xi32, #tpu.memory_space<hbm>>
      tpu.wait_dma2 semaphore(%arg27 : memref<!tpu.dma_semaphore, #tpu.memory_space<semaphore_mem>>) src(%dma_wait3A_269 : memref<80xi32, #tpu.memory_space<hbm>>) dst(%arg14 : memref<80xi32, #tpu.memory_space<vmem>>)
      %dma_start3A_270 = arith.constant 0 : i32
      %dma_start3A_271 = arith.constant 0 : i32
      %dma_start3A_272 = tpu.memref_slice %arg19[%dma_start3A_270, %dma_start3A_271] : memref<10000x128xf32, #tpu.memory_space<vmem_shared>> -> memref<10000x128xf32, #tpu.memory_space<vmem_shared>>
      tpu.enqueue_indirect_dma source(%arg18 : memref<80x128xf32, #tpu.memory_space<vmem>>) target(%dma_start3A_272 : memref<10000x128xf32, #tpu.memory_space<vmem_shared>>) offsets(%arg14 : memref<80xi32, #tpu.memory_space<vmem>>) semaphore(%arg35 : memref<!tpu.dma_semaphore, #tpu.memory_space<semaphore_mem>>) {add = true}
      %add3A_273 = arith.constant 4 : i32
      %add3A_274 = arith.addi %add3A_238, %add3A_273 : i32
      %lt3A_275 = arith.constant 125 : i32
      %lt3A_276 = arith.cmpi slt, %add3A_274, %lt3A_275 : i32
      %convert_element_type3A_277 = arith.extui %lt3A_276 : i1 to i32
      %cond3A_278 = arith.constant 0 : i32
      %cond3A_279 = arith.cmpi ne, %convert_element_type3A_277, %cond3A_278 : i32
      scf.if %cond3A_279 {
        %add3A_280 = arith.constant 4 : i32
        %add3A_281 = arith.addi %add3A_238, %add3A_280 : i32
        %mul3A_282 = arith.constant 80 : i32
        %mul3A_283 = arith.muli %add3A_281, %mul3A_282 : i32
        %add3A_284 = arith.addi %mul3A_2, %mul3A_283 : i32
        %multiple_of3A_285 = tpu.assume_multiple %add3A_284, 8 : i32
        %dma_start3A_286 = tpu.memref_slice %arg3[%multiple_of3A_285] : memref<320000xi32, #tpu.memory_space<hbm>> -> memref<80xi32, #tpu.memory_space<hbm>>
        %dma_start3A_287 = tpu.memref_slice %arg3[%multiple_of3A_285] : memref<320000xi32, #tpu.memory_space<hbm>> -> memref<80xi32, #tpu.memory_space<hbm>>
        tpu.enqueue_dma source(%dma_start3A_287 : memref<80xi32, #tpu.memory_space<hbm>>) target(%arg10 : memref<80xi32, #tpu.memory_space<vmem>>) target_semaphore(%arg23 : memref<!tpu.dma_semaphore, #tpu.memory_space<semaphore_mem>>)
      } else {
      }
    }
    %scan3A_75 = arith.constant 31 : i32
    %dma_wait3A_76 = arith.constant 0 : i32
    %dma_wait3A_77 = arith.constant 0 : i32
    %dma_wait3A_78 = tpu.memref_slice %arg19[%dma_wait3A_76, %dma_wait3A_77] : memref<10000x128xf32, #tpu.memory_space<vmem_shared>> -> memref<10000x128xf32, #tpu.memory_space<vmem_shared>>
    tpu.wait_indirect_dma semaphore(%arg35 : memref<!tpu.dma_semaphore, #tpu.memory_space<semaphore_mem>>) src(%arg18 : memref<80x128xf32, #tpu.memory_space<vmem>>) dst(%dma_wait3A_78 : memref<10000x128xf32, #tpu.memory_space<vmem_shared>>)
    %and3A = arith.constant true
    %and3A_79 = arith.constant false
    %and3A_80 = arith.andi %and3A, %and3A_79 : i1
    %convert_element_type3A_81 = arith.extui %and3A_80 : i1 to i32
    %cond3A_82 = arith.constant 0 : i32
    %cond3A_83 = arith.cmpi ne, %convert_element_type3A_81, %cond3A_82 : i32
    scf.if %cond3A_83 {
      %add3A_107 = arith.constant 10160 : i32
      %add3A_108 = arith.addi %mul3A_2, %add3A_107 : i32
      %multiple_of3A_109 = tpu.assume_multiple %add3A_108, 8 : i32
      %dma_start3A_110 = tpu.memref_slice %arg4[%multiple_of3A_109] : memref<320000xi32, #tpu.memory_space<hbm>> -> memref<80xi32, #tpu.memory_space<hbm>>
      %dma_start3A_111 = tpu.memref_slice %arg4[%multiple_of3A_109] : memref<320000xi32, #tpu.memory_space<hbm>> -> memref<80xi32, #tpu.memory_space<hbm>>
      tpu.enqueue_dma source(%dma_start3A_111 : memref<80xi32, #tpu.memory_space<hbm>>) target(%arg14 : memref<80xi32, #tpu.memory_space<vmem>>) target_semaphore(%arg27 : memref<!tpu.dma_semaphore, #tpu.memory_space<semaphore_mem>>)
    } else {
    }
    %dma_wait3A_84 = arith.constant 0 : i32
    %dma_wait3A_85 = arith.constant 0 : i32
    %dma_wait3A_86 = tpu.memref_slice %arg2[%dma_wait3A_84, %dma_wait3A_85] : memref<10000x128xf32, #tpu.memory_space<hbm>> -> memref<10000x128xf32, #tpu.memory_space<hbm>>
    tpu.wait_indirect_dma semaphore(%arg28 : memref<!tpu.dma_semaphore, #tpu.memory_space<semaphore_mem>>) src(%dma_wait3A_86 : memref<10000x128xf32, #tpu.memory_space<hbm>>) dst(%arg15 : memref<80x128xf32, #tpu.memory_space<vmem>>)
    %dma_wait3A_87 = arith.constant 0 : i32
    %dma_wait3A_88 = tpu.memref_slice %arg4[%dma_wait3A_87] : memref<320000xi32, #tpu.memory_space<hbm>> -> memref<80xi32, #tpu.memory_space<hbm>>
    %dma_wait3A_89 = arith.constant 0 : i32
    %dma_wait3A_90 = tpu.memref_slice %arg4[%dma_wait3A_89] : memref<320000xi32, #tpu.memory_space<hbm>> -> memref<80xi32, #tpu.memory_space<hbm>>
    tpu.wait_dma2 semaphore(%arg24 : memref<!tpu.dma_semaphore, #tpu.memory_space<semaphore_mem>>) src(%dma_wait3A_90 : memref<80xi32, #tpu.memory_space<hbm>>) dst(%arg11 : memref<80xi32, #tpu.memory_space<vmem>>)
    %dma_start3A_91 = arith.constant 0 : i32
    %dma_start3A_92 = arith.constant 0 : i32
    %dma_start3A_93 = tpu.memref_slice %arg19[%dma_start3A_91, %dma_start3A_92] : memref<10000x128xf32, #tpu.memory_space<vmem_shared>> -> memref<10000x128xf32, #tpu.memory_space<vmem_shared>>
    tpu.enqueue_indirect_dma source(%arg15 : memref<80x128xf32, #tpu.memory_space<vmem>>) target(%dma_start3A_93 : memref<10000x128xf32, #tpu.memory_space<vmem_shared>>) offsets(%arg11 : memref<80xi32, #tpu.memory_space<vmem>>) semaphore(%arg32 : memref<!tpu.dma_semaphore, #tpu.memory_space<semaphore_mem>>) {add = true}
    %dma_wait3A_94 = arith.constant 0 : i32
    %dma_wait3A_95 = arith.constant 0 : i32
    %dma_wait3A_96 = tpu.memref_slice %arg19[%dma_wait3A_94, %dma_wait3A_95] : memref<10000x128xf32, #tpu.memory_space<vmem_shared>> -> memref<10000x128xf32, #tpu.memory_space<vmem_shared>>
    tpu.wait_indirect_dma semaphore(%arg32 : memref<!tpu.dma_semaphore, #tpu.memory_space<semaphore_mem>>) src(%arg15 : memref<80x128xf32, #tpu.memory_space<vmem>>) dst(%dma_wait3A_96 : memref<10000x128xf32, #tpu.memory_space<vmem_shared>>)
    %barrier3A_97 = arith.constant 0 : index
    tpu.barrier barrier_id(%barrier3A_97)
    %lt3A = arith.constant 15 : i32
    %lt3A_98 = arith.cmpi slt, %arg1, %lt3A : i32
    %convert_element_type3A_99 = arith.extui %lt3A_98 : i1 to i32
    %cond3A_100 = arith.constant 0 : i32
    %cond3A_101 = arith.cmpi ne, %convert_element_type3A_99, %cond3A_100 : i32
    scf.if %cond3A_101 {
      "tpu.region"() ({
        %run_scoped3A = tpu.sem_alloc : memref<!tpu.dma_semaphore, #tpu.memory_space<semaphore_mem>>
        %dma_start3A_107 = arith.constant 0 : i32
        %dma_start3A_108 = tpu.memref_slice %arg6[%arg0, %multiple_of3A_63, %dma_start3A_107] : memref<2x10000x128xf32, #tpu.memory_space<hbm>> -> memref<1x624x128xf32, #tpu.memory_space<hbm>>
        %dma_start3A_109 = tpu.memref_squeeze %dma_start3A_108 : memref<1x624x128xf32, #tpu.memory_space<hbm>> -> memref<624x128xf32, #tpu.memory_space<hbm>>
        %dma_start3A_110 = arith.constant 0 : i32
        %dma_start3A_111 = tpu.memref_slice %arg19[%multiple_of3A_63, %dma_start3A_110] : memref<10000x128xf32, #tpu.memory_space<vmem_shared>> -> memref<624x128xf32, #tpu.memory_space<vmem_shared>>
        tpu.enqueue_dma source(%dma_start3A_111 : memref<624x128xf32, #tpu.memory_space<vmem_shared>>) target(%dma_start3A_109 : memref<624x128xf32, #tpu.memory_space<hbm>>) target_semaphore(%run_scoped3A : memref<!tpu.dma_semaphore, #tpu.memory_space<semaphore_mem>>)
        %dma_wait3A_112 = arith.constant 0 : i32
        %dma_wait3A_113 = tpu.memref_slice %arg6[%arg0, %multiple_of3A_63, %dma_wait3A_112] : memref<2x10000x128xf32, #tpu.memory_space<hbm>> -> memref<1x624x128xf32, #tpu.memory_space<hbm>>
        %dma_wait3A_114 = tpu.memref_squeeze %dma_wait3A_113 : memref<1x624x128xf32, #tpu.memory_space<hbm>> -> memref<624x128xf32, #tpu.memory_space<hbm>>
        %dma_wait3A_115 = arith.constant 0 : i32
        %dma_wait3A_116 = tpu.memref_slice %arg19[%multiple_of3A_63, %dma_wait3A_115] : memref<10000x128xf32, #tpu.memory_space<vmem_shared>> -> memref<624x128xf32, #tpu.memory_space<vmem_shared>>
        tpu.wait_dma2 semaphore(%run_scoped3A : memref<!tpu.dma_semaphore, #tpu.memory_space<semaphore_mem>>) src(%dma_wait3A_116 : memref<624x128xf32, #tpu.memory_space<vmem_shared>>) dst(%dma_wait3A_114 : memref<624x128xf32, #tpu.memory_space<hbm>>)
        tpu.yield
      }) : () -> ()
    } else {
    }
    %eq3A_102 = arith.constant 15 : i32
    %eq3A_103 = arith.cmpi eq, %arg1, %eq3A_102 : i32
    %convert_element_type3A_104 = arith.extui %eq3A_103 : i1 to i32
    %cond3A_105 = arith.constant 0 : i32
    %cond3A_106 = arith.cmpi ne, %convert_element_type3A_104, %cond3A_105 : i32
    scf.if %cond3A_106 {
      "tpu.region"() ({
        %run_scoped3A = tpu.sem_alloc : memref<!tpu.dma_semaphore, #tpu.memory_space<semaphore_mem>>
        %dma_start3A_107 = arith.constant 9360 : i32
        %dma_start3A_108 = arith.constant 0 : i32
        %dma_start3A_109 = tpu.memref_slice %arg6[%arg0, %dma_start3A_107, %dma_start3A_108] : memref<2x10000x128xf32, #tpu.memory_space<hbm>> -> memref<1x640x128xf32, #tpu.memory_space<hbm>>
        %dma_start3A_110 = tpu.memref_squeeze %dma_start3A_109 : memref<1x640x128xf32, #tpu.memory_space<hbm>> -> memref<640x128xf32, #tpu.memory_space<hbm>>
        %dma_start3A_111 = arith.constant 9360 : i32
        %dma_start3A_112 = arith.constant 0 : i32
        %dma_start3A_113 = tpu.memref_slice %arg19[%dma_start3A_111, %dma_start3A_112] : memref<10000x128xf32, #tpu.memory_space<vmem_shared>> -> memref<640x128xf32, #tpu.memory_space<vmem_shared>>
        tpu.enqueue_dma source(%dma_start3A_113 : memref<640x128xf32, #tpu.memory_space<vmem_shared>>) target(%dma_start3A_110 : memref<640x128xf32, #tpu.memory_space<hbm>>) target_semaphore(%run_scoped3A : memref<!tpu.dma_semaphore, #tpu.memory_space<semaphore_mem>>)
        %dma_wait3A_114 = arith.constant 9360 : i32
        %dma_wait3A_115 = arith.constant 0 : i32
        %dma_wait3A_116 = tpu.memref_slice %arg6[%arg0, %dma_wait3A_114, %dma_wait3A_115] : memref<2x10000x128xf32, #tpu.memory_space<hbm>> -> memref<1x640x128xf32, #tpu.memory_space<hbm>>
        %dma_wait3A_117 = tpu.memref_squeeze %dma_wait3A_116 : memref<1x640x128xf32, #tpu.memory_space<hbm>> -> memref<640x128xf32, #tpu.memory_space<hbm>>
        %dma_wait3A_118 = arith.constant 9360 : i32
        %dma_wait3A_119 = arith.constant 0 : i32
        %dma_wait3A_120 = tpu.memref_slice %arg19[%dma_wait3A_118, %dma_wait3A_119] : memref<10000x128xf32, #tpu.memory_space<vmem_shared>> -> memref<640x128xf32, #tpu.memory_space<vmem_shared>>
        tpu.wait_dma2 semaphore(%run_scoped3A : memref<!tpu.dma_semaphore, #tpu.memory_space<semaphore_mem>>) src(%dma_wait3A_120 : memref<640x128xf32, #tpu.memory_space<vmem_shared>>) dst(%dma_wait3A_117 : memref<640x128xf32, #tpu.memory_space<hbm>>)
        tpu.yield
      }) : () -> ()
    } else {
    }
    return
  }
}

module attributes {stable_mosaic.version = 14 : i64} {
  func.func @_tc2_body(%arg0: memref<32x10000xf32, #tpu.memory_space<vmem>>, %arg1: memref<2x10000x128xf32, #tpu.memory_space<vmem>>, %arg2: memref<128xf32, #tpu.memory_space<vmem>>, %arg3: memref<128x128xf32, #tpu.memory_space<vmem>>, %arg4: memref<10000x128xf32, #tpu.memory_space<vmem>>) attributes {dimension_semantics = [], scalar_prefetch = 0 : i64, scratch_operands = 0 : i64, tpu.core_type = #tpu.core_type<tc>} {
    %get3A = arith.constant 0 : index
    %get3A_0 = arith.constant 0 : index
    %get3A_1 = vector.load %arg0[%get3A, %get3A_0] : memref<32x10000xf32, #tpu.memory_space<vmem>>, vector<32x10000xf32>
    %reduce_sum3A = arith.constant dense<0.000000e+00> : vector<10000xf32>
    %reduce_sum3A_2 = vector.multi_reduction <add>, %get3A_1, %reduce_sum3A [0] : vector<32x10000xf32> to vector<10000xf32>
    %add3A = arith.constant 1.000000e+00 : f32
    %add3A_3 = vector.broadcast %add3A : f32 to vector<10000xf32>
    %add3A_4 = arith.addf %reduce_sum3A_2, %add3A_3 : vector<10000xf32>
    %rsqrt3A = math.rsqrt %add3A_4 : vector<10000xf32>
    %broadcast_in_dim3A = vector.shape_cast %rsqrt3A : vector<10000xf32> to vector<10000x1xf32>
    %get3A_5 = arith.constant 0 : index
    %get3A_6 = arith.constant 0 : index
    %get3A_7 = arith.constant 0 : index
    %get3A_8 = vector.load %arg1[%get3A_5, %get3A_6, %get3A_7] : memref<2x10000x128xf32, #tpu.memory_space<vmem>>, vector<1x10000x128xf32>
    %get3A_9 = vector.shape_cast %get3A_8 : vector<1x10000x128xf32> to vector<10000x128xf32>
    %get3A_10 = arith.constant 1 : index
    %get3A_11 = arith.constant 0 : index
    %get3A_12 = arith.constant 0 : index
    %get3A_13 = vector.load %arg1[%get3A_10, %get3A_11, %get3A_12] : memref<2x10000x128xf32, #tpu.memory_space<vmem>>, vector<1x10000x128xf32>
    %get3A_14 = vector.shape_cast %get3A_13 : vector<1x10000x128xf32> to vector<10000x128xf32>
    %add3A_15 = arith.addf %get3A_9, %get3A_14 : vector<10000x128xf32>
    %mul3A = vector.broadcast %broadcast_in_dim3A : vector<10000x1xf32> to vector<10000x128xf32>
    %mul3A_16 = arith.mulf %add3A_15, %mul3A : vector<10000x128xf32>
    %get3A_17 = arith.constant 0 : index
    %get3A_18 = vector.load %arg2[%get3A_17] : memref<128xf32, #tpu.memory_space<vmem>>, vector<128xf32>
    %broadcast_in_dim3A_19 = vector.shape_cast %get3A_18 : vector<128xf32> to vector<1x128xf32>
    %add3A_20 = vector.broadcast %broadcast_in_dim3A_19 : vector<1x128xf32> to vector<10000x128xf32>
    %add3A_21 = arith.addf %mul3A_16, %add3A_20 : vector<10000x128xf32>
    %max3A = arith.constant 0.000000e+00 : f32
    %max3A_22 = vector.broadcast %max3A : f32 to vector<10000x128xf32>
    %max3A_23 = arith.maximumf %add3A_21, %max3A_22 : vector<10000x128xf32>
    %get3A_24 = arith.constant 0 : index
    %get3A_25 = arith.constant 0 : index
    %get3A_26 = vector.load %arg3[%get3A_24, %get3A_25] : memref<128x128xf32, #tpu.memory_space<vmem>>, vector<128x128xf32>
    %dot_general3A = arith.constant dense<0.000000e+00> : vector<10000x128xf32>
    %dot_general3A_27 = tpu.matmul %max3A_23, %get3A_26, %dot_general3A {dimension_numbers = #tpu.dot_dimension_numbers<[1], [0], [0], [1], [0, 0, 1, 1], [], []>, transpose_lhs_hint = false} : vector<10000x128xf32>, vector<128x128xf32>, vector<10000x128xf32> -> vector<10000x128xf32>
    %mul3A_28 = vector.broadcast %broadcast_in_dim3A : vector<10000x1xf32> to vector<10000x128xf32>
    %mul3A_29 = arith.mulf %dot_general3A_27, %mul3A_28 : vector<10000x128xf32>
    %swap3A = arith.constant 0 : index
    %swap3A_30 = arith.constant 0 : index
    %swap3A_31 = vector.load %arg4[%swap3A, %swap3A_30] : memref<10000x128xf32, #tpu.memory_space<vmem>>, vector<10000x128xf32>
    tpu.vector_store %arg4[%swap3A, %swap3A_30], %mul3A_29 {strides = array<i32>} : memref<10000x128xf32, #tpu.memory_space<vmem>>, vector<10000x128xf32>,
    return
  }
}

module attributes {stable_mosaic.version = 14 : i64} {
  func.func @_tc1_body(%arg0: memref<32x10000xf32, #tpu.memory_space<vmem>>, %arg1: memref<10000x128xf32, #tpu.memory_space<vmem>>, %arg2: memref<128x128xf32, #tpu.memory_space<vmem>>, %arg3: memref<10000x128xf32, #tpu.memory_space<vmem>>) attributes {dimension_semantics = [], scalar_prefetch = 0 : i64, scratch_operands = 0 : i64, tpu.core_type = #tpu.core_type<tc>} {
    %get3A = arith.constant 0 : index
    %get3A_0 = arith.constant 0 : index
    %get3A_1 = vector.load %arg1[%get3A, %get3A_0] : memref<10000x128xf32, #tpu.memory_space<vmem>>, vector<10000x128xf32>
    %get3A_2 = arith.constant 0 : index
    %get3A_3 = arith.constant 0 : index
    %get3A_4 = vector.load %arg2[%get3A_2, %get3A_3] : memref<128x128xf32, #tpu.memory_space<vmem>>, vector<128x128xf32>
    %dot_general3A = arith.constant dense<0.000000e+00> : vector<10000x128xf32>
    %dot_general3A_5 = tpu.matmul %get3A_1, %get3A_4, %dot_general3A {dimension_numbers = #tpu.dot_dimension_numbers<[1], [0], [0], [1], [0, 0, 1, 1], [], []>, transpose_lhs_hint = false} : vector<10000x128xf32>, vector<128x128xf32>, vector<10000x128xf32> -> vector<10000x128xf32>
    %get3A_6 = arith.constant 0 : index
    %get3A_7 = arith.constant 0 : index
    %get3A_8 = vector.load %arg0[%get3A_6, %get3A_7] : memref<32x10000xf32, #tpu.memory_space<vmem>>, vector<32x10000xf32>
    %reduce_sum3A = arith.constant dense<0.000000e+00> : vector<10000xf32>
    %reduce_sum3A_9 = vector.multi_reduction <add>, %get3A_8, %reduce_sum3A [0] : vector<32x10000xf32> to vector<10000xf32>
    %add3A = arith.constant 1.000000e+00 : f32
    %add3A_10 = vector.broadcast %add3A : f32 to vector<10000xf32>
    %add3A_11 = arith.addf %reduce_sum3A_9, %add3A_10 : vector<10000xf32>
    %rsqrt3A = math.rsqrt %add3A_11 : vector<10000xf32>
    %broadcast_in_dim3A = vector.shape_cast %rsqrt3A : vector<10000xf32> to vector<10000x1xf32>
    %mul3A = vector.broadcast %broadcast_in_dim3A : vector<10000x1xf32> to vector<10000x128xf32>
    %mul3A_12 = arith.mulf %dot_general3A_5, %mul3A : vector<10000x128xf32>
    %swap3A = arith.constant 0 : index
    %swap3A_13 = arith.constant 0 : index
    %swap3A_14 = vector.load %arg3[%swap3A, %swap3A_13] : memref<10000x128xf32, #tpu.memory_space<vmem>>, vector<10000x128xf32>
    tpu.vector_store %arg3[%swap3A, %swap3A_13], %mul3A_12 {strides = array<i32>} : memref<10000x128xf32, #tpu.memory_space<vmem>>, vector<10000x128xf32>,
    return
  }
}

module attributes {stable_mosaic.version = 14 : i64} {
  func.func @_tc3_body(%arg0: memref<32x10000xf32, #tpu.memory_space<vmem>>, %arg1: memref<2x10000x128xf32, #tpu.memory_space<vmem>>, %arg2: memref<128xf32, #tpu.memory_space<vmem>>, %arg3: memref<10000x128xf32, #tpu.memory_space<vmem>>) attributes {dimension_semantics = [], scalar_prefetch = 0 : i64, scratch_operands = 0 : i64, tpu.core_type = #tpu.core_type<tc>} {
    %get3A = arith.constant 0 : index
    %get3A_0 = arith.constant 0 : index
    %get3A_1 = arith.constant 0 : index
    %get3A_2 = vector.load %arg1[%get3A, %get3A_0, %get3A_1] : memref<2x10000x128xf32, #tpu.memory_space<vmem>>, vector<1x10000x128xf32>
    %get3A_3 = vector.shape_cast %get3A_2 : vector<1x10000x128xf32> to vector<10000x128xf32>
    %get3A_4 = arith.constant 1 : index
    %get3A_5 = arith.constant 0 : index
    %get3A_6 = arith.constant 0 : index
    %get3A_7 = vector.load %arg1[%get3A_4, %get3A_5, %get3A_6] : memref<2x10000x128xf32, #tpu.memory_space<vmem>>, vector<1x10000x128xf32>
    %get3A_8 = vector.shape_cast %get3A_7 : vector<1x10000x128xf32> to vector<10000x128xf32>
    %add3A = arith.addf %get3A_3, %get3A_8 : vector<10000x128xf32>
    %get3A_9 = arith.constant 0 : index
    %get3A_10 = arith.constant 0 : index
    %get3A_11 = vector.load %arg0[%get3A_9, %get3A_10] : memref<32x10000xf32, #tpu.memory_space<vmem>>, vector<32x10000xf32>
    %reduce_sum3A = arith.constant dense<0.000000e+00> : vector<10000xf32>
    %reduce_sum3A_12 = vector.multi_reduction <add>, %get3A_11, %reduce_sum3A [0] : vector<32x10000xf32> to vector<10000xf32>
    %add3A_13 = arith.constant 1.000000e+00 : f32
    %add3A_14 = vector.broadcast %add3A_13 : f32 to vector<10000xf32>
    %add3A_15 = arith.addf %reduce_sum3A_12, %add3A_14 : vector<10000xf32>
    %rsqrt3A = math.rsqrt %add3A_15 : vector<10000xf32>
    %broadcast_in_dim3A = vector.shape_cast %rsqrt3A : vector<10000xf32> to vector<10000x1xf32>
    %mul3A = vector.broadcast %broadcast_in_dim3A : vector<10000x1xf32> to vector<10000x128xf32>
    %mul3A_16 = arith.mulf %add3A, %mul3A : vector<10000x128xf32>
    %get3A_17 = arith.constant 0 : index
    %get3A_18 = vector.load %arg2[%get3A_17] : memref<128xf32, #tpu.memory_space<vmem>>, vector<128xf32>
    %broadcast_in_dim3A_19 = vector.shape_cast %get3A_18 : vector<128xf32> to vector<1x128xf32>
    %add3A_20 = vector.broadcast %broadcast_in_dim3A_19 : vector<1x128xf32> to vector<10000x128xf32>
    %add3A_21 = arith.addf %mul3A_16, %add3A_20 : vector<10000x128xf32>
    %swap3A = arith.constant 0 : index
    %swap3A_22 = arith.constant 0 : index
    %swap3A_23 = vector.load %arg3[%swap3A, %swap3A_22] : memref<10000x128xf32, #tpu.memory_space<vmem>>, vector<10000x128xf32>
    tpu.vector_store %arg3[%swap3A, %swap3A_22], %add3A_21 {strides = array<i32>} : memref<10000x128xf32, #tpu.memory_space<vmem>>, vector<10000x128xf32>,
    return
  }
}

</mosaic_0001>

<sc_bundles>
// kernel: kernel.11.cloned.1.call-start
scs
__scs_entry_jumppad:
0x0: {  	(pc) =	sbr.rel $0x88, $3  }
0x1: {  	(tag) =	ssettag $0x0;
	lr =	simm.s32 $0x1  }
0x2: {  	[smem:$0x3F9B] =	sst lr;
	_ =	strace $0xD0000000  }
0x3: {  	_ = 	snop  }
0x4: {  	_ = 	snop  }
0x5: {  	_ = 	snop  }
0x6: {  	_ = 	snop  }
0x7: {  	_ = 	snop  }
__scs_overlays_trampoline_lowered:
0x8: {  	[smem:$0x3FAA] =	sst s0  }
0x9: {  	[smem:$0x3FAB] =	sst s1  }
0xa: {  	[smem:$0x3FAC] =	sst s2  }
0xb: {  	[smem:$0x3FAD] =	sst s3  }
0xc: {  	[smem:$0x3FAE] =	sst s4  }
0xd: {  	[smem:$0x3FAF] =	sst s5  }
0xe: {  	[smem:$0x3FB0] =	sst s6  }
0xf: {  	[smem:$0x3FB1] =	sst s7  }
0x10: {  	[smem:$0x3FB2] =	sst s8  }
0x11: {  	[smem:$0x3FB3] =	sst s9;
	s0 =	simm.s32 @!p0 $0x0  }
0x12: {  	s1 =	sld [smem:$0x3F99];
	s0 =	simm.s32 @p0 $0x1  }
0x13: {  	[smem:$0x3FB4] =	sst s0;
	s0 =	simm.s32 @!p1 $0x0  }
0x14: {  	s2 =	sld [smem:$0x3F98];
	s0 =	simm.s32 @p1 $0x1  }
0x15: {  	[smem:$0x3FB5] =	sst s0;
	s0 =	simm.s32 @!p2 $0x0  }
0x16: {  	s3 =	sld [smem:$0x3FDB];
	s0 =	simm.s32 @p2 $0x1  }
0x17: {  	s4 =	simm.s32 $0x1BF5;
	[smem:$0x3FB7] =	sst s0  }
0x18: {  	s0 =	sld [smem:$0x3F9A];
	_ =	swait.ge [sflag:s4], $0x0  }
0x19: {  	s7 =	sld [smem:$0x3F9B]  }
0x1a: {  	s8 =	sadd.s32 $0xFFFFE003, lr  }
0x1b: {  	s9 =	sadd.s32 $0xFFFFFEF7, lr;
	s5 =	simm.s32 $0xFFFFFFFF;
	p2 =	slt.u32 s8, $0xFFFFF086  }
0x1c: {  	p1 =	slt.u32 s9, $0xF7A;
	s5 =	simm.s32 @!p2 $0x0  }
0x1d: {  	s5 =	simm.s32 @p1 $0x1;
	p0 =	seq.s32 s7, s2  }
0x1e: {  	s7 =	smul.u32 @!p0 $0xF7A, s2;
	p2 =	seq.s32 @!p0 s5, $0x0  }
0x1f: {  	s9 =	smul.u32 $0xF7A, s1;
	s8 =	simm.s32 @!p0 $0x1BF5;
	p2 =	por !p2, p0  }
0x20: {  	[sflag:s8] =	ssyncset.s32 @!p0 $0xFFFFF086;
	s6 =	sadd.s32 @!p0 s3, s7;
	s7 =	simm.s32 @!p0 $0x108  }
0x21: {  	s3 =	sadd.s32 s3, s9;
	s6 =	sadd.s32 @!p0 $0x88, s6;
	s7 =	simm.s32 @p2 $0x1082  }
0x22: {  	[simem:s7], [sflag:s8] =	dma.local @!p0 [hbm:s6], $0xF7A  }
0x23: {  	s9 =	sor.u32 $0xD0000000, s2;
	s6 =	simm.s32 $0x108;
	_ =	swait.ge @!p0 [sflag:s8], $0x0  }
0x24: {  	s3 =	sadd.s32 $0x88, s3;
	s6 =	simm.s32 @!p1 $0x1082;
	[sflag:s4] =	ssyncset.s32 $0xFFFFF086  }
0x25: {  	[simem:s6], [sflag:s4] =	dma.local [hbm:s3], $0xF7A  }
0x26: {  	[smem:$0x3F9B] =	sst s1;
	(tag) =	ssettag s2;
	_ =	strace s9  }
0x27: {  	s1 =	sld [smem:$0x3FAB]  }
0x28: {  	s2 =	sld [smem:$0x3FAC]  }
0x29: {  	s4 =	sld [smem:$0x3FAE]  }
0x2a: {  	p0 =	seq.s32 s5, $0x0;
	s5 =	sld [smem:$0x3FAF]  }
0x2b: {  	s6 =	sld [smem:$0x3FB0]  }
0x2c: {  	s7 =	sld [smem:$0x3FB1]  }
0x2d: {  	s3 =	simm.s32 $0x108;
	s8 =	sld [smem:$0x3FB2]  }
0x2e: {  	s3 =	simm.s32 @!p0 $0x1082;
	s9 =	sld [smem:$0x3FB3]  }
0x2f: {  	lr =	sadd.s32 s0, s3;
	s0 =	sld [smem:$0x3FAA]  }
0x30: {  	s3 =	sld [smem:$0x3FAD]  }
0x31: {  	[smem:$0x3FB6] =	sst s10  }
0x32: {  	s10 =	sld [smem:$0x3FB4];
	_ =	sdelay $0x3  }
0x33: {  	p0 =	seq.s32 s10, $0x1;
	s10 =	sld [smem:$0x3FB6];
	_ =	sdelay $0x3  }
0x34: {  	[smem:$0x3FB6] =	sst s10  }
0x35: {  	s10 =	sld [smem:$0x3FB5];
	_ =	sdelay $0x3  }
0x36: {  	p1 =	seq.s32 s10, $0x1;
	s10 =	sld [smem:$0x3FB6];
	_ =	sdelay $0x3  }
0x37: {  	[smem:$0x3FB6] =	sst s10  }
0x38: {  	s10 =	sld [smem:$0x3FB7]  }
0x39: {  	_ = 	snop;
	(pc) =	sbr.ind lr, $3  }
0x3a: {  	_ = 	snop  }
0x3b: {  	_ = 	snop  }
0x3c: {  	p2 =	seq.s32 s10, $0x1;
	s10 =	sld [smem:$0x3FB6]  }
0x3d: {  	_ =	shalt  }
0x3e: {  	_ =	shalt  }
0x3f: {  	_ =	shalt  }
0x40: {  	_ =	shalt  }
0x41: {  	_ =	shalt  }
0x42: {  	_ =	shalt  }
0x43: {  	_ =	shalt  }
0x44: {  	_ =	shalt  }
0x45: {  	_ =	shalt  }
0x46: {  	_ =	shalt  }
0x47: {  	_ =	shalt  }
0x48: {  	_ =	shalt  }
0x49: {  	_ =	shalt  }
0x4a: {  	_ =	shalt  }
0x4b: {  	_ =	shalt  }
0x4c: {  	_ =	shalt  }
0x4d: {  	_ =	shalt  }
0x4e: {  	_ =	shalt  }
0x4f: {  	_ =	shalt  }
0x50: {  	_ =	shalt  }
0x51: {  	_ =	shalt  }
0x52: {  	_ =	shalt  }
0x53: {  	_ =	shalt  }
0x54: {  	_ =	shalt  }
0x55: {  	_ =	shalt  }
0x56: {  	_ =	shalt  }
0x57: {  	_ =	shalt  }
0x58: {  	_ =	shalt  }
0x59: {  	_ =	shalt  }
0x5a: {  	_ =	shalt  }
0x5b: {  	_ =	shalt  }
0x5c: {  	_ =	shalt  }
0x5d: {  	_ =	shalt  }
0x5e: {  	_ =	shalt  }
0x5f: {  	_ =	shalt  }
0x60: {  	_ =	shalt  }
0x61: {  	_ =	shalt  }
0x62: {  	_ =	shalt  }
0x63: {  	_ =	shalt  }
0x64: {  	_ =	shalt  }
0x65: {  	_ =	shalt  }
0x66: {  	_ =	shalt  }
0x67: {  	_ =	shalt  }
0x68: {  	_ =	shalt  }
0x69: {  	_ =	shalt  }
0x6a: {  	_ =	shalt  }
0x6b: {  	_ =	shalt  }
0x6c: {  	_ =	shalt  }
0x6d: {  	_ =	shalt  }
0x6e: {  	_ =	shalt  }
0x6f: {  	_ =	shalt  }
0x70: {  	_ =	shalt  }
0x71: {  	_ =	shalt  }
0x72: {  	_ =	shalt  }
0x73: {  	_ =	shalt  }
0x74: {  	_ =	shalt  }
0x75: {  	_ =	shalt  }
0x76: {  	_ =	shalt  }
0x77: {  	_ =	shalt  }
0x78: {  	_ =	shalt  }
0x79: {  	_ =	shalt  }
0x7a: {  	_ =	shalt  }
0x7b: {  	_ =	shalt  }
0x7c: {  	_ =	shalt  }
0x7d: {  	_ =	shalt  }
0x7e: {  	_ =	shalt  }
0x7f: {  	_ =	shalt  }
0x80: {  	_ =	shalt  }
0x81: {  	_ =	shalt  }
0x82: {  	_ =	shalt  }
0x83: {  	_ =	shalt  }
0x84: {  	_ =	shalt  }
0x85: {  	_ =	shalt  }
0x86: {  	_ =	shalt  }
0x87: {  	_ =	shalt  }
.Lfunc_end0:
.L_simem_size_0:
called_computation.1_lowered:
.L_overlay_start_0:
0x88: {  	s2 =	sld [smem:$0x3FD9]  }
0x89: {  	s3 =	sld [smem:$0x3FFE];
	_ =	sdelay $0x1  }
0x8a: {  	s1 =	srdreg.scid  }
0x8b: {  	s0 =	sand.u32 $0x1, s1  }
0x8c: {  	s17 =	sshll.u32 s0, $0xA;
	s2 =	sadd.s32 s3, s2  }
0x8d: {  	s2 =	sadd.s32 s2, s17  }
0x8e: {  	[smem:$0x3FC2] =	sst s2  }
0x8f: {  	_ = 	snop  }
0x90: {  	s2 =	sld [smem:$0x3FD0];
	(tm) =	ssettm $0x1  }
0x91: {  	s18 =	sld [smem:$0x3FFB];
	_ =	sdelay $0x3  }
0x92: {  	_ =	strace s18  }
0x93: {  	s3 =	sld [smem:$0x3FFC];
	_ =	sdelay $0x3  }
0x94: {  	_ =	strace s3  }
0x95: {  	s3 =	sld [smem:$0x3FFD];
	_ =	sdelay $0x3  }
0x96: {  	_ =	strace s3  }
0x97: {  	_ =	strace $0x8FFFFFFF  }
0x98: {  	s19 =	sld [smem:$0x3FDB];
	_ =	sdelay $0x1  }
0x99: {  	s4 =	simm.s32 $_scs_section_size  }
0x9a: {  	s5 =	simm.s32 $_size__tile_overlayer_lowered;
	s6 =	simm.s32 $_tile_overlayer_lowered  }
0x9b: {  	s22 =	simm.s32 $0x1BFF;
	s21 =	sshll.u32 s6, $0x1;
	s3 =	sadd.s32 s4, s19  }
0x9c: {  	s7 =	simm.s32 $0x0;
	s20 =	sshll.u32 s5, $0x1;
	s5 =	sadd.s32 s21, s3  }
0x9d: {  	[timem:s7], [sflag:s22] =	dma.local [hbm:s5], s20  }
0x9e: {  	_ =	swait.ge [sflag:s22], s20  }
0x9f: {  	s4 =	ssub.s32 $0x0, s20;
	[sflag:s22] =	ssyncset.done $0x0  }
0xa0: {  	[sflag:s22] =	ssyncadd.s32 s4;
	_ =	sdelay $0x1  }
0xa1: {  	s23 =	simm.s32 $0x1B8B  }
0xa2: {  	_ =	swait.ge [sflag:s23], $0x1  }
0xa3: {  	[sflag:s23] =	ssyncset.done $0x0  }
0xa4: {  	s25 =	simm.s32 $0x1B8E;
	s24 =	sld [smem:$0x3FFE];
	[sflag:s23] =	ssyncadd.s32 $0xFFFFFFFF  }
0xa5: {  	s26 =	simm.s32 $execute0_lowered;
	[smem:$0x3FD2] =	sst s25  }
0xa6: {  	s5 =	sshll.u32 s26, $0x1;
	_ =	strace $0x80000049;
	[dreg:$0x1] =	wrdreg $0xFFFFFFFF  }
0xa7: {  	s28 =	simm.s32 $_size_execute0_lowered;
	s3 =	sadd.s32 s3, s5;
	[dreg:$0x0] =	wrdreg $0x0  }
0xa8: {  	s5 =	sshll.u32 s28, $0x1;
	[dreg:$0x2] =	wrdreg s3  }
0xa9: {  	[dreg:$0x3] =	wrdreg s5  }
0xaa: {  	[dreg:$0x4] =	wrdreg $0xC0  }
0xab: {  	_ =	task [dreg:s7], $0x5FFFF  }
0xac: {  	[dreg:$0x1] =	wrdreg $0xFFFFFFFF  }
0xad: {  	[dreg:$0x0] =	wrdreg $0x60  }
0xae: {  	[dreg:$0x2] =	wrdreg s2  }
0xaf: {  	[dreg:$0x3] =	wrdreg s24  }
0xb0: {  	[dreg:$0x4] =	wrdreg $0xA4000  }
0xb1: {  	[dreg:$0x5] =	wrdreg $0x9  }
0xb2: {  	_ =	task.clear_ibuf [dreg:s7], $0x6FFFF;
	_ =	strace $0x90000049  }
0xb3: {  	s29 =	simm.s32 $0x9;
	_ =	strace $0x8000004B  }
0xb4: {  	_ =	swait.ge [sflag:s29], $0x1  }
0xb5: {  	[sflag:s29] =	ssyncadd.s32 $0xFFFFFFFF  }
0xb6: {  	_ =	strace $0x9000004B  }
0xb7: {  	_ =	sfence  }
0xb8: {  	s30 =	sld [smem:$0x0];
	_ =	sdelay $0x2  }
0xb9: {  	s31 =	sshll.u32 s1, $0xD;
	s1 =	sshrl.u32 s1, $0x2  }
0xba: {  	s3 =	sand.u32 $0x4000, s31;
	s1 =	sadd.s32 s1, s30  }
0xbb: {  	s0 =	sor.u32 s3, s0;
	s1 =	sshll.u32 s1, $0x11  }
0xbc: {  	s0 =	sor.u32 s1, s0  }
0xbd: {  	s0 =	sadd.s32 $0x8F2B, s0  }
0xbe: {  	[sflag:s0] =	ssyncadd.remote.s32 $0x1  }
0xbf: {  	_ =	sfence.sel $0xFFFF  }
0xc0: {  	[dreg:$0x0] =	wrdreg $0xFFFFFFFF;
	(pc) =	sbr.abs _section_cstart, $3  }
0xc1: {  	[dreg:$0x1] =	wrdreg $0xFFFFFFFF  }
0xc2: {  	_ =	task.clear_ibuf [dreg:s7], $0x2FFFF;
	_ =	strace $0x9FFFFFFF  }
0xc3: {  	(tm) =	ssettm $0x7FFFFFFF  }
tec
execute0_lowered:
.L_overlay_start_1:
0x0: {  	(tag) =	ssettag $0x1  }
0x1: {  	s2 =	rddreg [dreg:$0x0]  }
0x2: {  	s0 =	rddreg [dreg:$0x1]  }
0x3: {  	s3 =	rddreg [dreg:$0x2]  }
0x4: {  	s16 =	stileid.u32;
	s1 =	srdreg.scid;
	s4 =	simm.s32 $0x0  }
0x5: {  	s30 =	simm.s32 $0x200;
	s31 =	simm.s32 $0xD;
	s7 =	smul.u32 $0x2700, s16  }
0x6: {  	s29 =	simm.s32 $0xA;
	s1 =	sand.u32 $0x1, s1;
	s24 =	smul.u32 $0x4E000, s16  }
0x7: {  	s5 =	sshll.u32 s16, $0x1;
	[smem:$0x7FF] =	sst s4;
	s28 =	smul.u32 $0x13800, s16  }
0x8: {  	s6 =	sadd.s32 $0xBC00, s0;
	s13 =	sadd.s32 $0x3CC00, s0;
	s17 =	smul.u32 $0x4E20, s16  }
0x9: {  	s5 =	sor.u32 s1, s5;
	_ =	strace $0x8000004A;
	s26 =	smul.u32 $0x138800, s1  }
0xa: {  	s9 =	ssub.s32 $0x2, s1;
	p3 =	seq.s32 s1, $0x1;
	s1 =	smul.u32 $0x2710, s1  }
0xb: {  	s8 =	smul.u32 $0x2710, s5;
	s5 =	sadd.s32 $0x1E00, s0;
	s10 =	sadd.s32 s7, s0  }
0xc: {  	s11 =	sshrl.u32 s9, $0x1;
	s7 =	sadd.s32 s2, s7;
	s0 =	sadd.s32 $0x3A300, s0  }
0xd: {  	p1 =	seq.s32 @p3 s16, $0xF;
	p4 =	seq.s32 @!p3 s16, $0xF;
	[dreg:$0xd] =	wrdreg s7  }
0xe: {  	s9 =	ssub.s32 s9, s11;
	[dreg:$0xf] =	wrdreg s0;
	s1 =	sadd.s32 s1, s17  }
0xf: {  	p0 =	por !p1, !p3;
	p1 =	por p1, !p3;
	p2 =	por !p4, p3  }
0x10: {  	p3 =	por p4, p3;
	p4 =	seq.s32 s16, $0xF;
	s12 =	sshrl.u32 s8, $0x3  }
0x11: {  	s18 =	sadd.s32 s5, s12;
	s19 =	sadd.s32 s6, s12;
	s20 =	sadd.s32 $0xA, s12  }
0x12: {  	s14 =	sadd.s32 $0x14, s12;
	s23 =	sadd.s32 $0x1E, s12;
	[dreg:$0x4] =	wrdreg s18  }
0x13: {  	s12 =	sshrl.u32 s24, $0x2;
	s24 =	sadd.s32 $0x230, s8;
	[dreg:$0x5] =	wrdreg s19  }
0x14: {  	s7 =	simm.s32 $0x6;
	s15 =	sadd.s32 s5, s20;
	[dreg:$0x12] =	wrdreg s24  }
0x15: {  	s17 =	simm.s32 $0xC;
	s11 =	sadd.s32 s6, s20;
	[dreg:$0x6] =	wrdreg s15  }
0x16: {  	s21 =	sadd.s32 s5, s14;
	s22 =	sadd.s32 s6, s14;
	[dreg:$0x7] =	wrdreg s11  }
0x17: {  	s25 =	sadd.s32 s5, s23;
	s18 =	sadd.s32 s12, s3;
	[dreg:$0x8] =	wrdreg s21  }
0x18: {  	s12 =	sadd.s32 $0x15A00, s10;
	s19 =	sshrl.u32 s26, $0x3;
	[dreg:$0x9] =	wrdreg s22  }
0x19: {  	s24 =	simm.s32 $0x7C00;
	s14 =	simm.s32 $0x7;
	[dreg:$0xa] =	wrdreg s25  }
0x1a: {  	s10 =	simm.s32 $0x0;
	s11 =	sadd.s32 s6, s23;
	[dreg:$0xe] =	wrdreg s12  }
0x1b: {  	s15 =	sadd.s32 s28, s26;
	s20 =	sadd.s32 s13, s19;
	s23 =	sadd.s32 $0x140, s8  }
0x1c: {  	s21 =	sadd.s32 $0x190, s8;
	s22 =	sadd.s32 $0x1E0, s8;
	[dreg:$0xc] =	wrdreg s18  }
0x1d: {  	s25 =	sadd.s32 $0xF0, s1;
	s26 =	smax.u32 s9, $0x1;
	[dreg:$0xb] =	wrdreg s11  }
0x1e: {  	s28 =	sadd.s32 $0x24900, s2;
	s9 =	simm.s32 $0x180;
	[dreg:$0x11] =	wrdreg s23  }
0x1f: {  	s12 =	simm.s32 $0x50;
	s19 =	simm.s32 $0x4;
	[dreg:$0x14] =	wrdreg s26  }
0x20: {  	s1 =	simm.s32 $0xB;
	s0 =	sshrl.u32 s15, $0x3;
	[dreg:$0x17] =	wrdreg s28  }
.Ltmp0:
0x21: {  	s11 =	simm.s32 $0x1;
	s0 =	sadd.s32 s13, s0;
	(pc) =	sbr.rel .LBB2_1-.Ltmp0, $4  }
0x22: {  	s26 =	simm.s32 $0x5;
	[dreg:$0x10] =	wrdreg s0;
	s0 =	sadd.s32 $0x24900, s20  }
0x23: {  	s20 =	sadd.s32 $0x124800, s3;
	[dreg:$0x13] =	wrdreg s0;
	s0 =	sshrl.u32 s25, $0x3  }
0x24: {  	s15 =	simm.s32 $0x8;
	[dreg:$0x16] =	wrdreg s20;
	s0 =	sadd.s32 s0, s6  }
0x25: {  	s13 =	simm.s32 $0x400;
	s25 =	simm.s32 $0x9;
	[dreg:$0x15] =	wrdreg s0  }
.LBB2_4:
0x26: {  	s0 =	simm.s32 $0x10  }
0x27: {  	_ =	swait.ge [sflag:s0], $0x2800  }
0x28: {  	[sflag:s0] =	ssyncset.done $0x0  }
0x29: {  	[sflag:s0] =	ssyncadd.s32 $0xFFFFD800  }
0x2a: {  	_ =	swait.ge [sflag:s25], $0x2800  }
0x2b: {  	[sflag:s25] =	ssyncset.done $0x0  }
0x2c: {  	[sflag:s25] =	ssyncadd.s32 $0xFFFFD800  }
0x2d: {  	_ =	swait.ge [sflag:s26], $0x50  }
0x2e: {  	[sflag:s26] =	ssyncset.done $0x0  }
0x2f: {  	[sflag:s26] =	ssyncadd.s32 $0xFFFFFFB0  }
0x30: {  	[spmem:s3] =	stream.indirect.scatter.add.f32 [tilespmem:s13], [sflag:$0xD], $0x80, s30, s12, $0xb8;
	[tilespmem:$0x1DC80] =	vst v63  }
0x31: {  	_ =	swait.ge [sflag:s31], $0x2800  }
0x32: {  	[sflag:s31] =	ssyncset.done $0x0  }
0x33: {  	[sflag:s31] =	ssyncadd.s32 $0xFFFFD800  }
0x34: {  	[bflag:$0x0] =	sbarrier.arrive $0xFFFF  }
0x35: {  	s20 =	rddreg [dreg:$0x16]  }
0x36: {  	s8 =	simm.s32 @p4 $0x1FD1;
	s10 =	rddreg [dreg:$0x13];
	s0 =	sshrl.u32 @p4 s20, $0x3  }
0x37: {  	[hbm:s10], [sflag:s8] =	dma.local @p4 [spmem:s0], $0x2800  }
0x38: {  	s0 =	simm.s32 @p4 $0x11  }
0x39: {  	_ =	swait.ge @p4 [sflag:s0], $0x2800  }
0x3a: {  	s16 =	stileid.u32;
	s18 =	rddreg [dreg:$0xc]  }
0x3b: {  	s8 =	sshll.u32 @!p4 s16, $0x6;
	[sflag:s0] =	ssyncset.done @p4 $0x0;
	s10 =	rddreg [dreg:$0x10]  }
0x3c: {  	[sflag:s0] =	ssyncadd.s32 @p4 $0xFFFFD800;
	s0 =	sor.u32 @!p4 $0x1C11, s8;
	s8 =	sshrl.u32 @!p4 s18, $0x3  }
0x3d: {  	[hbm:s10], [sflag:s0] =	dma.local @!p4 [spmem:s8], $0x2700  }
0x3e: {  	s0 =	simm.s32 @!p4 $0x11  }
0x3f: {  	_ =	swait.ge @!p4 [sflag:s0], $0x2700  }
0x40: {  	s23 =	rddreg [dreg:$0x18]  }
0x41: {  	s28 =	rddreg [dreg:$0x14];
	s10 =	sadd.s32 $0x1, s23  }
0x42: {  	p5 =	sne.s32 s10, s28  }
.Ltmp1:
0x43: {  	_ = 	snop;
	(pc) =	sbr.rel @!p5 .LBB2_5-.Ltmp1, $3  }
0x44: {  	_ =	sdelay $0x1  }
0x45: {  	[sflag:s0] =	ssyncset.done @!p4 $0x0  }
0x46: {  	[sflag:s0] =	ssyncadd.s32 @!p4 $0xFFFFD900  }
.LBB2_1:
0x47: {  	[dreg:$0x18] =	wrdreg s10  }
0x48: {  	s0 =	rddreg [dreg:$0x4]  }
0x49: {  	[tilespmem:s4], [sflag:$0x1] =	stream.linear.gather [hbm4b:s0+s4], $0x50, $0x38;
	[tilespmem:$0x1DC80] =	vst v63  }
0x4a: {  	s10 =	rddreg [dreg:$0x5]  }
0x4b: {  	[tilespmem:s30], [sflag:$0x5] =	stream.linear.gather [hbm4b:s10+s4], $0x50, $0x38;
	[tilespmem:$0x1DC80] =	vst v63  }
0x4c: {  	s23 =	rddreg [dreg:$0x6];
	s8 =	simm.s32 $0x80  }
0x4d: {  	[tilespmem:s8], [sflag:$0x2] =	stream.linear.gather [hbm4b:s23+s4], $0x50, $0x38;
	[tilespmem:$0x1DC80] =	vst v63  }
0x4e: {  	s10 =	rddreg [dreg:$0x7];
	s23 =	simm.s32 $0x280  }
0x4f: {  	[tilespmem:s23], [sflag:$0x6] =	stream.linear.gather [hbm4b:s10+s4], $0x50, $0x38;
	[tilespmem:$0x1DC80] =	vst v63  }
0x50: {  	s23 =	rddreg [dreg:$0x8];
	s10 =	simm.s32 $0x100  }
0x51: {  	[tilespmem:s10], [sflag:$0x3] =	stream.linear.gather [hbm4b:s23+s4], $0x50, $0x38;
	[tilespmem:$0x1DC80] =	vst v63  }
0x52: {  	s0 =	rddreg [dreg:$0x9];
	s23 =	simm.s32 $0x300  }
0x53: {  	[tilespmem:s23], [sflag:$0x7] =	stream.linear.gather [hbm4b:s0+s4], $0x50, $0x38;
	[tilespmem:$0x1DC80] =	vst v63  }
0x54: {  	s23 =	rddreg [dreg:$0xa]  }
0x55: {  	[tilespmem:s9], [sflag:$0x4] =	stream.linear.gather [hbm4b:s23+s4], $0x50, $0x38;
	[tilespmem:$0x1DC80] =	vst v63  }
0x56: {  	s0 =	rddreg [dreg:$0xb];
	s23 =	simm.s32 $0x380  }
0x57: {  	[tilespmem:s23], [sflag:$0x8] =	stream.linear.gather [hbm4b:s0+s4], $0x50, $0x38;
	[tilespmem:$0x1DC80] =	vst v63  }
0x58: {  	_ =	swait.ge [sflag:s11], $0x50  }
0x59: {  	[sflag:s11] =	ssyncset.done $0x0  }
0x5a: {  	s23 =	simm.s32 $0x2;
	[sflag:s11] =	ssyncadd.s32 $0xFFFFFFB0  }
0x5b: {  	[tilespmem:s13], [sflag:$0x9] =	stream.indirect.gather [hbm4b:s2+s12], $0x80, s4, s12, $0xb8;
	[tilespmem:$0x1DC80] =	vst v63  }
0x5c: {  	_ =	swait.ge [sflag:s23], $0x50  }
0x5d: {  	[sflag:s23] =	ssyncset.done $0x0  }
0x5e: {  	[sflag:s23] =	ssyncadd.s32 $0xFFFFFFB0;
	s23 =	simm.s32 $0x2C00  }
0x5f: {  	[tilespmem:s23], [sflag:$0xA] =	stream.indirect.gather [hbm4b:s2+s12], $0x80, s8, s12, $0xb8;
	[tilespmem:$0x1DC80] =	vst v63  }
0x60: {  	s8 =	simm.s32 $0x3  }
0x61: {  	_ =	swait.ge [sflag:s8], $0x50  }
0x62: {  	[sflag:s8] =	ssyncset.done $0x0  }
0x63: {  	s23 =	simm.s32 $0x5400;
	[sflag:s8] =	ssyncadd.s32 $0xFFFFFFB0  }
0x64: {  	[tilespmem:s23], [sflag:$0xB] =	stream.indirect.gather [hbm4b:s2+s12], $0x80, s10, s12, $0xb8;
	[tilespmem:$0x1DC80] =	vst v63  }
0x65: {  	s0 =	sshrl.u32 @!p0 s20, $0x3;
	s8 =	simm.s32 @!p0 $0x1FD1;
	s10 =	rddreg [dreg:$0xf]  }
0x66: {  	[spmem:s0], [sflag:s8] =	dma.local @!p0 [hbm:s10], $0x2800  }
0x67: {  	s0 =	simm.s32 @!p0 $0x11  }
0x68: {  	_ =	swait.ge @!p0 [sflag:s0], $0x2800  }
0x69: {  	s8 =	sshll.u32 @!p1 s16, $0x6;
	[sflag:s0] =	ssyncset.done @!p0 $0x0;
	s10 =	rddreg [dreg:$0xe]  }
0x6a: {  	[sflag:s0] =	ssyncadd.s32 @!p0 $0xFFFFD800;
	s0 =	sor.u32 @!p1 $0x1C11, s8;
	s8 =	sshrl.u32 @!p1 s18, $0x3  }
0x6b: {  	[spmem:s8], [sflag:s0] =	dma.local @!p1 [hbm:s10], $0x2700  }
0x6c: {  	s0 =	simm.s32 @!p1 $0x11  }
0x6d: {  	_ =	swait.ge @!p1 [sflag:s0], $0x2700  }
0x6e: {  	s8 =	simm.s32 @!p2 $0x1FD1;
	[sflag:s0] =	ssyncset.done @!p1 $0x0  }
0x6f: {  	s10 =	rddreg [dreg:$0x17];
	[sflag:s0] =	ssyncadd.s32 @!p1 $0xFFFFD900;
	s0 =	sshrl.u32 @!p2 s20, $0x3  }
0x70: {  	[spmem:s0], [sflag:s8] =	dma.local @!p2 [hbm:s10], $0x2800  }
0x71: {  	s0 =	simm.s32 @!p2 $0x11  }
0x72: {  	_ =	swait.ge @!p2 [sflag:s0], $0x2800  }
0x73: {  	s8 =	sshll.u32 @!p3 s16, $0x6;
	[sflag:s0] =	ssyncset.done @!p2 $0x0;
	s10 =	rddreg [dreg:$0xd]  }
0x74: {  	[sflag:s0] =	ssyncadd.s32 @!p2 $0xFFFFD800;
	s0 =	sor.u32 @!p3 $0x1C11, s8;
	s8 =	sshrl.u32 @!p3 s18, $0x3  }
0x75: {  	[spmem:s8], [sflag:s0] =	dma.local @!p3 [hbm:s10], $0x2700  }
0x76: {  	s0 =	simm.s32 @!p3 $0x11  }
0x77: {  	_ =	swait.ge @!p3 [sflag:s0], $0x2700  }
0x78: {  	[sflag:s0] =	ssyncset.done @!p3 $0x0  }
0x79: {  	[sflag:s0] =	ssyncadd.s32 @!p3 $0xFFFFD900  }
0x7a: {  	[bflag:$0x0] =	sbarrier.arrive $0xFFFF  }
0x7b: {  	s8 =	simm.s32 $0x0;
	s28 =	rddreg [dreg:$0x15]  }
.LBB2_2:
0x7c: {  	p5 =	seq.s32 s8, $0x0  }
0x7d: {  	s0 =	simm.s32 @!p5 $0x10  }
0x7e: {  	_ =	swait.ge @!p5 [sflag:s0], $0x2800  }
0x7f: {  	[sflag:s0] =	ssyncset.done @!p5 $0x0  }
0x80: {  	s10 =	simm.s32 @!p5 $0x380;
	[sflag:s0] =	ssyncadd.s32 @!p5 $0xFFFFD800;
	s0 =	simm.s32 @!p5 $0x0  }
0x81: {  	[tilespmem:s10], [sflag:$0x8] =	stream.linear.gather @!p5 [hbm4b:s28+s0], $0x50, $0x38;
	[tilespmem:$0x1DC80] =	vst v63  }
0x82: {  	_ =	swait.ge [sflag:s19], $0x50  }
0x83: {  	[sflag:s19] =	ssyncset.done $0x0  }
0x84: {  	[sflag:s19] =	ssyncadd.s32 $0xFFFFFFB0  }
0x85: {  	[tilespmem:s24], [sflag:$0xC] =	stream.indirect.gather [hbm4b:s2+s12], $0x80, s9, s12, $0xb8;
	[tilespmem:$0x1DC80] =	vst v63  }
0x86: {  	_ =	swait.ge [sflag:s25], $0x2800  }
0x87: {  	[sflag:s25] =	ssyncset.done $0x0  }
0x88: {  	[sflag:s25] =	ssyncadd.s32 $0xFFFFD800  }
0x89: {  	s0 =	smov.u32 s8;
	_ =	swait.ge [sflag:s26], $0x50  }
0x8a: {  	s0 =	simm.s32 @p5 $0x0;
	[sflag:s26] =	ssyncset.done $0x0;
	s16 =	rddreg [dreg:$0x11]  }
0x8b: {  	[sflag:s26] =	ssyncadd.s32 $0xFFFFFFB0;
	s10 =	sadd.s32 s0, s16  }
0x8c: {  	[spmem:s3] =	stream.indirect.scatter.add.f32 [tilespmem:s13], [sflag:$0xD], $0x80, s30, s12, $0xb8;
	[tilespmem:$0x1DC80] =	vst v63  }
0x8d: {  	s10 =	sshrl.u32 s10, $0x3  }
0x8e: {  	s16 =	sadd.s32 s5, s10  }
0x8f: {  	[tilespmem:s4], [sflag:$0x1] =	stream.linear.gather [hbm4b:s16+s4], $0x50, $0x38;
	[tilespmem:$0x1DC80] =	vst v63  }
0x90: {  	_ =	swait.ge [sflag:s31], $0x2800  }
0x91: {  	[sflag:s31] =	ssyncset.done $0x0  }
0x92: {  	s10 =	sadd.s32 s6, s10;
	[sflag:s31] =	ssyncadd.s32 $0xFFFFD800  }
0x93: {  	[tilespmem:s30], [sflag:$0x5] =	stream.linear.gather [hbm4b:s10+s4], $0x50, $0x38;
	[tilespmem:$0x1DC80] =	vst v63  }
0x94: {  	_ =	swait.ge [sflag:s11], $0x50  }
0x95: {  	[sflag:s11] =	ssyncset.done $0x0  }
0x96: {  	[sflag:s11] =	ssyncadd.s32 $0xFFFFFFB0  }
0x97: {  	[tilespmem:s13], [sflag:$0x9] =	stream.indirect.gather [hbm4b:s2+s12], $0x80, s4, s12, $0xb8;
	[tilespmem:$0x1DC80] =	vst v63  }
0x98: {  	_ =	swait.ge [sflag:s29], $0x2800  }
0x99: {  	[sflag:s29] =	ssyncset.done $0x0  }
0x9a: {  	[sflag:s29] =	ssyncadd.s32 $0xFFFFD800  }
0x9b: {  	_ =	swait.ge [sflag:s7], $0x50  }
0x9c: {  	s18 =	simm.s32 $0x280;
	p5 =	seq.s32 s8, $0x2580;
	[sflag:s7] =	ssyncset.done $0x0  }
0x9d: {  	s20 =	simm.s32 $0x2C00;
	s10 =	simm.s32 @p5 $0xE;
	[sflag:s7] =	ssyncadd.s32 $0xFFFFFFB0  }
0x9e: {  	[spmem:s3] =	stream.indirect.scatter.add.f32 [tilespmem:s20], [sflag:$0xE], $0x80, s18, s12, $0xb8;
	[tilespmem:$0x1DC80] =	vst v63  }
0x9f: {  	_ =	swait.ge @p5 [sflag:s10], $0x2800  }
0xa0: {  	s16 =	sadd.s32 @!p5 s0, s21;
	[sflag:s10] =	ssyncset.done @p5 $0x0  }
0xa1: {  	[sflag:s10] =	ssyncadd.s32 @p5 $0xFFFFD800;
	s10 =	sshrl.u32 @!p5 s16, $0x3  }
0xa2: {  	s23 =	simm.s32 @!p5 $0x80;
	s18 =	simm.s32 @!p5 $0x0;
	s16 =	sadd.s32 @!p5 s5, s10  }
0xa3: {  	[tilespmem:s23], [sflag:$0x2] =	stream.linear.gather @!p5 [hbm4b:s16+s18], $0x50, $0x38;
	[tilespmem:$0x1DC80] =	vst v63  }
0xa4: {  	s16 =	simm.s32 @!p5 $0xE  }
0xa5: {  	_ =	swait.ge @!p5 [sflag:s16], $0x2800  }
0xa6: {  	[sflag:s16] =	ssyncset.done @!p5 $0x0  }
0xa7: {  	s10 =	sadd.s32 @!p5 s6, s10;
	[sflag:s16] =	ssyncadd.s32 @!p5 $0xFFFFD800;
	s16 =	simm.s32 @!p5 $0x280  }
0xa8: {  	[tilespmem:s16], [sflag:$0x6] =	stream.linear.gather @!p5 [hbm4b:s10+s18], $0x50, $0x38;
	[tilespmem:$0x1DC80] =	vst v63  }
0xa9: {  	s10 =	simm.s32 @!p5 $0x2  }
0xaa: {  	_ =	swait.ge @!p5 [sflag:s10], $0x50  }
0xab: {  	[sflag:s10] =	ssyncset.done @!p5 $0x0  }
0xac: {  	s16 =	simm.s32 @!p5 $0x2C00;
	[sflag:s10] =	ssyncadd.s32 @!p5 $0xFFFFFFB0;
	s10 =	simm.s32 @!p5 $0x50  }
0xad: {  	[tilespmem:s16], [sflag:$0xA] =	stream.indirect.gather @!p5 [hbm4b:s2+s10], $0x80, s23, s10, $0xb8;
	[tilespmem:$0x1DC80] =	vst v63  }
0xae: {  	_ =	swait.ge [sflag:s1], $0x2800  }
0xaf: {  	[sflag:s1] =	ssyncset.done $0x0  }
0xb0: {  	[sflag:s1] =	ssyncadd.s32 $0xFFFFD800  }
0xb1: {  	_ =	swait.ge [sflag:s14], $0x50  }
0xb2: {  	s20 =	simm.s32 $0x5400;
	[sflag:s14] =	ssyncset.done $0x0  }
0xb3: {  	s23 =	simm.s32 $0x300;
	s16 =	simm.s32 @p5 $0xF;
	[sflag:s14] =	ssyncadd.s32 $0xFFFFFFB0  }
0xb4: {  	[spmem:s3] =	stream.indirect.scatter.add.f32 [tilespmem:s20], [sflag:$0xF], $0x80, s23, s12, $0xb8;
	[tilespmem:$0x1DC80] =	vst v63  }
0xb5: {  	s23 =	sadd.s32 @!p5 s0, s22;
	_ =	swait.ge @p5 [sflag:s16], $0x2800  }
0xb6: {  	s23 =	sshrl.u32 @!p5 s23, $0x3;
	[sflag:s16] =	ssyncset.done @p5 $0x0  }
0xb7: {  	s20 =	simm.s32 @!p5 $0x100;
	[sflag:s16] =	ssyncadd.s32 @p5 $0xFFFFD800;
	s16 =	sadd.s32 @!p5 s5, s23  }
0xb8: {  	[tilespmem:s20], [sflag:$0x3] =	stream.linear.gather @!p5 [hbm4b:s16+s18], $0x50, $0x38;
	[tilespmem:$0x1DC80] =	vst v63  }
0xb9: {  	s16 =	simm.s32 @!p5 $0xF  }
0xba: {  	_ =	swait.ge @!p5 [sflag:s16], $0x2800  }
0xbb: {  	[sflag:s16] =	ssyncset.done @!p5 $0x0  }
0xbc: {  	[sflag:s16] =	ssyncadd.s32 @!p5 $0xFFFFD800;
	s16 =	sadd.s32 @!p5 s6, s23;
	s23 =	simm.s32 @!p5 $0x300  }
0xbd: {  	[tilespmem:s23], [sflag:$0x7] =	stream.linear.gather @!p5 [hbm4b:s16+s18], $0x50, $0x38;
	[tilespmem:$0x1DC80] =	vst v63  }
0xbe: {  	s16 =	simm.s32 @!p5 $0x3  }
0xbf: {  	_ =	swait.ge @!p5 [sflag:s16], $0x50  }
0xc0: {  	[sflag:s16] =	ssyncset.done @!p5 $0x0  }
0xc1: {  	[sflag:s16] =	ssyncadd.s32 @!p5 $0xFFFFFFB0;
	s16 =	simm.s32 @!p5 $0x5400  }
0xc2: {  	[tilespmem:s16], [sflag:$0xB] =	stream.indirect.gather @!p5 [hbm4b:s2+s10], $0x80, s20, s10, $0xb8;
	[tilespmem:$0x1DC80] =	vst v63  }
0xc3: {  	_ =	swait.ge [sflag:s17], $0x2800  }
0xc4: {  	[sflag:s17] =	ssyncset.done $0x0  }
.Ltmp2:
0xc5: {  	[sflag:s17] =	ssyncadd.s32 $0xFFFFD800;
	(pc) =	sbr.rel @p5 .LBB2_4-.Ltmp2, $4  }
0xc6: {  	_ =	swait.ge [sflag:s15], $0x50  }
0xc7: {  	[sflag:s15] =	ssyncset.done $0x0  }
0xc8: {  	s23 =	simm.s32 $0x380;
	[sflag:s15] =	ssyncadd.s32 $0xFFFFFFB0  }
0xc9: {  	[spmem:s3] =	stream.indirect.scatter.add.f32 [tilespmem:s24], [sflag:$0x10], $0x80, s23, s12, $0xb8;
	[tilespmem:$0x1DC80] =	vst v63  }
.Ltmp3:
0xca: {  	s10 =	rddreg [dreg:$0x12];
	(pc) =	sbr.rel .LBB2_2-.Ltmp3, $4  }
0xcb: {  	s0 =	sadd.s32 s0, s10  }
0xcc: {  	s0 =	sshrl.u32 s0, $0x3  }
0xcd: {  	s8 =	sadd.s32 $0x140, s8;
	s28 =	sadd.s32 $0x28, s28;
	s0 =	sadd.s32 s5, s0  }
0xce: {  	[tilespmem:s9], [sflag:$0x4] =	stream.linear.gather [hbm4b:s0+s4], $0x50, $0x38;
	[tilespmem:$0x1DC80] =	vst v63  }
.LBB2_5:
0xcf: {  	_ =	sfence.sel $0x180000  }
0xd0: {  	[bflag:$0x0] =	sbarrier.arrive $0xFFFF  }
0xd1: {  	_ =	strace $0x9000004A  }
0xd2: {  	[bflag:$0x2] =	sbarrier.arrive $0xFFFF  }
0xd3: {  	p0 =	sne.s32 s16, $0x0;
	s0 =	rddreg [dreg:$0x3]  }
0xd4: {  	s0 =	sadd.s32 @!p0 $0x100000, s0  }
0xd5: {  	[sflag:s0] =	ssyncadd.tile.s32 @!p0 $0x1;
	_ =	shalt  }
.Lfunc_end2:
_tile_overlayer_lowered:
.L_overlay_start_2:
0xd6: {  	(tag) =	ssettag $0x2  }
0xd7: {  	s0 =	rddreg [dreg:$0x0];
	s2 =	stileid.u32  }
0xd8: {  	s1 =	rddreg [dreg:$0x1];
	p0 =	sne.s32 s2, $0x0  }
0xd9: {  	s3 =	rddreg [dreg:$0x2];
	[bflag:$0x3] =	sbarrier.arrive $0xFFFF;
	s2 =	simm.s32 @!p0 $0x1C11  }
0xda: {  	[timem:s3], [sflag:s2] =	dma.local @!p0 [hbm:s0], s1  }
0xdb: {  	s0 =	simm.s32 @!p0 $0x11  }
0xdc: {  	_ =	swait.ge @!p0 [sflag:s0], s1  }
0xdd: {  	s1 =	ssub.s32 @!p0 $0x0, s1;
	[sflag:s0] =	ssyncset.done @!p0 $0x0  }
0xde: {  	[sflag:s0] =	ssyncadd.s32 @!p0 s1  }
0xdf: {  	[bflag:$0x3] =	sbarrier.arrive $0xFFFF  }
0xe0: {  	_ =	shalt  }

// kernel: kernel.14.cloned.1.call-start
scs
__scs_entry_jumppad:
0x0: {  	(pc) =	sbr.rel $0x88, $3  }
0x1: {  	(tag) =	ssettag $0x0;
	lr =	simm.s32 $0x1  }
0x2: {  	[smem:$0x3F9B] =	sst lr;
	_ =	strace $0xD0000000  }
0x3: {  	_ = 	snop  }
0x4: {  	_ = 	snop  }
0x5: {  	_ = 	snop  }
0x6: {  	_ = 	snop  }
0x7: {  	_ = 	snop  }
__scs_overlays_trampoline_lowered:
0x8: {  	[smem:$0x3FAA] =	sst s0  }
0x9: {  	[smem:$0x3FAB] =	sst s1  }
0xa: {  	[smem:$0x3FAC] =	sst s2  }
0xb: {  	[smem:$0x3FAD] =	sst s3  }
0xc: {  	[smem:$0x3FAE] =	sst s4  }
0xd: {  	[smem:$0x3FAF] =	sst s5  }
0xe: {  	[smem:$0x3FB0] =	sst s6  }
0xf: {  	[smem:$0x3FB1] =	sst s7  }
0x10: {  	[smem:$0x3FB2] =	sst s8  }
0x11: {  	[smem:$0x3FB3] =	sst s9;
	s0 =	simm.s32 @!p0 $0x0  }
0x12: {  	s1 =	sld [smem:$0x3F99];
	s0 =	simm.s32 @p0 $0x1  }
0x13: {  	[smem:$0x3FB4] =	sst s0;
	s0 =	simm.s32 @!p1 $0x0  }
0x14: {  	s2 =	sld [smem:$0x3F98];
	s0 =	simm.s32 @p1 $0x1  }
0x15: {  	[smem:$0x3FB5] =	sst s0;
	s0 =	simm.s32 @!p2 $0x0  }
0x16: {  	s3 =	sld [smem:$0x3FDB];
	s0 =	simm.s32 @p2 $0x1  }
0x17: {  	s4 =	simm.s32 $0x1BF5;
	[smem:$0x3FB7] =	sst s0  }
0x18: {  	s0 =	sld [smem:$0x3F9A];
	_ =	swait.ge [sflag:s4], $0x0  }
0x19: {  	s7 =	sld [smem:$0x3F9B]  }
0x1a: {  	s8 =	sadd.s32 $0xFFFFE003, lr  }
0x1b: {  	s9 =	sadd.s32 $0xFFFFFEF7, lr;
	s5 =	simm.s32 $0xFFFFFFFF;
	p2 =	slt.u32 s8, $0xFFFFF086  }
0x1c: {  	p1 =	slt.u32 s9, $0xF7A;
	s5 =	simm.s32 @!p2 $0x0  }
0x1d: {  	s5 =	simm.s32 @p1 $0x1;
	p0 =	seq.s32 s7, s2  }
0x1e: {  	s7 =	smul.u32 @!p0 $0xF7A, s2;
	p2 =	seq.s32 @!p0 s5, $0x0  }
0x1f: {  	s9 =	smul.u32 $0xF7A, s1;
	s8 =	simm.s32 @!p0 $0x1BF5;
	p2 =	por !p2, p0  }
0x20: {  	[sflag:s8] =	ssyncset.s32 @!p0 $0xFFFFF086;
	s6 =	sadd.s32 @!p0 s3, s7;
	s7 =	simm.s32 @!p0 $0x108  }
0x21: {  	s3 =	sadd.s32 s3, s9;
	s6 =	sadd.s32 @!p0 $0x88, s6;
	s7 =	simm.s32 @p2 $0x1082  }
0x22: {  	[simem:s7], [sflag:s8] =	dma.local @!p0 [hbm:s6], $0xF7A  }
0x23: {  	s9 =	sor.u32 $0xD0000000, s2;
	s6 =	simm.s32 $0x108;
	_ =	swait.ge @!p0 [sflag:s8], $0x0  }
0x24: {  	s3 =	sadd.s32 $0x88, s3;
	s6 =	simm.s32 @!p1 $0x1082;
	[sflag:s4] =	ssyncset.s32 $0xFFFFF086  }
0x25: {  	[simem:s6], [sflag:s4] =	dma.local [hbm:s3], $0xF7A  }
0x26: {  	[smem:$0x3F9B] =	sst s1;
	(tag) =	ssettag s2;
	_ =	strace s9  }
0x27: {  	s1 =	sld [smem:$0x3FAB]  }
0x28: {  	s2 =	sld [smem:$0x3FAC]  }
0x29: {  	s4 =	sld [smem:$0x3FAE]  }
0x2a: {  	p0 =	seq.s32 s5, $0x0;
	s5 =	sld [smem:$0x3FAF]  }
0x2b: {  	s6 =	sld [smem:$0x3FB0]  }
0x2c: {  	s7 =	sld [smem:$0x3FB1]  }
0x2d: {  	s3 =	simm.s32 $0x108;
	s8 =	sld [smem:$0x3FB2]  }
0x2e: {  	s3 =	simm.s32 @!p0 $0x1082;
	s9 =	sld [smem:$0x3FB3]  }
0x2f: {  	lr =	sadd.s32 s0, s3;
	s0 =	sld [smem:$0x3FAA]  }
0x30: {  	s3 =	sld [smem:$0x3FAD]  }
0x31: {  	[smem:$0x3FB6] =	sst s10  }
0x32: {  	s10 =	sld [smem:$0x3FB4];
	_ =	sdelay $0x3  }
0x33: {  	p0 =	seq.s32 s10, $0x1;
	s10 =	sld [smem:$0x3FB6];
	_ =	sdelay $0x3  }
0x34: {  	[smem:$0x3FB6] =	sst s10  }
0x35: {  	s10 =	sld [smem:$0x3FB5];
	_ =	sdelay $0x3  }
0x36: {  	p1 =	seq.s32 s10, $0x1;
	s10 =	sld [smem:$0x3FB6];
	_ =	sdelay $0x3  }
0x37: {  	[smem:$0x3FB6] =	sst s10  }
0x38: {  	s10 =	sld [smem:$0x3FB7]  }
0x39: {  	_ = 	snop;
	(pc) =	sbr.ind lr, $3  }
0x3a: {  	_ = 	snop  }
0x3b: {  	_ = 	snop  }
0x3c: {  	p2 =	seq.s32 s10, $0x1;
	s10 =	sld [smem:$0x3FB6]  }
0x3d: {  	_ =	shalt  }
0x3e: {  	_ =	shalt  }
0x3f: {  	_ =	shalt  }
0x40: {  	_ =	shalt  }
0x41: {  	_ =	shalt  }
0x42: {  	_ =	shalt  }
0x43: {  	_ =	shalt  }
0x44: {  	_ =	shalt  }
0x45: {  	_ =	shalt  }
0x46: {  	_ =	shalt  }
0x47: {  	_ =	shalt  }
0x48: {  	_ =	shalt  }
0x49: {  	_ =	shalt  }
0x4a: {  	_ =	shalt  }
0x4b: {  	_ =	shalt  }
0x4c: {  	_ =	shalt  }
0x4d: {  	_ =	shalt  }
0x4e: {  	_ =	shalt  }
0x4f: {  	_ =	shalt  }
0x50: {  	_ =	shalt  }
0x51: {  	_ =	shalt  }
0x52: {  	_ =	shalt  }
0x53: {  	_ =	shalt  }
0x54: {  	_ =	shalt  }
0x55: {  	_ =	shalt  }
0x56: {  	_ =	shalt  }
0x57: {  	_ =	shalt  }
0x58: {  	_ =	shalt  }
0x59: {  	_ =	shalt  }
0x5a: {  	_ =	shalt  }
0x5b: {  	_ =	shalt  }
0x5c: {  	_ =	shalt  }
0x5d: {  	_ =	shalt  }
0x5e: {  	_ =	shalt  }
0x5f: {  	_ =	shalt  }
0x60: {  	_ =	shalt  }
0x61: {  	_ =	shalt  }
0x62: {  	_ =	shalt  }
0x63: {  	_ =	shalt  }
0x64: {  	_ =	shalt  }
0x65: {  	_ =	shalt  }
0x66: {  	_ =	shalt  }
0x67: {  	_ =	shalt  }
0x68: {  	_ =	shalt  }
0x69: {  	_ =	shalt  }
0x6a: {  	_ =	shalt  }
0x6b: {  	_ =	shalt  }
0x6c: {  	_ =	shalt  }
0x6d: {  	_ =	shalt  }
0x6e: {  	_ =	shalt  }
0x6f: {  	_ =	shalt  }
0x70: {  	_ =	shalt  }
0x71: {  	_ =	shalt  }
0x72: {  	_ =	shalt  }
0x73: {  	_ =	shalt  }
0x74: {  	_ =	shalt  }
0x75: {  	_ =	shalt  }
0x76: {  	_ =	shalt  }
0x77: {  	_ =	shalt  }
0x78: {  	_ =	shalt  }
0x79: {  	_ =	shalt  }
0x7a: {  	_ =	shalt  }
0x7b: {  	_ =	shalt  }
0x7c: {  	_ =	shalt  }
0x7d: {  	_ =	shalt  }
0x7e: {  	_ =	shalt  }
0x7f: {  	_ =	shalt  }
0x80: {  	_ =	shalt  }
0x81: {  	_ =	shalt  }
0x82: {  	_ =	shalt  }
0x83: {  	_ =	shalt  }
0x84: {  	_ =	shalt  }
0x85: {  	_ =	shalt  }
0x86: {  	_ =	shalt  }
0x87: {  	_ =	shalt  }
.Lfunc_end0:
.L_simem_size_0:
called_computation.2_lowered:
.L_overlay_start_0:
0x88: {  	s2 =	sld [smem:$0x3FD9]  }
0x89: {  	s3 =	sld [smem:$0x3FFE];
	_ =	sdelay $0x1  }
0x8a: {  	s1 =	srdreg.scid  }
0x8b: {  	s0 =	sand.u32 $0x1, s1  }
0x8c: {  	s17 =	sshll.u32 s0, $0xA;
	s2 =	sadd.s32 s3, s2  }
0x8d: {  	s2 =	sadd.s32 s2, s17  }
0x8e: {  	[smem:$0x3FC2] =	sst s2  }
0x8f: {  	_ = 	snop  }
0x90: {  	s2 =	sld [smem:$0x3FD0];
	(tm) =	ssettm $0x1  }
0x91: {  	s18 =	sld [smem:$0x3FFB];
	_ =	sdelay $0x3  }
0x92: {  	_ =	strace s18  }
0x93: {  	s3 =	sld [smem:$0x3FFC];
	_ =	sdelay $0x3  }
0x94: {  	_ =	strace s3  }
0x95: {  	s3 =	sld [smem:$0x3FFD];
	_ =	sdelay $0x3  }
0x96: {  	_ =	strace s3  }
0x97: {  	_ =	strace $0x8FFFFFFF  }
0x98: {  	s19 =	sld [smem:$0x3FDB];
	_ =	sdelay $0x1  }
0x99: {  	s4 =	simm.s32 $_scs_section_size  }
0x9a: {  	s5 =	simm.s32 $_size__tile_overlayer_lowered;
	s6 =	simm.s32 $_tile_overlayer_lowered  }
0x9b: {  	s22 =	simm.s32 $0x1BFF;
	s21 =	sshll.u32 s6, $0x1;
	s3 =	sadd.s32 s4, s19  }
0x9c: {  	s7 =	simm.s32 $0x0;
	s20 =	sshll.u32 s5, $0x1;
	s5 =	sadd.s32 s21, s3  }
0x9d: {  	[timem:s7], [sflag:s22] =	dma.local [hbm:s5], s20  }
0x9e: {  	_ =	swait.ge [sflag:s22], s20  }
0x9f: {  	s4 =	ssub.s32 $0x0, s20;
	[sflag:s22] =	ssyncset.done $0x0  }
0xa0: {  	[sflag:s22] =	ssyncadd.s32 s4;
	_ =	sdelay $0x1  }
0xa1: {  	s23 =	simm.s32 $0x1B8B  }
0xa2: {  	_ =	swait.ge [sflag:s23], $0x1  }
0xa3: {  	[sflag:s23] =	ssyncset.done $0x0  }
0xa4: {  	s25 =	simm.s32 $0x1B8E;
	s24 =	sld [smem:$0x3FFE];
	[sflag:s23] =	ssyncadd.s32 $0xFFFFFFFF  }
0xa5: {  	s26 =	simm.s32 $execute0_lowered;
	[smem:$0x3FD2] =	sst s25  }
0xa6: {  	s5 =	sshll.u32 s26, $0x1;
	_ =	strace $0x8000004C;
	[dreg:$0x1] =	wrdreg $0xFFFFFFFF  }
0xa7: {  	s28 =	simm.s32 $_size_execute0_lowered;
	s3 =	sadd.s32 s3, s5;
	[dreg:$0x0] =	wrdreg $0x0  }
0xa8: {  	s5 =	sshll.u32 s28, $0x1;
	[dreg:$0x2] =	wrdreg s3  }
0xa9: {  	[dreg:$0x3] =	wrdreg s5  }
0xaa: {  	[dreg:$0x4] =	wrdreg $0xC0  }
0xab: {  	_ =	task [dreg:s7], $0x5FFFF  }
0xac: {  	[dreg:$0x1] =	wrdreg $0xFFFFFFFF  }
0xad: {  	[dreg:$0x0] =	wrdreg $0x60  }
0xae: {  	[dreg:$0x2] =	wrdreg s2  }
0xaf: {  	[dreg:$0x3] =	wrdreg s24  }
0xb0: {  	[dreg:$0x4] =	wrdreg $0xA4000  }
0xb1: {  	[dreg:$0x5] =	wrdreg $0x9  }
0xb2: {  	_ =	task.clear_ibuf [dreg:s7], $0x6FFFF;
	_ =	strace $0x9000004C  }
0xb3: {  	s29 =	simm.s32 $0x9;
	_ =	strace $0x8000004E  }
0xb4: {  	_ =	swait.ge [sflag:s29], $0x1  }
0xb5: {  	[sflag:s29] =	ssyncadd.s32 $0xFFFFFFFF  }
0xb6: {  	_ =	strace $0x9000004E  }
0xb7: {  	_ =	sfence  }
0xb8: {  	s30 =	sld [smem:$0x0];
	_ =	sdelay $0x2  }
0xb9: {  	s31 =	sshll.u32 s1, $0xD;
	s1 =	sshrl.u32 s1, $0x2  }
0xba: {  	s3 =	sand.u32 $0x4000, s31;
	s1 =	sadd.s32 s1, s30  }
0xbb: {  	s0 =	sor.u32 s3, s0;
	s1 =	sshll.u32 s1, $0x11  }
0xbc: {  	s0 =	sor.u32 s1, s0  }
0xbd: {  	s0 =	sadd.s32 $0x8F2B, s0  }
0xbe: {  	[sflag:s0] =	ssyncadd.remote.s32 $0x1  }
0xbf: {  	_ =	sfence.sel $0xFFFF  }
0xc0: {  	[dreg:$0x0] =	wrdreg $0xFFFFFFFF;
	(pc) =	sbr.abs _section_cstart, $3  }
0xc1: {  	[dreg:$0x1] =	wrdreg $0xFFFFFFFF  }
0xc2: {  	_ =	task.clear_ibuf [dreg:s7], $0x2FFFF;
	_ =	strace $0x9FFFFFFF  }
0xc3: {  	(tm) =	ssettm $0x7FFFFFFF  }
tec
execute0_lowered:
.L_overlay_start_1:
0x0: {  	(tag) =	ssettag $0x1  }
0x1: {  	s2 =	rddreg [dreg:$0x0]  }
0x2: {  	s0 =	rddreg [dreg:$0x1]  }
0x3: {  	s3 =	rddreg [dreg:$0x2]  }
0x4: {  	s16 =	stileid.u32;
	s1 =	srdreg.scid;
	s4 =	simm.s32 $0x0  }
0x5: {  	s30 =	simm.s32 $0x200;
	s31 =	simm.s32 $0xD;
	s7 =	smul.u32 $0x2700, s16  }
0x6: {  	s29 =	simm.s32 $0xA;
	s1 =	sand.u32 $0x1, s1;
	s24 =	smul.u32 $0x4E000, s16  }
0x7: {  	s5 =	sshll.u32 s16, $0x1;
	[smem:$0x7FF] =	sst s4;
	s28 =	smul.u32 $0x13800, s16  }
0x8: {  	s6 =	sadd.s32 $0xBC00, s0;
	s13 =	sadd.s32 $0x3CC00, s0;
	s17 =	smul.u32 $0x4E20, s16  }
0x9: {  	s5 =	sor.u32 s1, s5;
	_ =	strace $0x8000004D;
	s26 =	smul.u32 $0x138800, s1  }
0xa: {  	s9 =	ssub.s32 $0x2, s1;
	p3 =	seq.s32 s1, $0x1;
	s1 =	smul.u32 $0x2710, s1  }
0xb: {  	s8 =	smul.u32 $0x2710, s5;
	s5 =	sadd.s32 $0x1E00, s0;
	s10 =	sadd.s32 s7, s0  }
0xc: {  	s11 =	sshrl.u32 s9, $0x1;
	s7 =	sadd.s32 s2, s7;
	s0 =	sadd.s32 $0x3A300, s0  }
0xd: {  	p1 =	seq.s32 @p3 s16, $0xF;
	p4 =	seq.s32 @!p3 s16, $0xF;
	[dreg:$0xd] =	wrdreg s7  }
0xe: {  	s9 =	ssub.s32 s9, s11;
	[dreg:$0xf] =	wrdreg s0;
	s1 =	sadd.s32 s1, s17  }
0xf: {  	p0 =	por !p1, !p3;
	p1 =	por p1, !p3;
	p2 =	por !p4, p3  }
0x10: {  	p3 =	por p4, p3;
	p4 =	seq.s32 s16, $0xF;
	s12 =	sshrl.u32 s8, $0x3  }
0x11: {  	s18 =	sadd.s32 s5, s12;
	s19 =	sadd.s32 s6, s12;
	s20 =	sadd.s32 $0xA, s12  }
0x12: {  	s14 =	sadd.s32 $0x14, s12;
	s23 =	sadd.s32 $0x1E, s12;
	[dreg:$0x4] =	wrdreg s18  }
0x13: {  	s12 =	sshrl.u32 s24, $0x2;
	s24 =	sadd.s32 $0x230, s8;
	[dreg:$0x5] =	wrdreg s19  }
0x14: {  	s7 =	simm.s32 $0x6;
	s15 =	sadd.s32 s5, s20;
	[dreg:$0x12] =	wrdreg s24  }
0x15: {  	s17 =	simm.s32 $0xC;
	s11 =	sadd.s32 s6, s20;
	[dreg:$0x6] =	wrdreg s15  }
0x16: {  	s21 =	sadd.s32 s5, s14;
	s22 =	sadd.s32 s6, s14;
	[dreg:$0x7] =	wrdreg s11  }
0x17: {  	s25 =	sadd.s32 s5, s23;
	s18 =	sadd.s32 s12, s3;
	[dreg:$0x8] =	wrdreg s21  }
0x18: {  	s12 =	sadd.s32 $0x15A00, s10;
	s19 =	sshrl.u32 s26, $0x3;
	[dreg:$0x9] =	wrdreg s22  }
0x19: {  	s24 =	simm.s32 $0x7C00;
	s14 =	simm.s32 $0x7;
	[dreg:$0xa] =	wrdreg s25  }
0x1a: {  	s10 =	simm.s32 $0x0;
	s11 =	sadd.s32 s6, s23;
	[dreg:$0xe] =	wrdreg s12  }
0x1b: {  	s15 =	sadd.s32 s28, s26;
	s20 =	sadd.s32 s13, s19;
	s23 =	sadd.s32 $0x140, s8  }
0x1c: {  	s21 =	sadd.s32 $0x190, s8;
	s22 =	sadd.s32 $0x1E0, s8;
	[dreg:$0xc] =	wrdreg s18  }
0x1d: {  	s25 =	sadd.s32 $0xF0, s1;
	s26 =	smax.u32 s9, $0x1;
	[dreg:$0xb] =	wrdreg s11  }
0x1e: {  	s28 =	sadd.s32 $0x24900, s2;
	s9 =	simm.s32 $0x180;
	[dreg:$0x11] =	wrdreg s23  }
0x1f: {  	s12 =	simm.s32 $0x50;
	s19 =	simm.s32 $0x4;
	[dreg:$0x14] =	wrdreg s26  }
0x20: {  	s1 =	simm.s32 $0xB;
	s0 =	sshrl.u32 s15, $0x3;
	[dreg:$0x17] =	wrdreg s28  }
.Ltmp0:
0x21: {  	s11 =	simm.s32 $0x1;
	s0 =	sadd.s32 s13, s0;
	(pc) =	sbr.rel .LBB2_1-.Ltmp0, $4  }
0x22: {  	s26 =	simm.s32 $0x5;
	[dreg:$0x10] =	wrdreg s0;
	s0 =	sadd.s32 $0x24900, s20  }
0x23: {  	s20 =	sadd.s32 $0x124800, s3;
	[dreg:$0x13] =	wrdreg s0;
	s0 =	sshrl.u32 s25, $0x3  }
0x24: {  	s15 =	simm.s32 $0x8;
	[dreg:$0x16] =	wrdreg s20;
	s0 =	sadd.s32 s0, s6  }
0x25: {  	s13 =	simm.s32 $0x400;
	s25 =	simm.s32 $0x9;
	[dreg:$0x15] =	wrdreg s0  }
.LBB2_4:
0x26: {  	s0 =	simm.s32 $0x10  }
0x27: {  	_ =	swait.ge [sflag:s0], $0x2800  }
0x28: {  	[sflag:s0] =	ssyncset.done $0x0  }
0x29: {  	[sflag:s0] =	ssyncadd.s32 $0xFFFFD800  }
0x2a: {  	_ =	swait.ge [sflag:s25], $0x2800  }
0x2b: {  	[sflag:s25] =	ssyncset.done $0x0  }
0x2c: {  	[sflag:s25] =	ssyncadd.s32 $0xFFFFD800  }
0x2d: {  	_ =	swait.ge [sflag:s26], $0x50  }
0x2e: {  	[sflag:s26] =	ssyncset.done $0x0  }
0x2f: {  	[sflag:s26] =	ssyncadd.s32 $0xFFFFFFB0  }
0x30: {  	[spmem:s3] =	stream.indirect.scatter.add.f32 [tilespmem:s13], [sflag:$0xD], $0x80, s30, s12, $0xb8;
	[tilespmem:$0x1DC80] =	vst v63  }
0x31: {  	_ =	swait.ge [sflag:s31], $0x2800  }
0x32: {  	[sflag:s31] =	ssyncset.done $0x0  }
0x33: {  	[sflag:s31] =	ssyncadd.s32 $0xFFFFD800  }
0x34: {  	[bflag:$0x0] =	sbarrier.arrive $0xFFFF  }
0x35: {  	s20 =	rddreg [dreg:$0x16]  }
0x36: {  	s8 =	simm.s32 @p4 $0x1FD1;
	s10 =	rddreg [dreg:$0x13];
	s0 =	sshrl.u32 @p4 s20, $0x3  }
0x37: {  	[hbm:s10], [sflag:s8] =	dma.local @p4 [spmem:s0], $0x2800  }
0x38: {  	s0 =	simm.s32 @p4 $0x11  }
0x39: {  	_ =	swait.ge @p4 [sflag:s0], $0x2800  }
0x3a: {  	s16 =	stileid.u32;
	s18 =	rddreg [dreg:$0xc]  }
0x3b: {  	s8 =	sshll.u32 @!p4 s16, $0x6;
	[sflag:s0] =	ssyncset.done @p4 $0x0;
	s10 =	rddreg [dreg:$0x10]  }
0x3c: {  	[sflag:s0] =	ssyncadd.s32 @p4 $0xFFFFD800;
	s0 =	sor.u32 @!p4 $0x1C11, s8;
	s8 =	sshrl.u32 @!p4 s18, $0x3  }
0x3d: {  	[hbm:s10], [sflag:s0] =	dma.local @!p4 [spmem:s8], $0x2700  }
0x3e: {  	s0 =	simm.s32 @!p4 $0x11  }
0x3f: {  	_ =	swait.ge @!p4 [sflag:s0], $0x2700  }
0x40: {  	s23 =	rddreg [dreg:$0x18]  }
0x41: {  	s28 =	rddreg [dreg:$0x14];
	s10 =	sadd.s32 $0x1, s23  }
0x42: {  	p5 =	sne.s32 s10, s28  }
.Ltmp1:
0x43: {  	_ = 	snop;
	(pc) =	sbr.rel @!p5 .LBB2_5-.Ltmp1, $3  }
0x44: {  	_ =	sdelay $0x1  }
0x45: {  	[sflag:s0] =	ssyncset.done @!p4 $0x0  }
0x46: {  	[sflag:s0] =	ssyncadd.s32 @!p4 $0xFFFFD900  }
.LBB2_1:
0x47: {  	[dreg:$0x18] =	wrdreg s10  }
0x48: {  	s0 =	rddreg [dreg:$0x4]  }
0x49: {  	[tilespmem:s4], [sflag:$0x1] =	stream.linear.gather [hbm4b:s0+s4], $0x50, $0x38;
	[tilespmem:$0x1DC80] =	vst v63  }
0x4a: {  	s10 =	rddreg [dreg:$0x5]  }
0x4b: {  	[tilespmem:s30], [sflag:$0x5] =	stream.linear.gather [hbm4b:s10+s4], $0x50, $0x38;
	[tilespmem:$0x1DC80] =	vst v63  }
0x4c: {  	s23 =	rddreg [dreg:$0x6];
	s8 =	simm.s32 $0x80  }
0x4d: {  	[tilespmem:s8], [sflag:$0x2] =	stream.linear.gather [hbm4b:s23+s4], $0x50, $0x38;
	[tilespmem:$0x1DC80] =	vst v63  }
0x4e: {  	s10 =	rddreg [dreg:$0x7];
	s23 =	simm.s32 $0x280  }
0x4f: {  	[tilespmem:s23], [sflag:$0x6] =	stream.linear.gather [hbm4b:s10+s4], $0x50, $0x38;
	[tilespmem:$0x1DC80] =	vst v63  }
0x50: {  	s23 =	rddreg [dreg:$0x8];
	s10 =	simm.s32 $0x100  }
0x51: {  	[tilespmem:s10], [sflag:$0x3] =	stream.linear.gather [hbm4b:s23+s4], $0x50, $0x38;
	[tilespmem:$0x1DC80] =	vst v63  }
0x52: {  	s0 =	rddreg [dreg:$0x9];
	s23 =	simm.s32 $0x300  }
0x53: {  	[tilespmem:s23], [sflag:$0x7] =	stream.linear.gather [hbm4b:s0+s4], $0x50, $0x38;
	[tilespmem:$0x1DC80] =	vst v63  }
0x54: {  	s23 =	rddreg [dreg:$0xa]  }
0x55: {  	[tilespmem:s9], [sflag:$0x4] =	stream.linear.gather [hbm4b:s23+s4], $0x50, $0x38;
	[tilespmem:$0x1DC80] =	vst v63  }
0x56: {  	s0 =	rddreg [dreg:$0xb];
	s23 =	simm.s32 $0x380  }
0x57: {  	[tilespmem:s23], [sflag:$0x8] =	stream.linear.gather [hbm4b:s0+s4], $0x50, $0x38;
	[tilespmem:$0x1DC80] =	vst v63  }
0x58: {  	_ =	swait.ge [sflag:s11], $0x50  }
0x59: {  	[sflag:s11] =	ssyncset.done $0x0  }
0x5a: {  	s23 =	simm.s32 $0x2;
	[sflag:s11] =	ssyncadd.s32 $0xFFFFFFB0  }
0x5b: {  	[tilespmem:s13], [sflag:$0x9] =	stream.indirect.gather [hbm4b:s2+s12], $0x80, s4, s12, $0xb8;
	[tilespmem:$0x1DC80] =	vst v63  }
0x5c: {  	_ =	swait.ge [sflag:s23], $0x50  }
0x5d: {  	[sflag:s23] =	ssyncset.done $0x0  }
0x5e: {  	[sflag:s23] =	ssyncadd.s32 $0xFFFFFFB0;
	s23 =	simm.s32 $0x2C00  }
0x5f: {  	[tilespmem:s23], [sflag:$0xA] =	stream.indirect.gather [hbm4b:s2+s12], $0x80, s8, s12, $0xb8;
	[tilespmem:$0x1DC80] =	vst v63  }
0x60: {  	s8 =	simm.s32 $0x3  }
0x61: {  	_ =	swait.ge [sflag:s8], $0x50  }
0x62: {  	[sflag:s8] =	ssyncset.done $0x0  }
0x63: {  	s23 =	simm.s32 $0x5400;
	[sflag:s8] =	ssyncadd.s32 $0xFFFFFFB0  }
0x64: {  	[tilespmem:s23], [sflag:$0xB] =	stream.indirect.gather [hbm4b:s2+s12], $0x80, s10, s12, $0xb8;
	[tilespmem:$0x1DC80] =	vst v63  }
0x65: {  	s0 =	sshrl.u32 @!p0 s20, $0x3;
	s8 =	simm.s32 @!p0 $0x1FD1;
	s10 =	rddreg [dreg:$0xf]  }
0x66: {  	[spmem:s0], [sflag:s8] =	dma.local @!p0 [hbm:s10], $0x2800  }
0x67: {  	s0 =	simm.s32 @!p0 $0x11  }
0x68: {  	_ =	swait.ge @!p0 [sflag:s0], $0x2800  }
0x69: {  	s8 =	sshll.u32 @!p1 s16, $0x6;
	[sflag:s0] =	ssyncset.done @!p0 $0x0;
	s10 =	rddreg [dreg:$0xe]  }
0x6a: {  	[sflag:s0] =	ssyncadd.s32 @!p0 $0xFFFFD800;
	s0 =	sor.u32 @!p1 $0x1C11, s8;
	s8 =	sshrl.u32 @!p1 s18, $0x3  }
0x6b: {  	[spmem:s8], [sflag:s0] =	dma.local @!p1 [hbm:s10], $0x2700  }
0x6c: {  	s0 =	simm.s32 @!p1 $0x11  }
0x6d: {  	_ =	swait.ge @!p1 [sflag:s0], $0x2700  }
0x6e: {  	s8 =	simm.s32 @!p2 $0x1FD1;
	[sflag:s0] =	ssyncset.done @!p1 $0x0  }
0x6f: {  	s10 =	rddreg [dreg:$0x17];
	[sflag:s0] =	ssyncadd.s32 @!p1 $0xFFFFD900;
	s0 =	sshrl.u32 @!p2 s20, $0x3  }
0x70: {  	[spmem:s0], [sflag:s8] =	dma.local @!p2 [hbm:s10], $0x2800  }
0x71: {  	s0 =	simm.s32 @!p2 $0x11  }
0x72: {  	_ =	swait.ge @!p2 [sflag:s0], $0x2800  }
0x73: {  	s8 =	sshll.u32 @!p3 s16, $0x6;
	[sflag:s0] =	ssyncset.done @!p2 $0x0;
	s10 =	rddreg [dreg:$0xd]  }
0x74: {  	[sflag:s0] =	ssyncadd.s32 @!p2 $0xFFFFD800;
	s0 =	sor.u32 @!p3 $0x1C11, s8;
	s8 =	sshrl.u32 @!p3 s18, $0x3  }
0x75: {  	[spmem:s8], [sflag:s0] =	dma.local @!p3 [hbm:s10], $0x2700  }
0x76: {  	s0 =	simm.s32 @!p3 $0x11  }
0x77: {  	_ =	swait.ge @!p3 [sflag:s0], $0x2700  }
0x78: {  	[sflag:s0] =	ssyncset.done @!p3 $0x0  }
0x79: {  	[sflag:s0] =	ssyncadd.s32 @!p3 $0xFFFFD900  }
0x7a: {  	[bflag:$0x0] =	sbarrier.arrive $0xFFFF  }
0x7b: {  	s8 =	simm.s32 $0x0;
	s28 =	rddreg [dreg:$0x15]  }
.LBB2_2:
0x7c: {  	p5 =	seq.s32 s8, $0x0  }
0x7d: {  	s0 =	simm.s32 @!p5 $0x10  }
0x7e: {  	_ =	swait.ge @!p5 [sflag:s0], $0x2800  }
0x7f: {  	[sflag:s0] =	ssyncset.done @!p5 $0x0  }
0x80: {  	s10 =	simm.s32 @!p5 $0x380;
	[sflag:s0] =	ssyncadd.s32 @!p5 $0xFFFFD800;
	s0 =	simm.s32 @!p5 $0x0  }
0x81: {  	[tilespmem:s10], [sflag:$0x8] =	stream.linear.gather @!p5 [hbm4b:s28+s0], $0x50, $0x38;
	[tilespmem:$0x1DC80] =	vst v63  }
0x82: {  	_ =	swait.ge [sflag:s19], $0x50  }
0x83: {  	[sflag:s19] =	ssyncset.done $0x0  }
0x84: {  	[sflag:s19] =	ssyncadd.s32 $0xFFFFFFB0  }
0x85: {  	[tilespmem:s24], [sflag:$0xC] =	stream.indirect.gather [hbm4b:s2+s12], $0x80, s9, s12, $0xb8;
	[tilespmem:$0x1DC80] =	vst v63  }
0x86: {  	_ =	swait.ge [sflag:s25], $0x2800  }
0x87: {  	[sflag:s25] =	ssyncset.done $0x0  }
0x88: {  	[sflag:s25] =	ssyncadd.s32 $0xFFFFD800  }
0x89: {  	s0 =	smov.u32 s8;
	_ =	swait.ge [sflag:s26], $0x50  }
0x8a: {  	s0 =	simm.s32 @p5 $0x0;
	[sflag:s26] =	ssyncset.done $0x0;
	s16 =	rddreg [dreg:$0x11]  }
0x8b: {  	[sflag:s26] =	ssyncadd.s32 $0xFFFFFFB0;
	s10 =	sadd.s32 s0, s16  }
0x8c: {  	[spmem:s3] =	stream.indirect.scatter.add.f32 [tilespmem:s13], [sflag:$0xD], $0x80, s30, s12, $0xb8;
	[tilespmem:$0x1DC80] =	vst v63  }
0x8d: {  	s10 =	sshrl.u32 s10, $0x3  }
0x8e: {  	s16 =	sadd.s32 s5, s10  }
0x8f: {  	[tilespmem:s4], [sflag:$0x1] =	stream.linear.gather [hbm4b:s16+s4], $0x50, $0x38;
	[tilespmem:$0x1DC80] =	vst v63  }
0x90: {  	_ =	swait.ge [sflag:s31], $0x2800  }
0x91: {  	[sflag:s31] =	ssyncset.done $0x0  }
0x92: {  	s10 =	sadd.s32 s6, s10;
	[sflag:s31] =	ssyncadd.s32 $0xFFFFD800  }
0x93: {  	[tilespmem:s30], [sflag:$0x5] =	stream.linear.gather [hbm4b:s10+s4], $0x50, $0x38;
	[tilespmem:$0x1DC80] =	vst v63  }
0x94: {  	_ =	swait.ge [sflag:s11], $0x50  }
0x95: {  	[sflag:s11] =	ssyncset.done $0x0  }
0x96: {  	[sflag:s11] =	ssyncadd.s32 $0xFFFFFFB0  }
0x97: {  	[tilespmem:s13], [sflag:$0x9] =	stream.indirect.gather [hbm4b:s2+s12], $0x80, s4, s12, $0xb8;
	[tilespmem:$0x1DC80] =	vst v63  }
0x98: {  	_ =	swait.ge [sflag:s29], $0x2800  }
0x99: {  	[sflag:s29] =	ssyncset.done $0x0  }
0x9a: {  	[sflag:s29] =	ssyncadd.s32 $0xFFFFD800  }
0x9b: {  	_ =	swait.ge [sflag:s7], $0x50  }
0x9c: {  	s18 =	simm.s32 $0x280;
	p5 =	seq.s32 s8, $0x2580;
	[sflag:s7] =	ssyncset.done $0x0  }
0x9d: {  	s20 =	simm.s32 $0x2C00;
	s10 =	simm.s32 @p5 $0xE;
	[sflag:s7] =	ssyncadd.s32 $0xFFFFFFB0  }
0x9e: {  	[spmem:s3] =	stream.indirect.scatter.add.f32 [tilespmem:s20], [sflag:$0xE], $0x80, s18, s12, $0xb8;
	[tilespmem:$0x1DC80] =	vst v63  }
0x9f: {  	_ =	swait.ge @p5 [sflag:s10], $0x2800  }
0xa0: {  	s16 =	sadd.s32 @!p5 s0, s21;
	[sflag:s10] =	ssyncset.done @p5 $0x0  }
0xa1: {  	[sflag:s10] =	ssyncadd.s32 @p5 $0xFFFFD800;
	s10 =	sshrl.u32 @!p5 s16, $0x3  }
0xa2: {  	s23 =	simm.s32 @!p5 $0x80;
	s18 =	simm.s32 @!p5 $0x0;
	s16 =	sadd.s32 @!p5 s5, s10  }
0xa3: {  	[tilespmem:s23], [sflag:$0x2] =	stream.linear.gather @!p5 [hbm4b:s16+s18], $0x50, $0x38;
	[tilespmem:$0x1DC80] =	vst v63  }
0xa4: {  	s16 =	simm.s32 @!p5 $0xE  }
0xa5: {  	_ =	swait.ge @!p5 [sflag:s16], $0x2800  }
0xa6: {  	[sflag:s16] =	ssyncset.done @!p5 $0x0  }
0xa7: {  	s10 =	sadd.s32 @!p5 s6, s10;
	[sflag:s16] =	ssyncadd.s32 @!p5 $0xFFFFD800;
	s16 =	simm.s32 @!p5 $0x280  }
0xa8: {  	[tilespmem:s16], [sflag:$0x6] =	stream.linear.gather @!p5 [hbm4b:s10+s18], $0x50, $0x38;
	[tilespmem:$0x1DC80] =	vst v63  }
0xa9: {  	s10 =	simm.s32 @!p5 $0x2  }
0xaa: {  	_ =	swait.ge @!p5 [sflag:s10], $0x50  }
0xab: {  	[sflag:s10] =	ssyncset.done @!p5 $0x0  }
0xac: {  	s16 =	simm.s32 @!p5 $0x2C00;
	[sflag:s10] =	ssyncadd.s32 @!p5 $0xFFFFFFB0;
	s10 =	simm.s32 @!p5 $0x50  }
0xad: {  	[tilespmem:s16], [sflag:$0xA] =	stream.indirect.gather @!p5 [hbm4b:s2+s10], $0x80, s23, s10, $0xb8;
	[tilespmem:$0x1DC80] =	vst v63  }
0xae: {  	_ =	swait.ge [sflag:s1], $0x2800  }
0xaf: {  	[sflag:s1] =	ssyncset.done $0x0  }
0xb0: {  	[sflag:s1] =	ssyncadd.s32 $0xFFFFD800  }
0xb1: {  	_ =	swait.ge [sflag:s14], $0x50  }
0xb2: {  	s20 =	simm.s32 $0x5400;
	[sflag:s14] =	ssyncset.done $0x0  }
0xb3: {  	s23 =	simm.s32 $0x300;
	s16 =	simm.s32 @p5 $0xF;
	[sflag:s14] =	ssyncadd.s32 $0xFFFFFFB0  }
0xb4: {  	[spmem:s3] =	stream.indirect.scatter.add.f32 [tilespmem:s20], [sflag:$0xF], $0x80, s23, s12, $0xb8;
	[tilespmem:$0x1DC80] =	vst v63  }
0xb5: {  	s23 =	sadd.s32 @!p5 s0, s22;
	_ =	swait.ge @p5 [sflag:s16], $0x2800  }
0xb6: {  	s23 =	sshrl.u32 @!p5 s23, $0x3;
	[sflag:s16] =	ssyncset.done @p5 $0x0  }
0xb7: {  	s20 =	simm.s32 @!p5 $0x100;
	[sflag:s16] =	ssyncadd.s32 @p5 $0xFFFFD800;
	s16 =	sadd.s32 @!p5 s5, s23  }
0xb8: {  	[tilespmem:s20], [sflag:$0x3] =	stream.linear.gather @!p5 [hbm4b:s16+s18], $0x50, $0x38;
	[tilespmem:$0x1DC80] =	vst v63  }
0xb9: {  	s16 =	simm.s32 @!p5 $0xF  }
0xba: {  	_ =	swait.ge @!p5 [sflag:s16], $0x2800  }
0xbb: {  	[sflag:s16] =	ssyncset.done @!p5 $0x0  }
0xbc: {  	[sflag:s16] =	ssyncadd.s32 @!p5 $0xFFFFD800;
	s16 =	sadd.s32 @!p5 s6, s23;
	s23 =	simm.s32 @!p5 $0x300  }
0xbd: {  	[tilespmem:s23], [sflag:$0x7] =	stream.linear.gather @!p5 [hbm4b:s16+s18], $0x50, $0x38;
	[tilespmem:$0x1DC80] =	vst v63  }
0xbe: {  	s16 =	simm.s32 @!p5 $0x3  }
0xbf: {  	_ =	swait.ge @!p5 [sflag:s16], $0x50  }
0xc0: {  	[sflag:s16] =	ssyncset.done @!p5 $0x0  }
0xc1: {  	[sflag:s16] =	ssyncadd.s32 @!p5 $0xFFFFFFB0;
	s16 =	simm.s32 @!p5 $0x5400  }
0xc2: {  	[tilespmem:s16], [sflag:$0xB] =	stream.indirect.gather @!p5 [hbm4b:s2+s10], $0x80, s20, s10, $0xb8;
	[tilespmem:$0x1DC80] =	vst v63  }
0xc3: {  	_ =	swait.ge [sflag:s17], $0x2800  }
0xc4: {  	[sflag:s17] =	ssyncset.done $0x0  }
.Ltmp2:
0xc5: {  	[sflag:s17] =	ssyncadd.s32 $0xFFFFD800;
	(pc) =	sbr.rel @p5 .LBB2_4-.Ltmp2, $4  }
0xc6: {  	_ =	swait.ge [sflag:s15], $0x50  }
0xc7: {  	[sflag:s15] =	ssyncset.done $0x0  }
0xc8: {  	s23 =	simm.s32 $0x380;
	[sflag:s15] =	ssyncadd.s32 $0xFFFFFFB0  }
0xc9: {  	[spmem:s3] =	stream.indirect.scatter.add.f32 [tilespmem:s24], [sflag:$0x10], $0x80, s23, s12, $0xb8;
	[tilespmem:$0x1DC80] =	vst v63  }
.Ltmp3:
0xca: {  	s10 =	rddreg [dreg:$0x12];
	(pc) =	sbr.rel .LBB2_2-.Ltmp3, $4  }
0xcb: {  	s0 =	sadd.s32 s0, s10  }
0xcc: {  	s0 =	sshrl.u32 s0, $0x3  }
0xcd: {  	s8 =	sadd.s32 $0x140, s8;
	s28 =	sadd.s32 $0x28, s28;
	s0 =	sadd.s32 s5, s0  }
0xce: {  	[tilespmem:s9], [sflag:$0x4] =	stream.linear.gather [hbm4b:s0+s4], $0x50, $0x38;
	[tilespmem:$0x1DC80] =	vst v63  }
.LBB2_5:
0xcf: {  	_ =	sfence.sel $0x180000  }
0xd0: {  	[bflag:$0x0] =	sbarrier.arrive $0xFFFF  }
0xd1: {  	_ =	strace $0x9000004D  }
0xd2: {  	[bflag:$0x2] =	sbarrier.arrive $0xFFFF  }
0xd3: {  	p0 =	sne.s32 s16, $0x0;
	s0 =	rddreg [dreg:$0x3]  }
0xd4: {  	s0 =	sadd.s32 @!p0 $0x100000, s0  }
0xd5: {  	[sflag:s0] =	ssyncadd.tile.s32 @!p0 $0x1;
	_ =	shalt  }
.Lfunc_end2:
_tile_overlayer_lowered:
.L_overlay_start_2:
0xd6: {  	(tag) =	ssettag $0x2  }
0xd7: {  	s0 =	rddreg [dreg:$0x0];
	s2 =	stileid.u32  }
0xd8: {  	s1 =	rddreg [dreg:$0x1];
	p0 =	sne.s32 s2, $0x0  }
0xd9: {  	s3 =	rddreg [dreg:$0x2];
	[bflag:$0x3] =	sbarrier.arrive $0xFFFF;
	s2 =	simm.s32 @!p0 $0x1C11  }
0xda: {  	[timem:s3], [sflag:s2] =	dma.local @!p0 [hbm:s0], s1  }
0xdb: {  	s0 =	simm.s32 @!p0 $0x11  }
0xdc: {  	_ =	swait.ge @!p0 [sflag:s0], s1  }
0xdd: {  	s1 =	ssub.s32 @!p0 $0x0, s1;
	[sflag:s0] =	ssyncset.done @!p0 $0x0  }
0xde: {  	[sflag:s0] =	ssyncadd.s32 @!p0 s1  }
0xdf: {  	[bflag:$0x3] =	sbarrier.arrive $0xFFFF  }
0xe0: {  	_ =	shalt  }

// kernel: kernel.8.cloned.1.call-start
scs
__scs_entry_jumppad:
0x0: {  	(pc) =	sbr.rel $0x88, $3  }
0x1: {  	(tag) =	ssettag $0x0;
	lr =	simm.s32 $0x1  }
0x2: {  	[smem:$0x3F9B] =	sst lr;
	_ =	strace $0xD0000000  }
0x3: {  	_ = 	snop  }
0x4: {  	_ = 	snop  }
0x5: {  	_ = 	snop  }
0x6: {  	_ = 	snop  }
0x7: {  	_ = 	snop  }
__scs_overlays_trampoline_lowered:
0x8: {  	[smem:$0x3FAA] =	sst s0  }
0x9: {  	[smem:$0x3FAB] =	sst s1  }
0xa: {  	[smem:$0x3FAC] =	sst s2  }
0xb: {  	[smem:$0x3FAD] =	sst s3  }
0xc: {  	[smem:$0x3FAE] =	sst s4  }
0xd: {  	[smem:$0x3FAF] =	sst s5  }
0xe: {  	[smem:$0x3FB0] =	sst s6  }
0xf: {  	[smem:$0x3FB1] =	sst s7  }
0x10: {  	[smem:$0x3FB2] =	sst s8  }
0x11: {  	[smem:$0x3FB3] =	sst s9;
	s0 =	simm.s32 @!p0 $0x0  }
0x12: {  	s1 =	sld [smem:$0x3F99];
	s0 =	simm.s32 @p0 $0x1  }
0x13: {  	[smem:$0x3FB4] =	sst s0;
	s0 =	simm.s32 @!p1 $0x0  }
0x14: {  	s2 =	sld [smem:$0x3F98];
	s0 =	simm.s32 @p1 $0x1  }
0x15: {  	[smem:$0x3FB5] =	sst s0;
	s0 =	simm.s32 @!p2 $0x0  }
0x16: {  	s3 =	sld [smem:$0x3FDB];
	s0 =	simm.s32 @p2 $0x1  }
0x17: {  	s4 =	simm.s32 $0x1BF5;
	[smem:$0x3FB7] =	sst s0  }
0x18: {  	s0 =	sld [smem:$0x3F9A];
	_ =	swait.ge [sflag:s4], $0x0  }
0x19: {  	s7 =	sld [smem:$0x3F9B]  }
0x1a: {  	s8 =	sadd.s32 $0xFFFFE003, lr  }
0x1b: {  	s9 =	sadd.s32 $0xFFFFFEF7, lr;
	s5 =	simm.s32 $0xFFFFFFFF;
	p2 =	slt.u32 s8, $0xFFFFF086  }
0x1c: {  	p1 =	slt.u32 s9, $0xF7A;
	s5 =	simm.s32 @!p2 $0x0  }
0x1d: {  	s5 =	simm.s32 @p1 $0x1;
	p0 =	seq.s32 s7, s2  }
0x1e: {  	s7 =	smul.u32 @!p0 $0xF7A, s2;
	p2 =	seq.s32 @!p0 s5, $0x0  }
0x1f: {  	s9 =	smul.u32 $0xF7A, s1;
	s8 =	simm.s32 @!p0 $0x1BF5;
	p2 =	por !p2, p0  }
0x20: {  	[sflag:s8] =	ssyncset.s32 @!p0 $0xFFFFF086;
	s6 =	sadd.s32 @!p0 s3, s7;
	s7 =	simm.s32 @!p0 $0x108  }
0x21: {  	s3 =	sadd.s32 s3, s9;
	s6 =	sadd.s32 @!p0 $0x88, s6;
	s7 =	simm.s32 @p2 $0x1082  }
0x22: {  	[simem:s7], [sflag:s8] =	dma.local @!p0 [hbm:s6], $0xF7A  }
0x23: {  	s9 =	sor.u32 $0xD0000000, s2;
	s6 =	simm.s32 $0x108;
	_ =	swait.ge @!p0 [sflag:s8], $0x0  }
0x24: {  	s3 =	sadd.s32 $0x88, s3;
	s6 =	simm.s32 @!p1 $0x1082;
	[sflag:s4] =	ssyncset.s32 $0xFFFFF086  }
0x25: {  	[simem:s6], [sflag:s4] =	dma.local [hbm:s3], $0xF7A  }
0x26: {  	[smem:$0x3F9B] =	sst s1;
	(tag) =	ssettag s2;
	_ =	strace s9  }
0x27: {  	s1 =	sld [smem:$0x3FAB]  }
0x28: {  	s2 =	sld [smem:$0x3FAC]  }
0x29: {  	s4 =	sld [smem:$0x3FAE]  }
0x2a: {  	p0 =	seq.s32 s5, $0x0;
	s5 =	sld [smem:$0x3FAF]  }
0x2b: {  	s6 =	sld [smem:$0x3FB0]  }
0x2c: {  	s7 =	sld [smem:$0x3FB1]  }
0x2d: {  	s3 =	simm.s32 $0x108;
	s8 =	sld [smem:$0x3FB2]  }
0x2e: {  	s3 =	simm.s32 @!p0 $0x1082;
	s9 =	sld [smem:$0x3FB3]  }
0x2f: {  	lr =	sadd.s32 s0, s3;
	s0 =	sld [smem:$0x3FAA]  }
0x30: {  	s3 =	sld [smem:$0x3FAD]  }
0x31: {  	[smem:$0x3FB6] =	sst s10  }
0x32: {  	s10 =	sld [smem:$0x3FB4];
	_ =	sdelay $0x3  }
0x33: {  	p0 =	seq.s32 s10, $0x1;
	s10 =	sld [smem:$0x3FB6];
	_ =	sdelay $0x3  }
0x34: {  	[smem:$0x3FB6] =	sst s10  }
0x35: {  	s10 =	sld [smem:$0x3FB5];
	_ =	sdelay $0x3  }
0x36: {  	p1 =	seq.s32 s10, $0x1;
	s10 =	sld [smem:$0x3FB6];
	_ =	sdelay $0x3  }
0x37: {  	[smem:$0x3FB6] =	sst s10  }
0x38: {  	s10 =	sld [smem:$0x3FB7]  }
0x39: {  	_ = 	snop;
	(pc) =	sbr.ind lr, $3  }
0x3a: {  	_ = 	snop  }
0x3b: {  	_ = 	snop  }
0x3c: {  	p2 =	seq.s32 s10, $0x1;
	s10 =	sld [smem:$0x3FB6]  }
0x3d: {  	_ =	shalt  }
0x3e: {  	_ =	shalt  }
0x3f: {  	_ =	shalt  }
0x40: {  	_ =	shalt  }
0x41: {  	_ =	shalt  }
0x42: {  	_ =	shalt  }
0x43: {  	_ =	shalt  }
0x44: {  	_ =	shalt  }
0x45: {  	_ =	shalt  }
0x46: {  	_ =	shalt  }
0x47: {  	_ =	shalt  }
0x48: {  	_ =	shalt  }
0x49: {  	_ =	shalt  }
0x4a: {  	_ =	shalt  }
0x4b: {  	_ =	shalt  }
0x4c: {  	_ =	shalt  }
0x4d: {  	_ =	shalt  }
0x4e: {  	_ =	shalt  }
0x4f: {  	_ =	shalt  }
0x50: {  	_ =	shalt  }
0x51: {  	_ =	shalt  }
0x52: {  	_ =	shalt  }
0x53: {  	_ =	shalt  }
0x54: {  	_ =	shalt  }
0x55: {  	_ =	shalt  }
0x56: {  	_ =	shalt  }
0x57: {  	_ =	shalt  }
0x58: {  	_ =	shalt  }
0x59: {  	_ =	shalt  }
0x5a: {  	_ =	shalt  }
0x5b: {  	_ =	shalt  }
0x5c: {  	_ =	shalt  }
0x5d: {  	_ =	shalt  }
0x5e: {  	_ =	shalt  }
0x5f: {  	_ =	shalt  }
0x60: {  	_ =	shalt  }
0x61: {  	_ =	shalt  }
0x62: {  	_ =	shalt  }
0x63: {  	_ =	shalt  }
0x64: {  	_ =	shalt  }
0x65: {  	_ =	shalt  }
0x66: {  	_ =	shalt  }
0x67: {  	_ =	shalt  }
0x68: {  	_ =	shalt  }
0x69: {  	_ =	shalt  }
0x6a: {  	_ =	shalt  }
0x6b: {  	_ =	shalt  }
0x6c: {  	_ =	shalt  }
0x6d: {  	_ =	shalt  }
0x6e: {  	_ =	shalt  }
0x6f: {  	_ =	shalt  }
0x70: {  	_ =	shalt  }
0x71: {  	_ =	shalt  }
0x72: {  	_ =	shalt  }
0x73: {  	_ =	shalt  }
0x74: {  	_ =	shalt  }
0x75: {  	_ =	shalt  }
0x76: {  	_ =	shalt  }
0x77: {  	_ =	shalt  }
0x78: {  	_ =	shalt  }
0x79: {  	_ =	shalt  }
0x7a: {  	_ =	shalt  }
0x7b: {  	_ =	shalt  }
0x7c: {  	_ =	shalt  }
0x7d: {  	_ =	shalt  }
0x7e: {  	_ =	shalt  }
0x7f: {  	_ =	shalt  }
0x80: {  	_ =	shalt  }
0x81: {  	_ =	shalt  }
0x82: {  	_ =	shalt  }
0x83: {  	_ =	shalt  }
0x84: {  	_ =	shalt  }
0x85: {  	_ =	shalt  }
0x86: {  	_ =	shalt  }
0x87: {  	_ =	shalt  }
.Lfunc_end0:
.L_simem_size_0:
called_computation_lowered:
.L_overlay_start_0:
0x88: {  	s2 =	sld [smem:$0x3FD9]  }
0x89: {  	s3 =	sld [smem:$0x3FFE];
	_ =	sdelay $0x1  }
0x8a: {  	s1 =	srdreg.scid  }
0x8b: {  	s0 =	sand.u32 $0x1, s1  }
0x8c: {  	s17 =	sshll.u32 s0, $0xA;
	s2 =	sadd.s32 s3, s2  }
0x8d: {  	s2 =	sadd.s32 s2, s17  }
0x8e: {  	[smem:$0x3FC2] =	sst s2  }
0x8f: {  	_ = 	snop  }
0x90: {  	s2 =	sld [smem:$0x3FD0];
	(tm) =	ssettm $0x1  }
0x91: {  	s18 =	sld [smem:$0x3FFB];
	_ =	sdelay $0x3  }
0x92: {  	_ =	strace s18  }
0x93: {  	s3 =	sld [smem:$0x3FFC];
	_ =	sdelay $0x3  }
0x94: {  	_ =	strace s3  }
0x95: {  	s3 =	sld [smem:$0x3FFD];
	_ =	sdelay $0x3  }
0x96: {  	_ =	strace s3  }
0x97: {  	_ =	strace $0x8FFFFFFF  }
0x98: {  	s19 =	sld [smem:$0x3FDB];
	_ =	sdelay $0x1  }
0x99: {  	s4 =	simm.s32 $_scs_section_size  }
0x9a: {  	s5 =	simm.s32 $_size__tile_overlayer_lowered;
	s6 =	simm.s32 $_tile_overlayer_lowered  }
0x9b: {  	s22 =	simm.s32 $0x1BFF;
	s21 =	sshll.u32 s6, $0x1;
	s3 =	sadd.s32 s4, s19  }
0x9c: {  	s7 =	simm.s32 $0x0;
	s20 =	sshll.u32 s5, $0x1;
	s5 =	sadd.s32 s21, s3  }
0x9d: {  	[timem:s7], [sflag:s22] =	dma.local [hbm:s5], s20  }
0x9e: {  	_ =	swait.ge [sflag:s22], s20  }
0x9f: {  	s4 =	ssub.s32 $0x0, s20;
	[sflag:s22] =	ssyncset.done $0x0  }
0xa0: {  	[sflag:s22] =	ssyncadd.s32 s4;
	_ =	sdelay $0x1  }
0xa1: {  	s23 =	simm.s32 $0x1B8B  }
0xa2: {  	_ =	swait.ge [sflag:s23], $0x1  }
0xa3: {  	[sflag:s23] =	ssyncset.done $0x0  }
0xa4: {  	s25 =	simm.s32 $0x1B8E;
	s24 =	sld [smem:$0x3FFE];
	[sflag:s23] =	ssyncadd.s32 $0xFFFFFFFF  }
0xa5: {  	s26 =	simm.s32 $execute0_lowered;
	[smem:$0x3FD2] =	sst s25  }
0xa6: {  	s5 =	sshll.u32 s26, $0x1;
	_ =	strace $0x80000046;
	[dreg:$0x1] =	wrdreg $0xFFFFFFFF  }
0xa7: {  	s28 =	simm.s32 $_size_execute0_lowered;
	s3 =	sadd.s32 s3, s5;
	[dreg:$0x0] =	wrdreg $0x0  }
0xa8: {  	s5 =	sshll.u32 s28, $0x1;
	[dreg:$0x2] =	wrdreg s3  }
0xa9: {  	[dreg:$0x3] =	wrdreg s5  }
0xaa: {  	[dreg:$0x4] =	wrdreg $0xC0  }
0xab: {  	_ =	task [dreg:s7], $0x5FFFF  }
0xac: {  	[dreg:$0x1] =	wrdreg $0xFFFFFFFF  }
0xad: {  	[dreg:$0x0] =	wrdreg $0x60  }
0xae: {  	[dreg:$0x2] =	wrdreg s24  }
0xaf: {  	[dreg:$0x3] =	wrdreg s2  }
0xb0: {  	[dreg:$0x4] =	wrdreg $0x9  }
0xb1: {  	_ =	task.clear_ibuf [dreg:s7], $0x5FFFF;
	_ =	strace $0x90000046  }
0xb2: {  	s29 =	simm.s32 $0x9;
	_ =	strace $0x80000048  }
0xb3: {  	_ =	swait.ge [sflag:s29], $0x1  }
0xb4: {  	[sflag:s29] =	ssyncadd.s32 $0xFFFFFFFF  }
0xb5: {  	_ =	strace $0x90000048  }
0xb6: {  	_ =	sfence  }
0xb7: {  	s30 =	sld [smem:$0x0];
	_ =	sdelay $0x2  }
0xb8: {  	s31 =	sshll.u32 s1, $0xD;
	s1 =	sshrl.u32 s1, $0x2  }
0xb9: {  	s3 =	sand.u32 $0x4000, s31;
	s1 =	sadd.s32 s1, s30  }
0xba: {  	s0 =	sor.u32 s3, s0;
	s1 =	sshll.u32 s1, $0x11  }
0xbb: {  	s0 =	sor.u32 s1, s0  }
0xbc: {  	s0 =	sadd.s32 $0x8F2B, s0  }
0xbd: {  	[sflag:s0] =	ssyncadd.remote.s32 $0x1  }
0xbe: {  	_ =	sfence.sel $0xFFFF  }
0xbf: {  	[dreg:$0x0] =	wrdreg $0xFFFFFFFF;
	(pc) =	sbr.abs _section_cstart, $3  }
0xc0: {  	[dreg:$0x1] =	wrdreg $0xFFFFFFFF  }
0xc1: {  	_ =	task.clear_ibuf [dreg:s7], $0x2FFFF;
	_ =	strace $0x9FFFFFFF  }
0xc2: {  	(tm) =	ssettm $0x7FFFFFFF  }
0xc3: {  	_ =	shalt  }
tec
execute0_lowered:
.L_overlay_start_1:
0x0: {  	(tag) =	ssettag $0x1  }
0x1: {  	s3 =	rddreg [dreg:$0x0];
	s1 =	srdreg.scid  }
0x2: {  	s0 =	stileid.u32;
	s4 =	rddreg [dreg:$0x1];
	s9 =	simm.s32 $0x400  }
0x3: {  	s5 =	sand.u32 $0x1, s1;
	s2 =	sshll.u32 s0, $0x1;
	s8 =	sshrl.u32 s0, $0x2  }
0x4: {  	s1 =	rddreg [dreg:$0x2];
	s6 =	sor.u32 s5, s2;
	s8 =	smul.u32 $0x13C00, s8  }
0x5: {  	s2 =	simm.s32 $0x0;
	s5 =	ssub.s32 $0x2, s5;
	s7 =	smul.u32 $0x4E2, s6  }
0x6: {  	[smem:$0x7FF] =	sst s2;
	s6 =	sshll.u32 s6, $0x7;
	s31 =	sshrl.u32 s5, $0x1  }
0x7: {  	_ =	strace $0x80000047;
	s6 =	sand.u32 $0x380, s6;
	s5 =	ssub.s32 s5, s31  }
0x8: {  	s3 =	sadd.s32 s7, s3;
	s6 =	sor.u32 s8, s6;
	s5 =	smax.u32 s5, $0x1  }
0x9: {  	s7 =	simm.s32 $0x2780;
	s8 =	simm.s32 $0x80;
	s6 =	sshrl.u32 s6, $0x3  }
0xa: {  	v0 =	vimm.f32 $0.0e+00;
	v1 =	vimm.f32 $1.000000000e+00;
	s3 =	sadd.s32 $0xBC00, s3;
	s4 =	sadd.s32 s4, s6;
	s6 =	simm.s32 $0x1  }
.LBB2_1:
0xb: {  	s10 =	simm.s32 $0x40;
	s11 =	simm.s32 $0x0  }
.LBB2_2:
0xc: {  	p0 =	sne.s32 s10, $0x9C00;
	[tilespmem:s11+$0x2780] =	vst v0;
	s11 =	smov.u32 s10;
	s10 =	sadd.s32 $0x40, s10  }
.Ltmp0:
0xd: {  	(pc) =	sbr.rel @p0 .LBB2_2-.Ltmp0, $2  }
0xe: {  	_ =	sdelay $0x2  }
0xf: {  	s11 =	sshra.s32 s11, $0x2  }
0x10: {  	[tilespmem:s11+$0x2780] =	vst v0;
	s10 =	simm.s32 $0x0  }
0x11: {  	[tilespmem:s10], [sflag:$0x1] =	stream.linear.gather [hbm4b:s3+s10], $0x2710, $0x38;
	[tilespmem:$0x4F00] =	vst v63  }
0x12: {  	_ =	swait.ge [sflag:s6], $0x2710  }
0x13: {  	[sflag:s6] =	ssyncset.done $0x0  }
0x14: {  	s11 =	simm.s32 $0x0;
	s10 =	simm.s32 $0x40;
	[sflag:s6] =	ssyncadd.s32 $0xFFFFD8F0  }
.LBB2_4:
0x15: {  	p0 =	sne.s32 s10, $0x9C00;
	v2 =	vld [tilespmem:s11+$0x0];
	_ =	sdelay $0x3  }
.Ltmp1:
0x16: {  	(pc) =	sbr.rel @p0 .LBB2_4-.Ltmp1, $2  }
0x17: {  	_ =	sdelay $0x2  }
0x18: {  	s11 =	sshra.s32 s10, $0x2;
	s10 =	sadd.s32 $0x40, s10;
	[tilespmem:v2+s7+$0x0] =	vst.idx.add.f32.msk $0xffff, v1  }
0x19: {  	v2 =	vld [tilespmem:s11+$0x0];
	_ =	sdelay $0x5  }
0x1a: {  	s2 =	sadd.s32 $0x1, s2  }
0x1b: {  	p0 =	sne.s32 s2, s5  }
.Ltmp2:
0x1c: {  	[tilespmem:v2+s7+$0x0] =	vst.idx.add.f32.msk $0xffff, v1;
	(pc) =	sbr.rel @p0 .LBB2_1-.Ltmp2, $4  }
0x1d: {  	[hbm4b:s4+s8] =	stream.strided.scatter [tilespmem:s7], [sflag:$0x1], $0x2780, s9, s8, $0x38;
	[tilespmem:$0x4F00] =	vst v63  }
0x1e: {  	_ =	swait.ge [sflag:s6], $0x2780  }
0x1f: {  	[sflag:s6] =	ssyncset.done $0x0  }
0x20: {  	[sflag:s6] =	ssyncadd.s32 $0xFFFFD880  }
0x21: {  	_ =	sfence.sel $0x180000  }
0x22: {  	[bflag:$0x0] =	sbarrier.arrive $0xFFFF  }
0x23: {  	p0 =	sne.s32 s0, $0x0;
	_ =	strace $0x90000047  }
0x24: {  	s0 =	sadd.s32 @!p0 $0x100000, s1;
	[bflag:$0x2] =	sbarrier.arrive $0xFFFF  }
0x25: {  	[sflag:s0] =	ssyncadd.tile.s32 @!p0 $0x1;
	_ =	shalt  }
.Lfunc_end2:
_tile_overlayer_lowered:
.L_overlay_start_2:
0x26: {  	(tag) =	ssettag $0x2  }
0x27: {  	s0 =	rddreg [dreg:$0x0];
	s2 =	stileid.u32  }
0x28: {  	s1 =	rddreg [dreg:$0x1];
	p0 =	sne.s32 s2, $0x0  }
0x29: {  	s3 =	rddreg [dreg:$0x2];
	[bflag:$0x3] =	sbarrier.arrive $0xFFFF;
	s2 =	simm.s32 @!p0 $0x1C01  }
0x2a: {  	[timem:s3], [sflag:s2] =	dma.local @!p0 [hbm:s0], s1  }
0x2b: {  	s0 =	simm.s32 @!p0 $0x1  }
0x2c: {  	_ =	swait.ge @!p0 [sflag:s0], s1  }
0x2d: {  	s1 =	ssub.s32 @!p0 $0x0, s1;
	[sflag:s0] =	ssyncset.done @!p0 $0x0  }
0x2e: {  	[sflag:s0] =	ssyncadd.s32 @!p0 s1  }
0x2f: {  	[bflag:$0x3] =	sbarrier.arrive $0xFFFF  }
0x30: {  	_ =	shalt  }

</sc_bundles>
